<compile_context>
chip_gen: v7x
topology: tpu7x:2x2x1
jax: 0.10.2.dev20260603
libtpu: 0.0.44.dev20260713+nightly
codegen_flags: <defaults>
</compile_context>

<pallas_src>
import functools

import jax
import jax.numpy as jnp
from jax import lax
from jax.experimental import pallas as pl
from jax.experimental.pallas import tpu as pltpu
from jax.experimental.pallas import tpu_sc as plsc

_N = 10000
_E = 320000
_D = 128
_G = 64

_NC = 2
_NS = 16
_NW = _NC * _NS
_EPW = _E // _NW
_B = 128
_NCHUNK = _EPW // _B
_TAIL = _EPW - _NCHUNK * _B
_NP = 10240
_RPS = _NP // _NS


def _sc_mesh():
    return plsc.VectorSubcoreMesh(core_axis_name="c", subcore_axis_name="s")


@functools.partial(
    pl.kernel,
    out_type=jax.ShapeDtypeStruct((_NW * _N,), jnp.float32),
    mesh=_sc_mesh(),
    scratch_types=[
        pltpu.VMEM((_EPW,), jnp.int32),
        pltpu.VMEM((_N,), jnp.float32),
    ],
    compiler_params=pltpu.CompilerParams(needs_layout_passes=False),
)
def _deg_kernel(dst_hbm, out_hbm, idx_v, deg_v):
    cid = lax.axis_index("c")
    sid = lax.axis_index("s")
    wid = sid * _NC + cid

    zeros16 = jnp.zeros((16,), jnp.float32)

    def _zero(i, c):
        deg_v[pl.ds(i * 16, 16)] = zeros16
        return c

    lax.fori_loop(0, _N // 16, _zero, 0, unroll=8)

    pltpu.sync_copy(dst_hbm.at[pl.ds(wid * _EPW, _EPW)], idx_v)

    ones16 = jnp.ones((16,), jnp.float32)

    def _acc(k, c):
        idx = idx_v[pl.ds(k * 16, 16)]
        plsc.addupdate_scatter(deg_v, [idx], ones16)
        return c

    lax.fori_loop(0, _EPW // 16, _acc, 0, unroll=8)

    pltpu.sync_copy(deg_v, out_hbm.at[pl.ds(wid * _N, _N)])


def _make_agg(F, tc_tiling=True):
    @functools.partial(
        pl.kernel,
        out_type=jax.ShapeDtypeStruct((_NC, _NP, F), jnp.float32),
        mesh=_sc_mesh(),
        scratch_types=[
            pltpu.VMEM((_EPW,), jnp.int32),
            pltpu.VMEM((_B,), jnp.int32),
            pltpu.VMEM((_B,), jnp.int32),
            pltpu.VMEM((_TAIL,), jnp.int32),
            pltpu.VMEM((_B, F), jnp.float32),
            pltpu.VMEM((_B, F), jnp.float32),
            pltpu.VMEM((_TAIL, F), jnp.float32),
            pltpu.VMEM_SHARED((_NP, F), jnp.float32),
            pltpu.SemaphoreType.DMA,
            pltpu.SemaphoreType.DMA,
            pltpu.SemaphoreType.DMA,
            pltpu.SemaphoreType.DMA,
            pltpu.SemaphoreType.DMA,
            pltpu.SemaphoreType.DMA,
        ],
        compiler_params=pltpu.CompilerParams(
            needs_layout_passes=False, use_tc_tiling_on_sc=tc_tiling),
    )
    def _agg(p_hbm, src_hbm, dst_hbm, out_hbm,
             srcall, didxA, didxB, didxT, rowsA, rowsB, rowsT, acc,
             gsemA, gsemB, ssemA, ssemB, isemA, isemB):
        cid = lax.axis_index("c")
        sid = lax.axis_index("s")
        wid = sid * _NC + cid

        base = wid * _EPW
        pltpu.async_copy(src_hbm.at[pl.ds(base, _EPW)], srcall, gsemB)
        zero16 = jnp.zeros((16,), jnp.float32)
        for r in range(_TAIL):
            for k in range(F // 16):
                rowsT[r, pl.ds(k * 16, 16)] = zero16

        def _zf(t, c):
            pltpu.async_copy(
                rowsT, acc.at[pl.ds(sid * _RPS + t * _TAIL, _TAIL)], ssemA)
            return c

        lax.fori_loop(0, _RPS // _TAIL, _zf, 0)

        def _zw(t, c):
            pltpu.make_async_copy(
                rowsT, acc.at[pl.ds(sid * _RPS, _TAIL)], ssemA).wait()
            return c

        lax.fori_loop(0, _RPS // _TAIL, _zw, 0)
        pltpu.make_async_copy(
            src_hbm.at[pl.ds(0, _EPW)], srcall, gsemB).wait()
        plsc.subcore_barrier()

        def _idx_start(c, didx, isem):
            pltpu.async_copy(dst_hbm.at[pl.ds(base + c * _B, _B)], didx, isem)

        def _idx_wait(didx, isem):
            pltpu.make_async_copy(dst_hbm.at[pl.ds(0, _B)], didx, isem).wait()

        def _gather(c, rows, gsem):
            pltpu.async_copy(p_hbm.at[srcall.at[pl.ds(c * _B, _B)]], rows, gsem)

        def _wait_gather(rows, gsem):
            pltpu.make_async_copy(p_hbm.at[srcall.at[pl.ds(0, _B)]], rows, gsem).wait()

        def _scatter(rows, didx, ssem):
            pltpu.async_copy(rows, acc.at[didx], ssem, add=True)

        def _wait_scatter(rows, didx, ssem):
            pltpu.make_async_copy(rows, acc.at[didx], ssem).wait()

        _idx_start(0, didxA, isemA)
        _gather(0, rowsA, gsemA)

        def _pair(t, carry):
            c0 = 2 * t

            @pl.when(t > 0)
            def _():
                _wait_scatter(rowsB, didxB, ssemB)

            _idx_start(c0 + 1, didxB, isemB)
            _gather(c0 + 1, rowsB, gsemB)
            _wait_gather(rowsA, gsemA)
            _idx_wait(didxA, isemA)
            _scatter(rowsA, didxA, ssemA)

            _wait_scatter(rowsA, didxA, ssemA)
            _idx_start(c0 + 2, didxA, isemA)
            _gather(c0 + 2, rowsA, gsemA)
            _wait_gather(rowsB, gsemB)
            _idx_wait(didxB, isemB)
            _scatter(rowsB, didxB, ssemB)
            return carry

        lax.fori_loop(0, _NCHUNK // 2 - 1, _pair, 0)

        c_last = _NCHUNK - 1
        _wait_scatter(rowsB, didxB, ssemB)
        _idx_start(c_last, didxB, isemB)
        _gather(c_last, rowsB, gsemB)
        _wait_gather(rowsA, gsemA)
        _idx_wait(didxA, isemA)
        _scatter(rowsA, didxA, ssemA)
        _wait_scatter(rowsA, didxA, ssemA)

        tb = _NCHUNK * _B
        pltpu.sync_copy(dst_hbm.at[pl.ds(base + tb, _TAIL)], didxT)
        pltpu.async_copy(p_hbm.at[srcall.at[pl.ds(tb, _TAIL)]], rowsT, gsemA)
        pltpu.make_async_copy(p_hbm.at[srcall.at[pl.ds(0, _TAIL)]], rowsT, gsemA).wait()
        pltpu.async_copy(rowsT, acc.at[didxT], ssemA, add=True)

        _wait_gather(rowsB, gsemB)
        _idx_wait(didxB, isemB)
        _scatter(rowsB, didxB, ssemB)
        pltpu.make_async_copy(rowsT, acc.at[didxT], ssemA).wait()
        _wait_scatter(rowsB, didxB, ssemB)

        plsc.subcore_barrier()
        pltpu.sync_copy(
            acc.at[pl.ds(sid * _RPS, _RPS)],
            out_hbm.at[cid, pl.ds(sid * _RPS, _RPS)],
        )

    return _agg


_agg64 = _make_agg(64, tc_tiling=False)
_agg128 = _make_agg(128)


def _prep1_body(degp_ref, x_ref, w1_ref, g_ref, p1_ref):
    deg = jnp.sum(degp_ref[...], axis=0) + 1.0
    g = lax.rsqrt(deg)
    g_ref[...] = g[:, None]
    hw = jnp.dot(x_ref[...], w1_ref[...], preferred_element_type=jnp.float32)
    p1_ref[...] = hw * g[:, None]


_prep1 = pl.pallas_call(
    _prep1_body,
    out_shape=(
        jax.ShapeDtypeStruct((_N, 1), jnp.float32),
        jax.ShapeDtypeStruct((_N, 64), jnp.float32),
    ),
)


def _mid_body(s1_ref, p1_ref, g_ref, b1_ref, w2_ref, p2_ref):
    g = g_ref[...]
    s1 = s1_ref[...]
    s = s1[0, :_N] + s1[1, :_N] + p1_ref[...]
    h = jnp.maximum(g * s + b1_ref[...], 0.0)
    p2_ref[...] = jnp.dot(h, w2_ref[...], preferred_element_type=jnp.float32) * g


_mid = pl.pallas_call(
    _mid_body,
    out_shape=jax.ShapeDtypeStruct((_N, 128), jnp.float32),
)


def _final_body(s2_ref, p2_ref, g_ref, b2_ref, batch_ref, wh_ref, bh_ref, out_ref):
    g = g_ref[...]
    s2 = s2_ref[...]
    h = jnp.maximum(g * (s2[0, :_N] + s2[1, :_N] + p2_ref[...]) + b2_ref[...], 0.0)
    b = batch_ref[...]
    gid = lax.broadcasted_iota(jnp.int32, (_G, _N), 0)
    onehot = (b[None, :] == gid).astype(jnp.float32)
    sums = jnp.dot(onehot, h, preferred_element_type=jnp.float32)
    counts = jnp.sum(onehot, axis=1)
    pooled = sums / jnp.maximum(counts, 1.0)[:, None]
    out_ref[...] = (
        jnp.dot(pooled, wh_ref[...], preferred_element_type=jnp.float32) + bh_ref[...]
    )


_final = pl.pallas_call(
    _final_body,
    out_shape=jax.ShapeDtypeStruct((_G, 3), jnp.float32),
)


def kernel(x, edge_index, batch, W1, b1, W2, b2,
           W_logS, b_logS, W_logP, b_logP, W_nrar, b_nrar):
    src = edge_index[0].astype(jnp.int32)
    dst = edge_index[1].astype(jnp.int32)
    batch = batch.astype(jnp.int32)

    deg_parts = _deg_kernel(dst).reshape(_NW, _N)
    g, p1 = _prep1(deg_parts, x, W1)

    s1 = _agg64(p1, src, dst)
    p2 = _mid(s1, p1, g, b1, W2)

    s2 = _agg128(p2, src, dst)

    wh = jnp.concatenate([W_logS, W_logP, W_nrar], axis=1)
    bh = jnp.concatenate([b_logS, b_logP, b_nrar])
    return _final(s2, p2, g, b2, batch, wh, bh)

# --- scband reference (transcript-rebuilt; emitter-appended) ---
"""Pipeline reference for scband-multi-task-gnn-472446402722 (READ-ONLY COPY).

The authoritative reference and input builder live on the scoring server;
editing this copy changes nothing except your own understanding.
"""

import jax, jax.numpy as jnp
import numpy as np

N = 10000
E = 320000
D = 128
G = 64


def setup_inputs(seed: int = 0) -> dict:
    key = jax.random.key(seed)
    ks = jax.random.split(key, 16)
    x = jax.random.normal(ks[0], (N, D), dtype=jnp.float32)
    edge_index = jax.random.randint(ks[1], (2, E), 0, N)
    batch = jnp.sort(jax.random.randint(ks[2], (N,), 0, G))
    # GCNConv weights (glorot-ish scale) and biases
    W1 = jax.random.normal(ks[3], (D, 64), dtype=jnp.float32) * (1.0 / np.sqrt(D))
    b1 = jnp.zeros((64,), dtype=jnp.float32)
    W2 = jax.random.normal(ks[4], (64, 128), dtype=jnp.float32) * (1.0 / np.sqrt(64))
    b2 = jnp.zeros((128,), dtype=jnp.float32)
    W_logS = jax.random.normal(ks[5], (128, 1), dtype=jnp.float32) * (1.0 / np.sqrt(128))
    b_logS = jnp.zeros((1,), dtype=jnp.float32)
    W_logP = jax.random.normal(ks[6], (128, 1), dtype=jnp.float32) * (1.0 / np.sqrt(128))
    b_logP = jnp.zeros((1,), dtype=jnp.float32)
    W_nrar = jax.random.normal(ks[7], (128, 1), dtype=jnp.float32) * (1.0 / np.sqrt(128))
    b_nrar = jnp.zeros((1,), dtype=jnp.float32)
    return {"x": x, "edge_index": edge_index, "batch": batch,
            "W1": W1, "b1": b1, "W2": W2, "b2": b2,
            "W_logS": W_logS, "b_logS": b_logS,
            "W_logP": W_logP, "b_logP": b_logP,
            "W_nrar": W_nrar, "b_nrar": b_nrar}


def _gcn_conv(h, edge_index, W, b):
    # GCNConv with added self-loops and symmetric normalization:
    # out = D^{-1/2} (A + I) D^{-1/2} (h W) + b
    n = h.shape[0]
    loop = jnp.arange(n)
    src = jnp.concatenate([edge_index[0], loop])
    dst = jnp.concatenate([edge_index[1], loop])
    deg = jnp.zeros((n,), h.dtype).at[dst].add(1.0)
    dinv = jax.lax.rsqrt(jnp.maximum(deg, 1.0))
    norm = dinv[src] * dinv[dst]
    hw = h @ W
    msg = hw[src] * norm[:, None]
    out = jnp.zeros((n, W.shape[1]), h.dtype).at[dst].add(msg)
    return out + b


def reference(x, edge_index, batch, W1, b1, W2, b2,
              W_logS, b_logS, W_logP, b_logP, W_nrar, b_nrar):
    h = jax.nn.relu(_gcn_conv(x, edge_index, W1, b1))
    h = jax.nn.relu(_gcn_conv(h, edge_index, W2, b2))
    # global_mean_pool over graph ids in `batch`
    counts = jnp.zeros((G,), h.dtype).at[batch].add(1.0)
    sums = jnp.zeros((G, h.shape[1]), h.dtype).at[batch].add(h)
    pooled = sums / jnp.maximum(counts, 1.0)[:, None]
    logS = (pooled @ W_logS + b_logS)[:, 0]
    logP = (pooled @ W_logP + b_logP)[:, 0]
    nrar = (pooled @ W_nrar + b_nrar)[:, 0]
    # dict {'logS','logP','nrar_logits'} stacked into a single array [G, 3]
    return jnp.stack([logS, logP, nrar], axis=-1)

if __name__ == "__main__":
    import jax
    _d = setup_inputs()
    print(jax.jit(kernel)(*tuple(_d.values())))

</pallas_src>

<mosaic_0001>
#map = affine_map<(d0, d1) -> (0)>
module attributes {stable_mosaic.version = 14 : i64} {
  func.func @_deg_kernel(%arg0: i32, %arg1: i32, %arg2: memref<320000xi32, #tpu.memory_space<hbm>>, %arg3: memref<320000xf32, #tpu.memory_space<hbm>>, %arg4: memref<10000xi32, #tpu.memory_space<vmem>>, %arg5: memref<10000xf32, #tpu.memory_space<vmem>>) attributes {dimension_semantics = [#tpu.dimension_semantics<core_parallel>, #tpu.dimension_semantics<subcore_parallel>], iteration_bounds = array<i64: 2, 16>, scalar_prefetch = 0 : i64, scratch_operands = 2 : i64, tpu.core_type = #tpu.core_type<sc_vector_subcore>, window_params = [{transform_indices = #map}, {transform_indices = #map}]} {
    %mul3A = arith.constant 2 : i32
    %mul3A_0 = arith.muli %arg1, %mul3A : i32
    %add3A = arith.addi %mul3A_0, %arg0 : i32
    %broadcast_in_dim3A = arith.constant 0.000000e+00 : f32
    %broadcast_in_dim3A_1 = vector.broadcast %broadcast_in_dim3A : f32 to vector<16xf32>
    %scan3A = arith.constant 0 : i32
    %scan3A_2 = arith.constant 0 : i32
    %scan3A_3 = arith.constant 624 : i32
    %scan3A_4 = arith.addi %scan3A_2, %scan3A_3 : i32
    %scan3A_5 = arith.constant 8 : i32
    scf.for %scan3A_29 = %scan3A_2 to %scan3A_4 step %scan3A_5  : i32 {
      %mul3A_30 = arith.constant 16 : i32
      %mul3A_31 = arith.muli %scan3A_29, %mul3A_30 : i32
      %swap3A_32 = arith.index_cast %mul3A_31 : i32 to index
      %swap3A_33 = tpu.vector_load %arg5[%swap3A_32] {strides = array<i32>} : memref<10000xf32, #tpu.memory_space<vmem>>, vector<16xf32>,
      tpu.vector_store %arg5[%swap3A_32], %broadcast_in_dim3A_1 {strides = array<i32>} : memref<10000xf32, #tpu.memory_space<vmem>>, vector<16xf32>,
      %scan3A_34 = arith.constant 1 : i32
      %scan3A_35 = arith.addi %scan3A_29, %scan3A_34 : i32
      %mul3A_36 = arith.constant 16 : i32
      %mul3A_37 = arith.muli %scan3A_35, %mul3A_36 : i32
      %swap3A_38 = arith.index_cast %mul3A_37 : i32 to index
      %swap3A_39 = tpu.vector_load %arg5[%swap3A_38] {strides = array<i32>} : memref<10000xf32, #tpu.memory_space<vmem>>, vector<16xf32>,
      tpu.vector_store %arg5[%swap3A_38], %broadcast_in_dim3A_1 {strides = array<i32>} : memref<10000xf32, #tpu.memory_space<vmem>>, vector<16xf32>,
      %scan3A_40 = arith.constant 2 : i32
      %scan3A_41 = arith.addi %scan3A_29, %scan3A_40 : i32
      %mul3A_42 = arith.constant 16 : i32
      %mul3A_43 = arith.muli %scan3A_41, %mul3A_42 : i32
      %swap3A_44 = arith.index_cast %mul3A_43 : i32 to index
      %swap3A_45 = tpu.vector_load %arg5[%swap3A_44] {strides = array<i32>} : memref<10000xf32, #tpu.memory_space<vmem>>, vector<16xf32>,
      tpu.vector_store %arg5[%swap3A_44], %broadcast_in_dim3A_1 {strides = array<i32>} : memref<10000xf32, #tpu.memory_space<vmem>>, vector<16xf32>,
      %scan3A_46 = arith.constant 3 : i32
      %scan3A_47 = arith.addi %scan3A_29, %scan3A_46 : i32
      %mul3A_48 = arith.constant 16 : i32
      %mul3A_49 = arith.muli %scan3A_47, %mul3A_48 : i32
      %swap3A_50 = arith.index_cast %mul3A_49 : i32 to index
      %swap3A_51 = tpu.vector_load %arg5[%swap3A_50] {strides = array<i32>} : memref<10000xf32, #tpu.memory_space<vmem>>, vector<16xf32>,
      tpu.vector_store %arg5[%swap3A_50], %broadcast_in_dim3A_1 {strides = array<i32>} : memref<10000xf32, #tpu.memory_space<vmem>>, vector<16xf32>,
      %scan3A_52 = arith.constant 4 : i32
      %scan3A_53 = arith.addi %scan3A_29, %scan3A_52 : i32
      %mul3A_54 = arith.constant 16 : i32
      %mul3A_55 = arith.muli %scan3A_53, %mul3A_54 : i32
      %swap3A_56 = arith.index_cast %mul3A_55 : i32 to index
      %swap3A_57 = tpu.vector_load %arg5[%swap3A_56] {strides = array<i32>} : memref<10000xf32, #tpu.memory_space<vmem>>, vector<16xf32>,
      tpu.vector_store %arg5[%swap3A_56], %broadcast_in_dim3A_1 {strides = array<i32>} : memref<10000xf32, #tpu.memory_space<vmem>>, vector<16xf32>,
      %scan3A_58 = arith.constant 5 : i32
      %scan3A_59 = arith.addi %scan3A_29, %scan3A_58 : i32
      %mul3A_60 = arith.constant 16 : i32
      %mul3A_61 = arith.muli %scan3A_59, %mul3A_60 : i32
      %swap3A_62 = arith.index_cast %mul3A_61 : i32 to index
      %swap3A_63 = tpu.vector_load %arg5[%swap3A_62] {strides = array<i32>} : memref<10000xf32, #tpu.memory_space<vmem>>, vector<16xf32>,
      tpu.vector_store %arg5[%swap3A_62], %broadcast_in_dim3A_1 {strides = array<i32>} : memref<10000xf32, #tpu.memory_space<vmem>>, vector<16xf32>,
      %scan3A_64 = arith.constant 6 : i32
      %scan3A_65 = arith.addi %scan3A_29, %scan3A_64 : i32
      %mul3A_66 = arith.constant 16 : i32
      %mul3A_67 = arith.muli %scan3A_65, %mul3A_66 : i32
      %swap3A_68 = arith.index_cast %mul3A_67 : i32 to index
      %swap3A_69 = tpu.vector_load %arg5[%swap3A_68] {strides = array<i32>} : memref<10000xf32, #tpu.memory_space<vmem>>, vector<16xf32>,
      tpu.vector_store %arg5[%swap3A_68], %broadcast_in_dim3A_1 {strides = array<i32>} : memref<10000xf32, #tpu.memory_space<vmem>>, vector<16xf32>,
      %scan3A_70 = arith.constant 7 : i32
      %scan3A_71 = arith.addi %scan3A_29, %scan3A_70 : i32
      %mul3A_72 = arith.constant 16 : i32
      %mul3A_73 = arith.muli %scan3A_71, %mul3A_72 : i32
      %swap3A_74 = arith.index_cast %mul3A_73 : i32 to index
      %swap3A_75 = tpu.vector_load %arg5[%swap3A_74] {strides = array<i32>} : memref<10000xf32, #tpu.memory_space<vmem>>, vector<16xf32>,
      tpu.vector_store %arg5[%swap3A_74], %broadcast_in_dim3A_1 {strides = array<i32>} : memref<10000xf32, #tpu.memory_space<vmem>>, vector<16xf32>,
    }
    %scan3A_6 = arith.constant 624 : i32
    %scan3A_7 = arith.addi %scan3A_2, %scan3A_6 : i32
    %mul3A_8 = arith.constant 16 : i32
    %mul3A_9 = arith.muli %scan3A_7, %mul3A_8 : i32
    %swap3A = arith.index_cast %mul3A_9 : i32 to index
    %swap3A_10 = tpu.vector_load %arg5[%swap3A] {strides = array<i32>} : memref<10000xf32, #tpu.memory_space<vmem>>, vector<16xf32>,
    tpu.vector_store %arg5[%swap3A], %broadcast_in_dim3A_1 {strides = array<i32>} : memref<10000xf32, #tpu.memory_space<vmem>>, vector<16xf32>,
    %scan3A_11 = arith.constant 625 : i32
    %mul3A_12 = arith.constant 10000 : i32
    %mul3A_13 = arith.muli %add3A, %mul3A_12 : i32
    "tpu.region"() ({
      %run_scoped3A = tpu.sem_alloc : memref<!tpu.dma_semaphore, #tpu.memory_space<semaphore_mem>>
      %dma_start3A = tpu.memref_slice %arg2[%mul3A_13] : memref<320000xi32, #tpu.memory_space<hbm>> -> memref<10000xi32, #tpu.memory_space<hbm>>
      %dma_start3A_29 = tpu.memref_slice %arg2[%mul3A_13] : memref<320000xi32, #tpu.memory_space<hbm>> -> memref<10000xi32, #tpu.memory_space<hbm>>
      tpu.enqueue_dma source(%dma_start3A_29 : memref<10000xi32, #tpu.memory_space<hbm>>) target(%arg4 : memref<10000xi32, #tpu.memory_space<vmem>>) target_semaphore(%run_scoped3A : memref<!tpu.dma_semaphore, #tpu.memory_space<semaphore_mem>>)
      %dma_wait3A = tpu.memref_slice %arg2[%mul3A_13] : memref<320000xi32, #tpu.memory_space<hbm>> -> memref<10000xi32, #tpu.memory_space<hbm>>
      %dma_wait3A_30 = tpu.memref_slice %arg2[%mul3A_13] : memref<320000xi32, #tpu.memory_space<hbm>> -> memref<10000xi32, #tpu.memory_space<hbm>>
      tpu.wait_dma2 semaphore(%run_scoped3A : memref<!tpu.dma_semaphore, #tpu.memory_space<semaphore_mem>>) src(%dma_wait3A_30 : memref<10000xi32, #tpu.memory_space<hbm>>) dst(%arg4 : memref<10000xi32, #tpu.memory_space<vmem>>)
      tpu.yield
    }) : () -> ()
    %broadcast_in_dim3A_14 = arith.constant 1.000000e+00 : f32
    %broadcast_in_dim3A_15 = vector.broadcast %broadcast_in_dim3A_14 : f32 to vector<16xf32>
    %scan3A_16 = arith.constant 0 : i32
    %scan3A_17 = arith.constant 0 : i32
    %scan3A_18 = arith.constant 624 : i32
    %scan3A_19 = arith.addi %scan3A_17, %scan3A_18 : i32
    %scan3A_20 = arith.constant 8 : i32
    scf.for %scan3A_29 = %scan3A_17 to %scan3A_19 step %scan3A_20  : i32 {
      %mul3A_30 = arith.constant 16 : i32
      %mul3A_31 = arith.muli %scan3A_29, %mul3A_30 : i32
      %get3A_32 = arith.index_cast %mul3A_31 : i32 to index
      %get3A_33 = tpu.vector_load %arg4[%get3A_32] {strides = array<i32>} : memref<10000xi32, #tpu.memory_space<vmem>>, vector<16xi32>,
      tpu.vector_store_idx %arg5[%get3A_33], %broadcast_in_dim3A_15 {add = true} : memref<10000xf32, #tpu.memory_space<vmem>>[vector<16xi32>], vector<16xf32>,
      %scan3A_34 = arith.constant 1 : i32
      %scan3A_35 = arith.addi %scan3A_29, %scan3A_34 : i32
      %mul3A_36 = arith.constant 16 : i32
      %mul3A_37 = arith.muli %scan3A_35, %mul3A_36 : i32
      %get3A_38 = arith.index_cast %mul3A_37 : i32 to index
      %get3A_39 = tpu.vector_load %arg4[%get3A_38] {strides = array<i32>} : memref<10000xi32, #tpu.memory_space<vmem>>, vector<16xi32>,
      tpu.vector_store_idx %arg5[%get3A_39], %broadcast_in_dim3A_15 {add = true} : memref<10000xf32, #tpu.memory_space<vmem>>[vector<16xi32>], vector<16xf32>,
      %scan3A_40 = arith.constant 2 : i32
      %scan3A_41 = arith.addi %scan3A_29, %scan3A_40 : i32
      %mul3A_42 = arith.constant 16 : i32
      %mul3A_43 = arith.muli %scan3A_41, %mul3A_42 : i32
      %get3A_44 = arith.index_cast %mul3A_43 : i32 to index
      %get3A_45 = tpu.vector_load %arg4[%get3A_44] {strides = array<i32>} : memref<10000xi32, #tpu.memory_space<vmem>>, vector<16xi32>,
      tpu.vector_store_idx %arg5[%get3A_45], %broadcast_in_dim3A_15 {add = true} : memref<10000xf32, #tpu.memory_space<vmem>>[vector<16xi32>], vector<16xf32>,
      %scan3A_46 = arith.constant 3 : i32
      %scan3A_47 = arith.addi %scan3A_29, %scan3A_46 : i32
      %mul3A_48 = arith.constant 16 : i32
      %mul3A_49 = arith.muli %scan3A_47, %mul3A_48 : i32
      %get3A_50 = arith.index_cast %mul3A_49 : i32 to index
      %get3A_51 = tpu.vector_load %arg4[%get3A_50] {strides = array<i32>} : memref<10000xi32, #tpu.memory_space<vmem>>, vector<16xi32>,
      tpu.vector_store_idx %arg5[%get3A_51], %broadcast_in_dim3A_15 {add = true} : memref<10000xf32, #tpu.memory_space<vmem>>[vector<16xi32>], vector<16xf32>,
      %scan3A_52 = arith.constant 4 : i32
      %scan3A_53 = arith.addi %scan3A_29, %scan3A_52 : i32
      %mul3A_54 = arith.constant 16 : i32
      %mul3A_55 = arith.muli %scan3A_53, %mul3A_54 : i32
      %get3A_56 = arith.index_cast %mul3A_55 : i32 to index
      %get3A_57 = tpu.vector_load %arg4[%get3A_56] {strides = array<i32>} : memref<10000xi32, #tpu.memory_space<vmem>>, vector<16xi32>,
      tpu.vector_store_idx %arg5[%get3A_57], %broadcast_in_dim3A_15 {add = true} : memref<10000xf32, #tpu.memory_space<vmem>>[vector<16xi32>], vector<16xf32>,
      %scan3A_58 = arith.constant 5 : i32
      %scan3A_59 = arith.addi %scan3A_29, %scan3A_58 : i32
      %mul3A_60 = arith.constant 16 : i32
      %mul3A_61 = arith.muli %scan3A_59, %mul3A_60 : i32
      %get3A_62 = arith.index_cast %mul3A_61 : i32 to index
      %get3A_63 = tpu.vector_load %arg4[%get3A_62] {strides = array<i32>} : memref<10000xi32, #tpu.memory_space<vmem>>, vector<16xi32>,
      tpu.vector_store_idx %arg5[%get3A_63], %broadcast_in_dim3A_15 {add = true} : memref<10000xf32, #tpu.memory_space<vmem>>[vector<16xi32>], vector<16xf32>,
      %scan3A_64 = arith.constant 6 : i32
      %scan3A_65 = arith.addi %scan3A_29, %scan3A_64 : i32
      %mul3A_66 = arith.constant 16 : i32
      %mul3A_67 = arith.muli %scan3A_65, %mul3A_66 : i32
      %get3A_68 = arith.index_cast %mul3A_67 : i32 to index
      %get3A_69 = tpu.vector_load %arg4[%get3A_68] {strides = array<i32>} : memref<10000xi32, #tpu.memory_space<vmem>>, vector<16xi32>,
      tpu.vector_store_idx %arg5[%get3A_69], %broadcast_in_dim3A_15 {add = true} : memref<10000xf32, #tpu.memory_space<vmem>>[vector<16xi32>], vector<16xf32>,
      %scan3A_70 = arith.constant 7 : i32
      %scan3A_71 = arith.addi %scan3A_29, %scan3A_70 : i32
      %mul3A_72 = arith.constant 16 : i32
      %mul3A_73 = arith.muli %scan3A_71, %mul3A_72 : i32
      %get3A_74 = arith.index_cast %mul3A_73 : i32 to index
      %get3A_75 = tpu.vector_load %arg4[%get3A_74] {strides = array<i32>} : memref<10000xi32, #tpu.memory_space<vmem>>, vector<16xi32>,
      tpu.vector_store_idx %arg5[%get3A_75], %broadcast_in_dim3A_15 {add = true} : memref<10000xf32, #tpu.memory_space<vmem>>[vector<16xi32>], vector<16xf32>,
    }
    %scan3A_21 = arith.constant 624 : i32
    %scan3A_22 = arith.addi %scan3A_17, %scan3A_21 : i32
    %mul3A_23 = arith.constant 16 : i32
    %mul3A_24 = arith.muli %scan3A_22, %mul3A_23 : i32
    %get3A = arith.index_cast %mul3A_24 : i32 to index
    %get3A_25 = tpu.vector_load %arg4[%get3A] {strides = array<i32>} : memref<10000xi32, #tpu.memory_space<vmem>>, vector<16xi32>,
    tpu.vector_store_idx %arg5[%get3A_25], %broadcast_in_dim3A_15 {add = true} : memref<10000xf32, #tpu.memory_space<vmem>>[vector<16xi32>], vector<16xf32>,
    %scan3A_26 = arith.constant 625 : i32
    %mul3A_27 = arith.constant 10000 : i32
    %mul3A_28 = arith.muli %add3A, %mul3A_27 : i32
    "tpu.region"() ({
      %run_scoped3A = tpu.sem_alloc : memref<!tpu.dma_semaphore, #tpu.memory_space<semaphore_mem>>
      %dma_start3A = tpu.memref_slice %arg3[%mul3A_28] : memref<320000xf32, #tpu.memory_space<hbm>> -> memref<10000xf32, #tpu.memory_space<hbm>>
      %dma_start3A_29 = tpu.memref_slice %arg3[%mul3A_28] : memref<320000xf32, #tpu.memory_space<hbm>> -> memref<10000xf32, #tpu.memory_space<hbm>>
      tpu.enqueue_dma source(%arg5 : memref<10000xf32, #tpu.memory_space<vmem>>) target(%dma_start3A_29 : memref<10000xf32, #tpu.memory_space<hbm>>) target_semaphore(%run_scoped3A : memref<!tpu.dma_semaphore, #tpu.memory_space<semaphore_mem>>)
      %dma_wait3A = tpu.memref_slice %arg3[%mul3A_28] : memref<320000xf32, #tpu.memory_space<hbm>> -> memref<10000xf32, #tpu.memory_space<hbm>>
      %dma_wait3A_30 = tpu.memref_slice %arg3[%mul3A_28] : memref<320000xf32, #tpu.memory_space<hbm>> -> memref<10000xf32, #tpu.memory_space<hbm>>
      tpu.wait_dma2 semaphore(%run_scoped3A : memref<!tpu.dma_semaphore, #tpu.memory_space<semaphore_mem>>) src(%arg5 : memref<10000xf32, #tpu.memory_space<vmem>>) dst(%dma_wait3A_30 : memref<10000xf32, #tpu.memory_space<hbm>>)
      tpu.yield
    }) : () -> ()
    return
  }
}

#map = affine_map<(d0, d1) -> (0, 0)>
#map1 = affine_map<(d0, d1) -> (0)>
#map2 = affine_map<(d0, d1) -> (0, 0, 0)>
module attributes {stable_mosaic.version = 14 : i64} {
  func.func @_agg(%arg0: i32, %arg1: i32, %arg2: memref<10000x64xf32, #tpu.memory_space<hbm>>, %arg3: memref<320000xi32, #tpu.memory_space<hbm>>, %arg4: memref<320000xi32, #tpu.memory_space<hbm>>, %arg5: memref<2x10240x64xf32, #tpu.memory_space<hbm>>, %arg6: memref<10000xi32, #tpu.memory_space<vmem>>, %arg7: memref<128xi32, #tpu.memory_space<vmem>>, %arg8: memref<128xi32, #tpu.memory_space<vmem>>, %arg9: memref<16xi32, #tpu.memory_space<vmem>>, %arg10: memref<128x64xf32, #tpu.memory_space<vmem>>, %arg11: memref<128x64xf32, #tpu.memory_space<vmem>>, %arg12: memref<16x64xf32, #tpu.memory_space<vmem>>, %arg13: memref<10240x64xf32, #tpu.memory_space<vmem_shared>>, %arg14: memref<!tpu.dma_semaphore, #tpu.memory_space<semaphore_mem>>, %arg15: memref<!tpu.dma_semaphore, #tpu.memory_space<semaphore_mem>>, %arg16: memref<!tpu.dma_semaphore, #tpu.memory_space<semaphore_mem>>, %arg17: memref<!tpu.dma_semaphore, #tpu.memory_space<semaphore_mem>>, %arg18: memref<!tpu.dma_semaphore, #tpu.memory_space<semaphore_mem>>, %arg19: memref<!tpu.dma_semaphore, #tpu.memory_space<semaphore_mem>>) attributes {dimension_semantics = [#tpu.dimension_semantics<core_parallel>, #tpu.dimension_semantics<subcore_parallel>], iteration_bounds = array<i64: 2, 16>, scalar_prefetch = 0 : i64, scratch_operands = 14 : i64, tpu.core_type = #tpu.core_type<sc_vector_subcore>, window_params = [{transform_indices = #map}, {transform_indices = #map1}, {transform_indices = #map1}, {transform_indices = #map2}]} {
    %mul3A = arith.constant 2 : i32
    %mul3A_0 = arith.muli %arg1, %mul3A : i32
    %add3A = arith.addi %mul3A_0, %arg0 : i32
    %mul3A_1 = arith.constant 10000 : i32
    %mul3A_2 = arith.muli %add3A, %mul3A_1 : i32
    %dma_start3A = tpu.memref_slice %arg3[%mul3A_2] : memref<320000xi32, #tpu.memory_space<hbm>> -> memref<10000xi32, #tpu.memory_space<hbm>>
    %dma_start3A_3 = tpu.memref_slice %arg3[%mul3A_2] : memref<320000xi32, #tpu.memory_space<hbm>> -> memref<10000xi32, #tpu.memory_space<hbm>>
    tpu.enqueue_dma source(%dma_start3A_3 : memref<10000xi32, #tpu.memory_space<hbm>>) target(%arg6 : memref<10000xi32, #tpu.memory_space<vmem>>) target_semaphore(%arg15 : memref<!tpu.dma_semaphore, #tpu.memory_space<semaphore_mem>>)
    %broadcast_in_dim3A = arith.constant 0.000000e+00 : f32
    %broadcast_in_dim3A_4 = vector.broadcast %broadcast_in_dim3A : f32 to vector<16xf32>
    %swap3A = arith.constant 0 : i32
    %swap3A_5 = arith.index_cast %swap3A : i32 to index
    %swap3A_6 = arith.constant 0 : index
    %swap3A_7 = tpu.vector_load %arg12[%swap3A_5, %swap3A_6] {strides = array<i32>} : memref<16x64xf32, #tpu.memory_space<vmem>>, vector<16xf32>,
    tpu.vector_store %arg12[%swap3A_5, %swap3A_6], %broadcast_in_dim3A_4 {strides = array<i32>} : memref<16x64xf32, #tpu.memory_space<vmem>>, vector<16xf32>,
    %swap3A_8 = arith.constant 0 : i32
    %swap3A_9 = arith.index_cast %swap3A_8 : i32 to index
    %swap3A_10 = arith.constant 16 : index
    %swap3A_11 = tpu.vector_load %arg12[%swap3A_9, %swap3A_10] {strides = array<i32>} : memref<16x64xf32, #tpu.memory_space<vmem>>, vector<16xf32>,
    tpu.vector_store %arg12[%swap3A_9, %swap3A_10], %broadcast_in_dim3A_4 {strides = array<i32>} : memref<16x64xf32, #tpu.memory_space<vmem>>, vector<16xf32>,
    %swap3A_12 = arith.constant 0 : i32
    %swap3A_13 = arith.index_cast %swap3A_12 : i32 to index
    %swap3A_14 = arith.constant 32 : index
    %swap3A_15 = tpu.vector_load %arg12[%swap3A_13, %swap3A_14] {strides = array<i32>} : memref<16x64xf32, #tpu.memory_space<vmem>>, vector<16xf32>,
    tpu.vector_store %arg12[%swap3A_13, %swap3A_14], %broadcast_in_dim3A_4 {strides = array<i32>} : memref<16x64xf32, #tpu.memory_space<vmem>>, vector<16xf32>,
    %swap3A_16 = arith.constant 0 : i32
    %swap3A_17 = arith.index_cast %swap3A_16 : i32 to index
    %swap3A_18 = arith.constant 48 : index
    %swap3A_19 = tpu.vector_load %arg12[%swap3A_17, %swap3A_18] {strides = array<i32>} : memref<16x64xf32, #tpu.memory_space<vmem>>, vector<16xf32>,
    tpu.vector_store %arg12[%swap3A_17, %swap3A_18], %broadcast_in_dim3A_4 {strides = array<i32>} : memref<16x64xf32, #tpu.memory_space<vmem>>, vector<16xf32>,
    %swap3A_20 = arith.constant 1 : i32
    %swap3A_21 = arith.index_cast %swap3A_20 : i32 to index
    %swap3A_22 = arith.constant 0 : index
    %swap3A_23 = tpu.vector_load %arg12[%swap3A_21, %swap3A_22] {strides = array<i32>} : memref<16x64xf32, #tpu.memory_space<vmem>>, vector<16xf32>,
    tpu.vector_store %arg12[%swap3A_21, %swap3A_22], %broadcast_in_dim3A_4 {strides = array<i32>} : memref<16x64xf32, #tpu.memory_space<vmem>>, vector<16xf32>,
    %swap3A_24 = arith.constant 1 : i32
    %swap3A_25 = arith.index_cast %swap3A_24 : i32 to index
    %swap3A_26 = arith.constant 16 : index
    %swap3A_27 = tpu.vector_load %arg12[%swap3A_25, %swap3A_26] {strides = array<i32>} : memref<16x64xf32, #tpu.memory_space<vmem>>, vector<16xf32>,
    tpu.vector_store %arg12[%swap3A_25, %swap3A_26], %broadcast_in_dim3A_4 {strides = array<i32>} : memref<16x64xf32, #tpu.memory_space<vmem>>, vector<16xf32>,
    %swap3A_28 = arith.constant 1 : i32
    %swap3A_29 = arith.index_cast %swap3A_28 : i32 to index
    %swap3A_30 = arith.constant 32 : index
    %swap3A_31 = tpu.vector_load %arg12[%swap3A_29, %swap3A_30] {strides = array<i32>} : memref<16x64xf32, #tpu.memory_space<vmem>>, vector<16xf32>,
    tpu.vector_store %arg12[%swap3A_29, %swap3A_30], %broadcast_in_dim3A_4 {strides = array<i32>} : memref<16x64xf32, #tpu.memory_space<vmem>>, vector<16xf32>,
    %swap3A_32 = arith.constant 1 : i32
    %swap3A_33 = arith.index_cast %swap3A_32 : i32 to index
    %swap3A_34 = arith.constant 48 : index
    %swap3A_35 = tpu.vector_load %arg12[%swap3A_33, %swap3A_34] {strides = array<i32>} : memref<16x64xf32, #tpu.memory_space<vmem>>, vector<16xf32>,
    tpu.vector_store %arg12[%swap3A_33, %swap3A_34], %broadcast_in_dim3A_4 {strides = array<i32>} : memref<16x64xf32, #tpu.memory_space<vmem>>, vector<16xf32>,
    %swap3A_36 = arith.constant 2 : i32
    %swap3A_37 = arith.index_cast %swap3A_36 : i32 to index
    %swap3A_38 = arith.constant 0 : index
    %swap3A_39 = tpu.vector_load %arg12[%swap3A_37, %swap3A_38] {strides = array<i32>} : memref<16x64xf32, #tpu.memory_space<vmem>>, vector<16xf32>,
    tpu.vector_store %arg12[%swap3A_37, %swap3A_38], %broadcast_in_dim3A_4 {strides = array<i32>} : memref<16x64xf32, #tpu.memory_space<vmem>>, vector<16xf32>,
    %swap3A_40 = arith.constant 2 : i32
    %swap3A_41 = arith.index_cast %swap3A_40 : i32 to index
    %swap3A_42 = arith.constant 16 : index
    %swap3A_43 = tpu.vector_load %arg12[%swap3A_41, %swap3A_42] {strides = array<i32>} : memref<16x64xf32, #tpu.memory_space<vmem>>, vector<16xf32>,
    tpu.vector_store %arg12[%swap3A_41, %swap3A_42], %broadcast_in_dim3A_4 {strides = array<i32>} : memref<16x64xf32, #tpu.memory_space<vmem>>, vector<16xf32>,
    %swap3A_44 = arith.constant 2 : i32
    %swap3A_45 = arith.index_cast %swap3A_44 : i32 to index
    %swap3A_46 = arith.constant 32 : index
    %swap3A_47 = tpu.vector_load %arg12[%swap3A_45, %swap3A_46] {strides = array<i32>} : memref<16x64xf32, #tpu.memory_space<vmem>>, vector<16xf32>,
    tpu.vector_store %arg12[%swap3A_45, %swap3A_46], %broadcast_in_dim3A_4 {strides = array<i32>} : memref<16x64xf32, #tpu.memory_space<vmem>>, vector<16xf32>,
    %swap3A_48 = arith.constant 2 : i32
    %swap3A_49 = arith.index_cast %swap3A_48 : i32 to index
    %swap3A_50 = arith.constant 48 : index
    %swap3A_51 = tpu.vector_load %arg12[%swap3A_49, %swap3A_50] {strides = array<i32>} : memref<16x64xf32, #tpu.memory_space<vmem>>, vector<16xf32>,
    tpu.vector_store %arg12[%swap3A_49, %swap3A_50], %broadcast_in_dim3A_4 {strides = array<i32>} : memref<16x64xf32, #tpu.memory_space<vmem>>, vector<16xf32>,
    %swap3A_52 = arith.constant 3 : i32
    %swap3A_53 = arith.index_cast %swap3A_52 : i32 to index
    %swap3A_54 = arith.constant 0 : index
    %swap3A_55 = tpu.vector_load %arg12[%swap3A_53, %swap3A_54] {strides = array<i32>} : memref<16x64xf32, #tpu.memory_space<vmem>>, vector<16xf32>,
    tpu.vector_store %arg12[%swap3A_53, %swap3A_54], %broadcast_in_dim3A_4 {strides = array<i32>} : memref<16x64xf32, #tpu.memory_space<vmem>>, vector<16xf32>,
    %swap3A_56 = arith.constant 3 : i32
    %swap3A_57 = arith.index_cast %swap3A_56 : i32 to index
    %swap3A_58 = arith.constant 16 : index
    %swap3A_59 = tpu.vector_load %arg12[%swap3A_57, %swap3A_58] {strides = array<i32>} : memref<16x64xf32, #tpu.memory_space<vmem>>, vector<16xf32>,
    tpu.vector_store %arg12[%swap3A_57, %swap3A_58], %broadcast_in_dim3A_4 {strides = array<i32>} : memref<16x64xf32, #tpu.memory_space<vmem>>, vector<16xf32>,
    %swap3A_60 = arith.constant 3 : i32
    %swap3A_61 = arith.index_cast %swap3A_60 : i32 to index
    %swap3A_62 = arith.constant 32 : index
    %swap3A_63 = tpu.vector_load %arg12[%swap3A_61, %swap3A_62] {strides = array<i32>} : memref<16x64xf32, #tpu.memory_space<vmem>>, vector<16xf32>,
    tpu.vector_store %arg12[%swap3A_61, %swap3A_62], %broadcast_in_dim3A_4 {strides = array<i32>} : memref<16x64xf32, #tpu.memory_space<vmem>>, vector<16xf32>,
    %swap3A_64 = arith.constant 3 : i32
    %swap3A_65 = arith.index_cast %swap3A_64 : i32 to index
    %swap3A_66 = arith.constant 48 : index
    %swap3A_67 = tpu.vector_load %arg12[%swap3A_65, %swap3A_66] {strides = array<i32>} : memref<16x64xf32, #tpu.memory_space<vmem>>, vector<16xf32>,
    tpu.vector_store %arg12[%swap3A_65, %swap3A_66], %broadcast_in_dim3A_4 {strides = array<i32>} : memref<16x64xf32, #tpu.memory_space<vmem>>, vector<16xf32>,
    %swap3A_68 = arith.constant 4 : i32
    %swap3A_69 = arith.index_cast %swap3A_68 : i32 to index
    %swap3A_70 = arith.constant 0 : index
    %swap3A_71 = tpu.vector_load %arg12[%swap3A_69, %swap3A_70] {strides = array<i32>} : memref<16x64xf32, #tpu.memory_space<vmem>>, vector<16xf32>,
    tpu.vector_store %arg12[%swap3A_69, %swap3A_70], %broadcast_in_dim3A_4 {strides = array<i32>} : memref<16x64xf32, #tpu.memory_space<vmem>>, vector<16xf32>,
    %swap3A_72 = arith.constant 4 : i32
    %swap3A_73 = arith.index_cast %swap3A_72 : i32 to index
    %swap3A_74 = arith.constant 16 : index
    %swap3A_75 = tpu.vector_load %arg12[%swap3A_73, %swap3A_74] {strides = array<i32>} : memref<16x64xf32, #tpu.memory_space<vmem>>, vector<16xf32>,
    tpu.vector_store %arg12[%swap3A_73, %swap3A_74], %broadcast_in_dim3A_4 {strides = array<i32>} : memref<16x64xf32, #tpu.memory_space<vmem>>, vector<16xf32>,
    %swap3A_76 = arith.constant 4 : i32
    %swap3A_77 = arith.index_cast %swap3A_76 : i32 to index
    %swap3A_78 = arith.constant 32 : index
    %swap3A_79 = tpu.vector_load %arg12[%swap3A_77, %swap3A_78] {strides = array<i32>} : memref<16x64xf32, #tpu.memory_space<vmem>>, vector<16xf32>,
    tpu.vector_store %arg12[%swap3A_77, %swap3A_78], %broadcast_in_dim3A_4 {strides = array<i32>} : memref<16x64xf32, #tpu.memory_space<vmem>>, vector<16xf32>,
    %swap3A_80 = arith.constant 4 : i32
    %swap3A_81 = arith.index_cast %swap3A_80 : i32 to index
    %swap3A_82 = arith.constant 48 : index
    %swap3A_83 = tpu.vector_load %arg12[%swap3A_81, %swap3A_82] {strides = array<i32>} : memref<16x64xf32, #tpu.memory_space<vmem>>, vector<16xf32>,
    tpu.vector_store %arg12[%swap3A_81, %swap3A_82], %broadcast_in_dim3A_4 {strides = array<i32>} : memref<16x64xf32, #tpu.memory_space<vmem>>, vector<16xf32>,
    %swap3A_84 = arith.constant 5 : i32
    %swap3A_85 = arith.index_cast %swap3A_84 : i32 to index
    %swap3A_86 = arith.constant 0 : index
    %swap3A_87 = tpu.vector_load %arg12[%swap3A_85, %swap3A_86] {strides = array<i32>} : memref<16x64xf32, #tpu.memory_space<vmem>>, vector<16xf32>,
    tpu.vector_store %arg12[%swap3A_85, %swap3A_86], %broadcast_in_dim3A_4 {strides = array<i32>} : memref<16x64xf32, #tpu.memory_space<vmem>>, vector<16xf32>,
    %swap3A_88 = arith.constant 5 : i32
    %swap3A_89 = arith.index_cast %swap3A_88 : i32 to index
    %swap3A_90 = arith.constant 16 : index
    %swap3A_91 = tpu.vector_load %arg12[%swap3A_89, %swap3A_90] {strides = array<i32>} : memref<16x64xf32, #tpu.memory_space<vmem>>, vector<16xf32>,
    tpu.vector_store %arg12[%swap3A_89, %swap3A_90], %broadcast_in_dim3A_4 {strides = array<i32>} : memref<16x64xf32, #tpu.memory_space<vmem>>, vector<16xf32>,
    %swap3A_92 = arith.constant 5 : i32
    %swap3A_93 = arith.index_cast %swap3A_92 : i32 to index
    %swap3A_94 = arith.constant 32 : index
    %swap3A_95 = tpu.vector_load %arg12[%swap3A_93, %swap3A_94] {strides = array<i32>} : memref<16x64xf32, #tpu.memory_space<vmem>>, vector<16xf32>,
    tpu.vector_store %arg12[%swap3A_93, %swap3A_94], %broadcast_in_dim3A_4 {strides = array<i32>} : memref<16x64xf32, #tpu.memory_space<vmem>>, vector<16xf32>,
    %swap3A_96 = arith.constant 5 : i32
    %swap3A_97 = arith.index_cast %swap3A_96 : i32 to index
    %swap3A_98 = arith.constant 48 : index
    %swap3A_99 = tpu.vector_load %arg12[%swap3A_97, %swap3A_98] {strides = array<i32>} : memref<16x64xf32, #tpu.memory_space<vmem>>, vector<16xf32>,
    tpu.vector_store %arg12[%swap3A_97, %swap3A_98], %broadcast_in_dim3A_4 {strides = array<i32>} : memref<16x64xf32, #tpu.memory_space<vmem>>, vector<16xf32>,
    %swap3A_100 = arith.constant 6 : i32
    %swap3A_101 = arith.index_cast %swap3A_100 : i32 to index
    %swap3A_102 = arith.constant 0 : index
    %swap3A_103 = tpu.vector_load %arg12[%swap3A_101, %swap3A_102] {strides = array<i32>} : memref<16x64xf32, #tpu.memory_space<vmem>>, vector<16xf32>,
    tpu.vector_store %arg12[%swap3A_101, %swap3A_102], %broadcast_in_dim3A_4 {strides = array<i32>} : memref<16x64xf32, #tpu.memory_space<vmem>>, vector<16xf32>,
    %swap3A_104 = arith.constant 6 : i32
    %swap3A_105 = arith.index_cast %swap3A_104 : i32 to index
    %swap3A_106 = arith.constant 16 : index
    %swap3A_107 = tpu.vector_load %arg12[%swap3A_105, %swap3A_106] {strides = array<i32>} : memref<16x64xf32, #tpu.memory_space<vmem>>, vector<16xf32>,
    tpu.vector_store %arg12[%swap3A_105, %swap3A_106], %broadcast_in_dim3A_4 {strides = array<i32>} : memref<16x64xf32, #tpu.memory_space<vmem>>, vector<16xf32>,
    %swap3A_108 = arith.constant 6 : i32
    %swap3A_109 = arith.index_cast %swap3A_108 : i32 to index
    %swap3A_110 = arith.constant 32 : index
    %swap3A_111 = tpu.vector_load %arg12[%swap3A_109, %swap3A_110] {strides = array<i32>} : memref<16x64xf32, #tpu.memory_space<vmem>>, vector<16xf32>,
    tpu.vector_store %arg12[%swap3A_109, %swap3A_110], %broadcast_in_dim3A_4 {strides = array<i32>} : memref<16x64xf32, #tpu.memory_space<vmem>>, vector<16xf32>,
    %swap3A_112 = arith.constant 6 : i32
    %swap3A_113 = arith.index_cast %swap3A_112 : i32 to index
    %swap3A_114 = arith.constant 48 : index
    %swap3A_115 = tpu.vector_load %arg12[%swap3A_113, %swap3A_114] {strides = array<i32>} : memref<16x64xf32, #tpu.memory_space<vmem>>, vector<16xf32>,
    tpu.vector_store %arg12[%swap3A_113, %swap3A_114], %broadcast_in_dim3A_4 {strides = array<i32>} : memref<16x64xf32, #tpu.memory_space<vmem>>, vector<16xf32>,
    %swap3A_116 = arith.constant 7 : i32
    %swap3A_117 = arith.index_cast %swap3A_116 : i32 to index
    %swap3A_118 = arith.constant 0 : index
    %swap3A_119 = tpu.vector_load %arg12[%swap3A_117, %swap3A_118] {strides = array<i32>} : memref<16x64xf32, #tpu.memory_space<vmem>>, vector<16xf32>,
    tpu.vector_store %arg12[%swap3A_117, %swap3A_118], %broadcast_in_dim3A_4 {strides = array<i32>} : memref<16x64xf32, #tpu.memory_space<vmem>>, vector<16xf32>,
    %swap3A_120 = arith.constant 7 : i32
    %swap3A_121 = arith.index_cast %swap3A_120 : i32 to index
    %swap3A_122 = arith.constant 16 : index
    %swap3A_123 = tpu.vector_load %arg12[%swap3A_121, %swap3A_122] {strides = array<i32>} : memref<16x64xf32, #tpu.memory_space<vmem>>, vector<16xf32>,
    tpu.vector_store %arg12[%swap3A_121, %swap3A_122], %broadcast_in_dim3A_4 {strides = array<i32>} : memref<16x64xf32, #tpu.memory_space<vmem>>, vector<16xf32>,
    %swap3A_124 = arith.constant 7 : i32
    %swap3A_125 = arith.index_cast %swap3A_124 : i32 to index
    %swap3A_126 = arith.constant 32 : index
    %swap3A_127 = tpu.vector_load %arg12[%swap3A_125, %swap3A_126] {strides = array<i32>} : memref<16x64xf32, #tpu.memory_space<vmem>>, vector<16xf32>,
    tpu.vector_store %arg12[%swap3A_125, %swap3A_126], %broadcast_in_dim3A_4 {strides = array<i32>} : memref<16x64xf32, #tpu.memory_space<vmem>>, vector<16xf32>,
    %swap3A_128 = arith.constant 7 : i32
    %swap3A_129 = arith.index_cast %swap3A_128 : i32 to index
    %swap3A_130 = arith.constant 48 : index
    %swap3A_131 = tpu.vector_load %arg12[%swap3A_129, %swap3A_130] {strides = array<i32>} : memref<16x64xf32, #tpu.memory_space<vmem>>, vector<16xf32>,
    tpu.vector_store %arg12[%swap3A_129, %swap3A_130], %broadcast_in_dim3A_4 {strides = array<i32>} : memref<16x64xf32, #tpu.memory_space<vmem>>, vector<16xf32>,
    %swap3A_132 = arith.constant 8 : i32
    %swap3A_133 = arith.index_cast %swap3A_132 : i32 to index
    %swap3A_134 = arith.constant 0 : index
    %swap3A_135 = tpu.vector_load %arg12[%swap3A_133, %swap3A_134] {strides = array<i32>} : memref<16x64xf32, #tpu.memory_space<vmem>>, vector<16xf32>,
    tpu.vector_store %arg12[%swap3A_133, %swap3A_134], %broadcast_in_dim3A_4 {strides = array<i32>} : memref<16x64xf32, #tpu.memory_space<vmem>>, vector<16xf32>,
    %swap3A_136 = arith.constant 8 : i32
    %swap3A_137 = arith.index_cast %swap3A_136 : i32 to index
    %swap3A_138 = arith.constant 16 : index
    %swap3A_139 = tpu.vector_load %arg12[%swap3A_137, %swap3A_138] {strides = array<i32>} : memref<16x64xf32, #tpu.memory_space<vmem>>, vector<16xf32>,
    tpu.vector_store %arg12[%swap3A_137, %swap3A_138], %broadcast_in_dim3A_4 {strides = array<i32>} : memref<16x64xf32, #tpu.memory_space<vmem>>, vector<16xf32>,
    %swap3A_140 = arith.constant 8 : i32
    %swap3A_141 = arith.index_cast %swap3A_140 : i32 to index
    %swap3A_142 = arith.constant 32 : index
    %swap3A_143 = tpu.vector_load %arg12[%swap3A_141, %swap3A_142] {strides = array<i32>} : memref<16x64xf32, #tpu.memory_space<vmem>>, vector<16xf32>,
    tpu.vector_store %arg12[%swap3A_141, %swap3A_142], %broadcast_in_dim3A_4 {strides = array<i32>} : memref<16x64xf32, #tpu.memory_space<vmem>>, vector<16xf32>,
    %swap3A_144 = arith.constant 8 : i32
    %swap3A_145 = arith.index_cast %swap3A_144 : i32 to index
    %swap3A_146 = arith.constant 48 : index
    %swap3A_147 = tpu.vector_load %arg12[%swap3A_145, %swap3A_146] {strides = array<i32>} : memref<16x64xf32, #tpu.memory_space<vmem>>, vector<16xf32>,
    tpu.vector_store %arg12[%swap3A_145, %swap3A_146], %broadcast_in_dim3A_4 {strides = array<i32>} : memref<16x64xf32, #tpu.memory_space<vmem>>, vector<16xf32>,
    %swap3A_148 = arith.constant 9 : i32
    %swap3A_149 = arith.index_cast %swap3A_148 : i32 to index
    %swap3A_150 = arith.constant 0 : index
    %swap3A_151 = tpu.vector_load %arg12[%swap3A_149, %swap3A_150] {strides = array<i32>} : memref<16x64xf32, #tpu.memory_space<vmem>>, vector<16xf32>,
    tpu.vector_store %arg12[%swap3A_149, %swap3A_150], %broadcast_in_dim3A_4 {strides = array<i32>} : memref<16x64xf32, #tpu.memory_space<vmem>>, vector<16xf32>,
    %swap3A_152 = arith.constant 9 : i32
    %swap3A_153 = arith.index_cast %swap3A_152 : i32 to index
    %swap3A_154 = arith.constant 16 : index
    %swap3A_155 = tpu.vector_load %arg12[%swap3A_153, %swap3A_154] {strides = array<i32>} : memref<16x64xf32, #tpu.memory_space<vmem>>, vector<16xf32>,
    tpu.vector_store %arg12[%swap3A_153, %swap3A_154], %broadcast_in_dim3A_4 {strides = array<i32>} : memref<16x64xf32, #tpu.memory_space<vmem>>, vector<16xf32>,
    %swap3A_156 = arith.constant 9 : i32
    %swap3A_157 = arith.index_cast %swap3A_156 : i32 to index
    %swap3A_158 = arith.constant 32 : index
    %swap3A_159 = tpu.vector_load %arg12[%swap3A_157, %swap3A_158] {strides = array<i32>} : memref<16x64xf32, #tpu.memory_space<vmem>>, vector<16xf32>,
    tpu.vector_store %arg12[%swap3A_157, %swap3A_158], %broadcast_in_dim3A_4 {strides = array<i32>} : memref<16x64xf32, #tpu.memory_space<vmem>>, vector<16xf32>,
    %swap3A_160 = arith.constant 9 : i32
    %swap3A_161 = arith.index_cast %swap3A_160 : i32 to index
    %swap3A_162 = arith.constant 48 : index
    %swap3A_163 = tpu.vector_load %arg12[%swap3A_161, %swap3A_162] {strides = array<i32>} : memref<16x64xf32, #tpu.memory_space<vmem>>, vector<16xf32>,
    tpu.vector_store %arg12[%swap3A_161, %swap3A_162], %broadcast_in_dim3A_4 {strides = array<i32>} : memref<16x64xf32, #tpu.memory_space<vmem>>, vector<16xf32>,
    %swap3A_164 = arith.constant 10 : i32
    %swap3A_165 = arith.index_cast %swap3A_164 : i32 to index
    %swap3A_166 = arith.constant 0 : index
    %swap3A_167 = tpu.vector_load %arg12[%swap3A_165, %swap3A_166] {strides = array<i32>} : memref<16x64xf32, #tpu.memory_space<vmem>>, vector<16xf32>,
    tpu.vector_store %arg12[%swap3A_165, %swap3A_166], %broadcast_in_dim3A_4 {strides = array<i32>} : memref<16x64xf32, #tpu.memory_space<vmem>>, vector<16xf32>,
    %swap3A_168 = arith.constant 10 : i32
    %swap3A_169 = arith.index_cast %swap3A_168 : i32 to index
    %swap3A_170 = arith.constant 16 : index
    %swap3A_171 = tpu.vector_load %arg12[%swap3A_169, %swap3A_170] {strides = array<i32>} : memref<16x64xf32, #tpu.memory_space<vmem>>, vector<16xf32>,
    tpu.vector_store %arg12[%swap3A_169, %swap3A_170], %broadcast_in_dim3A_4 {strides = array<i32>} : memref<16x64xf32, #tpu.memory_space<vmem>>, vector<16xf32>,
    %swap3A_172 = arith.constant 10 : i32
    %swap3A_173 = arith.index_cast %swap3A_172 : i32 to index
    %swap3A_174 = arith.constant 32 : index
    %swap3A_175 = tpu.vector_load %arg12[%swap3A_173, %swap3A_174] {strides = array<i32>} : memref<16x64xf32, #tpu.memory_space<vmem>>, vector<16xf32>,
    tpu.vector_store %arg12[%swap3A_173, %swap3A_174], %broadcast_in_dim3A_4 {strides = array<i32>} : memref<16x64xf32, #tpu.memory_space<vmem>>, vector<16xf32>,
    %swap3A_176 = arith.constant 10 : i32
    %swap3A_177 = arith.index_cast %swap3A_176 : i32 to index
    %swap3A_178 = arith.constant 48 : index
    %swap3A_179 = tpu.vector_load %arg12[%swap3A_177, %swap3A_178] {strides = array<i32>} : memref<16x64xf32, #tpu.memory_space<vmem>>, vector<16xf32>,
    tpu.vector_store %arg12[%swap3A_177, %swap3A_178], %broadcast_in_dim3A_4 {strides = array<i32>} : memref<16x64xf32, #tpu.memory_space<vmem>>, vector<16xf32>,
    %swap3A_180 = arith.constant 11 : i32
    %swap3A_181 = arith.index_cast %swap3A_180 : i32 to index
    %swap3A_182 = arith.constant 0 : index
    %swap3A_183 = tpu.vector_load %arg12[%swap3A_181, %swap3A_182] {strides = array<i32>} : memref<16x64xf32, #tpu.memory_space<vmem>>, vector<16xf32>,
    tpu.vector_store %arg12[%swap3A_181, %swap3A_182], %broadcast_in_dim3A_4 {strides = array<i32>} : memref<16x64xf32, #tpu.memory_space<vmem>>, vector<16xf32>,
    %swap3A_184 = arith.constant 11 : i32
    %swap3A_185 = arith.index_cast %swap3A_184 : i32 to index
    %swap3A_186 = arith.constant 16 : index
    %swap3A_187 = tpu.vector_load %arg12[%swap3A_185, %swap3A_186] {strides = array<i32>} : memref<16x64xf32, #tpu.memory_space<vmem>>, vector<16xf32>,
    tpu.vector_store %arg12[%swap3A_185, %swap3A_186], %broadcast_in_dim3A_4 {strides = array<i32>} : memref<16x64xf32, #tpu.memory_space<vmem>>, vector<16xf32>,
    %swap3A_188 = arith.constant 11 : i32
    %swap3A_189 = arith.index_cast %swap3A_188 : i32 to index
    %swap3A_190 = arith.constant 32 : index
    %swap3A_191 = tpu.vector_load %arg12[%swap3A_189, %swap3A_190] {strides = array<i32>} : memref<16x64xf32, #tpu.memory_space<vmem>>, vector<16xf32>,
    tpu.vector_store %arg12[%swap3A_189, %swap3A_190], %broadcast_in_dim3A_4 {strides = array<i32>} : memref<16x64xf32, #tpu.memory_space<vmem>>, vector<16xf32>,
    %swap3A_192 = arith.constant 11 : i32
    %swap3A_193 = arith.index_cast %swap3A_192 : i32 to index
    %swap3A_194 = arith.constant 48 : index
    %swap3A_195 = tpu.vector_load %arg12[%swap3A_193, %swap3A_194] {strides = array<i32>} : memref<16x64xf32, #tpu.memory_space<vmem>>, vector<16xf32>,
    tpu.vector_store %arg12[%swap3A_193, %swap3A_194], %broadcast_in_dim3A_4 {strides = array<i32>} : memref<16x64xf32, #tpu.memory_space<vmem>>, vector<16xf32>,
    %swap3A_196 = arith.constant 12 : i32
    %swap3A_197 = arith.index_cast %swap3A_196 : i32 to index
    %swap3A_198 = arith.constant 0 : index
    %swap3A_199 = tpu.vector_load %arg12[%swap3A_197, %swap3A_198] {strides = array<i32>} : memref<16x64xf32, #tpu.memory_space<vmem>>, vector<16xf32>,
    tpu.vector_store %arg12[%swap3A_197, %swap3A_198], %broadcast_in_dim3A_4 {strides = array<i32>} : memref<16x64xf32, #tpu.memory_space<vmem>>, vector<16xf32>,
    %swap3A_200 = arith.constant 12 : i32
    %swap3A_201 = arith.index_cast %swap3A_200 : i32 to index
    %swap3A_202 = arith.constant 16 : index
    %swap3A_203 = tpu.vector_load %arg12[%swap3A_201, %swap3A_202] {strides = array<i32>} : memref<16x64xf32, #tpu.memory_space<vmem>>, vector<16xf32>,
    tpu.vector_store %arg12[%swap3A_201, %swap3A_202], %broadcast_in_dim3A_4 {strides = array<i32>} : memref<16x64xf32, #tpu.memory_space<vmem>>, vector<16xf32>,
    %swap3A_204 = arith.constant 12 : i32
    %swap3A_205 = arith.index_cast %swap3A_204 : i32 to index
    %swap3A_206 = arith.constant 32 : index
    %swap3A_207 = tpu.vector_load %arg12[%swap3A_205, %swap3A_206] {strides = array<i32>} : memref<16x64xf32, #tpu.memory_space<vmem>>, vector<16xf32>,
    tpu.vector_store %arg12[%swap3A_205, %swap3A_206], %broadcast_in_dim3A_4 {strides = array<i32>} : memref<16x64xf32, #tpu.memory_space<vmem>>, vector<16xf32>,
    %swap3A_208 = arith.constant 12 : i32
    %swap3A_209 = arith.index_cast %swap3A_208 : i32 to index
    %swap3A_210 = arith.constant 48 : index
    %swap3A_211 = tpu.vector_load %arg12[%swap3A_209, %swap3A_210] {strides = array<i32>} : memref<16x64xf32, #tpu.memory_space<vmem>>, vector<16xf32>,
    tpu.vector_store %arg12[%swap3A_209, %swap3A_210], %broadcast_in_dim3A_4 {strides = array<i32>} : memref<16x64xf32, #tpu.memory_space<vmem>>, vector<16xf32>,
    %swap3A_212 = arith.constant 13 : i32
    %swap3A_213 = arith.index_cast %swap3A_212 : i32 to index
    %swap3A_214 = arith.constant 0 : index
    %swap3A_215 = tpu.vector_load %arg12[%swap3A_213, %swap3A_214] {strides = array<i32>} : memref<16x64xf32, #tpu.memory_space<vmem>>, vector<16xf32>,
    tpu.vector_store %arg12[%swap3A_213, %swap3A_214], %broadcast_in_dim3A_4 {strides = array<i32>} : memref<16x64xf32, #tpu.memory_space<vmem>>, vector<16xf32>,
    %swap3A_216 = arith.constant 13 : i32
    %swap3A_217 = arith.index_cast %swap3A_216 : i32 to index
    %swap3A_218 = arith.constant 16 : index
    %swap3A_219 = tpu.vector_load %arg12[%swap3A_217, %swap3A_218] {strides = array<i32>} : memref<16x64xf32, #tpu.memory_space<vmem>>, vector<16xf32>,
    tpu.vector_store %arg12[%swap3A_217, %swap3A_218], %broadcast_in_dim3A_4 {strides = array<i32>} : memref<16x64xf32, #tpu.memory_space<vmem>>, vector<16xf32>,
    %swap3A_220 = arith.constant 13 : i32
    %swap3A_221 = arith.index_cast %swap3A_220 : i32 to index
    %swap3A_222 = arith.constant 32 : index
    %swap3A_223 = tpu.vector_load %arg12[%swap3A_221, %swap3A_222] {strides = array<i32>} : memref<16x64xf32, #tpu.memory_space<vmem>>, vector<16xf32>,
    tpu.vector_store %arg12[%swap3A_221, %swap3A_222], %broadcast_in_dim3A_4 {strides = array<i32>} : memref<16x64xf32, #tpu.memory_space<vmem>>, vector<16xf32>,
    %swap3A_224 = arith.constant 13 : i32
    %swap3A_225 = arith.index_cast %swap3A_224 : i32 to index
    %swap3A_226 = arith.constant 48 : index
    %swap3A_227 = tpu.vector_load %arg12[%swap3A_225, %swap3A_226] {strides = array<i32>} : memref<16x64xf32, #tpu.memory_space<vmem>>, vector<16xf32>,
    tpu.vector_store %arg12[%swap3A_225, %swap3A_226], %broadcast_in_dim3A_4 {strides = array<i32>} : memref<16x64xf32, #tpu.memory_space<vmem>>, vector<16xf32>,
    %swap3A_228 = arith.constant 14 : i32
    %swap3A_229 = arith.index_cast %swap3A_228 : i32 to index
    %swap3A_230 = arith.constant 0 : index
    %swap3A_231 = tpu.vector_load %arg12[%swap3A_229, %swap3A_230] {strides = array<i32>} : memref<16x64xf32, #tpu.memory_space<vmem>>, vector<16xf32>,
    tpu.vector_store %arg12[%swap3A_229, %swap3A_230], %broadcast_in_dim3A_4 {strides = array<i32>} : memref<16x64xf32, #tpu.memory_space<vmem>>, vector<16xf32>,
    %swap3A_232 = arith.constant 14 : i32
    %swap3A_233 = arith.index_cast %swap3A_232 : i32 to index
    %swap3A_234 = arith.constant 16 : index
    %swap3A_235 = tpu.vector_load %arg12[%swap3A_233, %swap3A_234] {strides = array<i32>} : memref<16x64xf32, #tpu.memory_space<vmem>>, vector<16xf32>,
    tpu.vector_store %arg12[%swap3A_233, %swap3A_234], %broadcast_in_dim3A_4 {strides = array<i32>} : memref<16x64xf32, #tpu.memory_space<vmem>>, vector<16xf32>,
    %swap3A_236 = arith.constant 14 : i32
    %swap3A_237 = arith.index_cast %swap3A_236 : i32 to index
    %swap3A_238 = arith.constant 32 : index
    %swap3A_239 = tpu.vector_load %arg12[%swap3A_237, %swap3A_238] {strides = array<i32>} : memref<16x64xf32, #tpu.memory_space<vmem>>, vector<16xf32>,
    tpu.vector_store %arg12[%swap3A_237, %swap3A_238], %broadcast_in_dim3A_4 {strides = array<i32>} : memref<16x64xf32, #tpu.memory_space<vmem>>, vector<16xf32>,
    %swap3A_240 = arith.constant 14 : i32
    %swap3A_241 = arith.index_cast %swap3A_240 : i32 to index
    %swap3A_242 = arith.constant 48 : index
    %swap3A_243 = tpu.vector_load %arg12[%swap3A_241, %swap3A_242] {strides = array<i32>} : memref<16x64xf32, #tpu.memory_space<vmem>>, vector<16xf32>,
    tpu.vector_store %arg12[%swap3A_241, %swap3A_242], %broadcast_in_dim3A_4 {strides = array<i32>} : memref<16x64xf32, #tpu.memory_space<vmem>>, vector<16xf32>,
    %swap3A_244 = arith.constant 15 : i32
    %swap3A_245 = arith.index_cast %swap3A_244 : i32 to index
    %swap3A_246 = arith.constant 0 : index
    %swap3A_247 = tpu.vector_load %arg12[%swap3A_245, %swap3A_246] {strides = array<i32>} : memref<16x64xf32, #tpu.memory_space<vmem>>, vector<16xf32>,
    tpu.vector_store %arg12[%swap3A_245, %swap3A_246], %broadcast_in_dim3A_4 {strides = array<i32>} : memref<16x64xf32, #tpu.memory_space<vmem>>, vector<16xf32>,
    %swap3A_248 = arith.constant 15 : i32
    %swap3A_249 = arith.index_cast %swap3A_248 : i32 to index
    %swap3A_250 = arith.constant 16 : index
    %swap3A_251 = tpu.vector_load %arg12[%swap3A_249, %swap3A_250] {strides = array<i32>} : memref<16x64xf32, #tpu.memory_space<vmem>>, vector<16xf32>,
    tpu.vector_store %arg12[%swap3A_249, %swap3A_250], %broadcast_in_dim3A_4 {strides = array<i32>} : memref<16x64xf32, #tpu.memory_space<vmem>>, vector<16xf32>,
    %swap3A_252 = arith.constant 15 : i32
    %swap3A_253 = arith.index_cast %swap3A_252 : i32 to index
    %swap3A_254 = arith.constant 32 : index
    %swap3A_255 = tpu.vector_load %arg12[%swap3A_253, %swap3A_254] {strides = array<i32>} : memref<16x64xf32, #tpu.memory_space<vmem>>, vector<16xf32>,
    tpu.vector_store %arg12[%swap3A_253, %swap3A_254], %broadcast_in_dim3A_4 {strides = array<i32>} : memref<16x64xf32, #tpu.memory_space<vmem>>, vector<16xf32>,
    %swap3A_256 = arith.constant 15 : i32
    %swap3A_257 = arith.index_cast %swap3A_256 : i32 to index
    %swap3A_258 = arith.constant 48 : index
    %swap3A_259 = tpu.vector_load %arg12[%swap3A_257, %swap3A_258] {strides = array<i32>} : memref<16x64xf32, #tpu.memory_space<vmem>>, vector<16xf32>,
    tpu.vector_store %arg12[%swap3A_257, %swap3A_258], %broadcast_in_dim3A_4 {strides = array<i32>} : memref<16x64xf32, #tpu.memory_space<vmem>>, vector<16xf32>,
    %scan3A = arith.constant 0 : i32
    %scan3A_260 = arith.constant 0 : i32
    %scan3A_261 = arith.constant 40 : i32
    %scan3A_262 = arith.addi %scan3A_260, %scan3A_261 : i32
    %scan3A_263 = arith.constant 1 : i32
    scf.for %scan3A_354 = %scan3A_260 to %scan3A_262 step %scan3A_263  : i32 {
      %mul3A_355 = arith.constant 640 : i32
      %mul3A_356 = arith.muli %arg1, %mul3A_355 : i32
      %mul3A_357 = arith.constant 16 : i32
      %mul3A_358 = arith.muli %scan3A_354, %mul3A_357 : i32
      %add3A_359 = arith.addi %mul3A_356, %mul3A_358 : i32
      %dma_start3A_360 = arith.constant 0 : i32
      %dma_start3A_361 = tpu.memref_slice %arg13[%add3A_359, %dma_start3A_360] : memref<10240x64xf32, #tpu.memory_space<vmem_shared>> -> memref<16x64xf32, #tpu.memory_space<vmem_shared>>
      %dma_start3A_362 = arith.constant 0 : i32
      %dma_start3A_363 = tpu.memref_slice %arg13[%add3A_359, %dma_start3A_362] : memref<10240x64xf32, #tpu.memory_space<vmem_shared>> -> memref<16x64xf32, #tpu.memory_space<vmem_shared>>
      tpu.enqueue_dma source(%arg12 : memref<16x64xf32, #tpu.memory_space<vmem>>) target(%dma_start3A_363 : memref<16x64xf32, #tpu.memory_space<vmem_shared>>) target_semaphore(%arg16 : memref<!tpu.dma_semaphore, #tpu.memory_space<semaphore_mem>>)
    }
    %scan3A_264 = arith.constant 40 : i32
    %scan3A_265 = arith.constant 0 : i32
    %scan3A_266 = arith.constant 0 : i32
    %scan3A_267 = arith.constant 40 : i32
    %scan3A_268 = arith.addi %scan3A_266, %scan3A_267 : i32
    %scan3A_269 = arith.constant 1 : i32
    scf.for %scan3A_354 = %scan3A_266 to %scan3A_268 step %scan3A_269  : i32 {
      %mul3A_355 = arith.constant 640 : i32
      %mul3A_356 = arith.muli %arg1, %mul3A_355 : i32
      %dma_wait3A_357 = arith.constant 0 : i32
      %dma_wait3A_358 = tpu.memref_slice %arg13[%mul3A_356, %dma_wait3A_357] : memref<10240x64xf32, #tpu.memory_space<vmem_shared>> -> memref<16x64xf32, #tpu.memory_space<vmem_shared>>
      %dma_wait3A_359 = arith.constant 0 : i32
      %dma_wait3A_360 = tpu.memref_slice %arg13[%mul3A_356, %dma_wait3A_359] : memref<10240x64xf32, #tpu.memory_space<vmem_shared>> -> memref<16x64xf32, #tpu.memory_space<vmem_shared>>
      tpu.wait_dma2 semaphore(%arg16 : memref<!tpu.dma_semaphore, #tpu.memory_space<semaphore_mem>>) src(%arg12 : memref<16x64xf32, #tpu.memory_space<vmem>>) dst(%dma_wait3A_360 : memref<16x64xf32, #tpu.memory_space<vmem_shared>>)
    }
    %scan3A_270 = arith.constant 40 : i32
    %dma_wait3A = arith.constant 0 : i32
    %dma_wait3A_271 = tpu.memref_slice %arg3[%dma_wait3A] : memref<320000xi32, #tpu.memory_space<hbm>> -> memref<10000xi32, #tpu.memory_space<hbm>>
    %dma_wait3A_272 = arith.constant 0 : i32
    %dma_wait3A_273 = tpu.memref_slice %arg3[%dma_wait3A_272] : memref<320000xi32, #tpu.memory_space<hbm>> -> memref<10000xi32, #tpu.memory_space<hbm>>
    tpu.wait_dma2 semaphore(%arg15 : memref<!tpu.dma_semaphore, #tpu.memory_space<semaphore_mem>>) src(%dma_wait3A_273 : memref<10000xi32, #tpu.memory_space<hbm>>) dst(%arg6 : memref<10000xi32, #tpu.memory_space<vmem>>)
    %barrier3A = arith.constant 0 : index
    tpu.barrier barrier_id(%barrier3A)
    %add3A_274 = arith.constant 0 : i32
    %add3A_275 = arith.addi %mul3A_2, %add3A_274 : i32
    %dma_start3A_276 = tpu.memref_slice %arg4[%add3A_275] : memref<320000xi32, #tpu.memory_space<hbm>> -> memref<128xi32, #tpu.memory_space<hbm>>
    %dma_start3A_277 = tpu.memref_slice %arg4[%add3A_275] : memref<320000xi32, #tpu.memory_space<hbm>> -> memref<128xi32, #tpu.memory_space<hbm>>
    tpu.enqueue_dma source(%dma_start3A_277 : memref<128xi32, #tpu.memory_space<hbm>>) target(%arg7 : memref<128xi32, #tpu.memory_space<vmem>>) target_semaphore(%arg18 : memref<!tpu.dma_semaphore, #tpu.memory_space<semaphore_mem>>)
    %dma_start3A_278 = arith.constant 0 : i32
    %dma_start3A_279 = tpu.memref_slice %arg6[%dma_start3A_278] : memref<10000xi32, #tpu.memory_space<vmem>> -> memref<128xi32, #tpu.memory_space<vmem>>
    %dma_start3A_280 = arith.constant 0 : i32
    %dma_start3A_281 = arith.constant 0 : i32
    %dma_start3A_282 = tpu.memref_slice %arg2[%dma_start3A_280, %dma_start3A_281] : memref<10000x64xf32, #tpu.memory_space<hbm>> -> memref<10000x64xf32, #tpu.memory_space<hbm>>
    tpu.enqueue_indirect_dma source(%dma_start3A_282 : memref<10000x64xf32, #tpu.memory_space<hbm>>) target(%arg10 : memref<128x64xf32, #tpu.memory_space<vmem>>) offsets(%dma_start3A_279 : memref<128xi32, #tpu.memory_space<vmem>>) semaphore(%arg14 : memref<!tpu.dma_semaphore, #tpu.memory_space<semaphore_mem>>)
    %scan3A_283 = arith.constant 0 : i32
    %scan3A_284 = arith.constant 0 : i32
    %scan3A_285 = arith.constant 38 : i32
    %scan3A_286 = arith.addi %scan3A_284, %scan3A_285 : i32
    %scan3A_287 = arith.constant 1 : i32
    scf.for %scan3A_354 = %scan3A_284 to %scan3A_286 step %scan3A_287  : i32 {
      %mul3A_355 = arith.constant 2 : i32
      %mul3A_356 = arith.muli %mul3A_355, %scan3A_354 : i32
      %gt3A = arith.constant 0 : i32
      %gt3A_357 = arith.cmpi sgt, %scan3A_354, %gt3A : i32
      %convert_element_type3A = arith.extui %gt3A_357 : i1 to i32
      %cond3A = arith.constant 0 : i32
      %cond3A_358 = arith.cmpi ne, %convert_element_type3A, %cond3A : i32
      scf.if %cond3A_358 {
        %dma_wait3A_416 = arith.constant 0 : i32
        %dma_wait3A_417 = arith.constant 0 : i32
        %dma_wait3A_418 = tpu.memref_slice %arg13[%dma_wait3A_416, %dma_wait3A_417] : memref<10240x64xf32, #tpu.memory_space<vmem_shared>> -> memref<10240x64xf32, #tpu.memory_space<vmem_shared>>
        tpu.wait_indirect_dma semaphore(%arg17 : memref<!tpu.dma_semaphore, #tpu.memory_space<semaphore_mem>>) src(%arg11 : memref<128x64xf32, #tpu.memory_space<vmem>>) dst(%dma_wait3A_418 : memref<10240x64xf32, #tpu.memory_space<vmem_shared>>)
      } else {
      }
      %add3A_359 = arith.constant 1 : i32
      %add3A_360 = arith.addi %mul3A_356, %add3A_359 : i32
      %mul3A_361 = arith.constant 128 : i32
      %mul3A_362 = arith.muli %add3A_360, %mul3A_361 : i32
      %add3A_363 = arith.addi %mul3A_2, %mul3A_362 : i32
      %dma_start3A_364 = tpu.memref_slice %arg4[%add3A_363] : memref<320000xi32, #tpu.memory_space<hbm>> -> memref<128xi32, #tpu.memory_space<hbm>>
      %dma_start3A_365 = tpu.memref_slice %arg4[%add3A_363] : memref<320000xi32, #tpu.memory_space<hbm>> -> memref<128xi32, #tpu.memory_space<hbm>>
      tpu.enqueue_dma source(%dma_start3A_365 : memref<128xi32, #tpu.memory_space<hbm>>) target(%arg8 : memref<128xi32, #tpu.memory_space<vmem>>) target_semaphore(%arg19 : memref<!tpu.dma_semaphore, #tpu.memory_space<semaphore_mem>>)
      %add3A_366 = arith.constant 1 : i32
      %add3A_367 = arith.addi %mul3A_356, %add3A_366 : i32
      %mul3A_368 = arith.constant 128 : i32
      %mul3A_369 = arith.muli %add3A_367, %mul3A_368 : i32
      %dma_start3A_370 = tpu.memref_slice %arg6[%mul3A_369] : memref<10000xi32, #tpu.memory_space<vmem>> -> memref<128xi32, #tpu.memory_space<vmem>>
      %dma_start3A_371 = arith.constant 0 : i32
      %dma_start3A_372 = arith.constant 0 : i32
      %dma_start3A_373 = tpu.memref_slice %arg2[%dma_start3A_371, %dma_start3A_372] : memref<10000x64xf32, #tpu.memory_space<hbm>> -> memref<10000x64xf32, #tpu.memory_space<hbm>>
      tpu.enqueue_indirect_dma source(%dma_start3A_373 : memref<10000x64xf32, #tpu.memory_space<hbm>>) target(%arg11 : memref<128x64xf32, #tpu.memory_space<vmem>>) offsets(%dma_start3A_370 : memref<128xi32, #tpu.memory_space<vmem>>) semaphore(%arg15 : memref<!tpu.dma_semaphore, #tpu.memory_space<semaphore_mem>>)
      %dma_wait3A_374 = arith.constant 0 : i32
      %dma_wait3A_375 = tpu.memref_slice %arg6[%dma_wait3A_374] : memref<10000xi32, #tpu.memory_space<vmem>> -> memref<128xi32, #tpu.memory_space<vmem>>
      %dma_wait3A_376 = arith.constant 0 : i32
      %dma_wait3A_377 = arith.constant 0 : i32
      %dma_wait3A_378 = tpu.memref_slice %arg2[%dma_wait3A_376, %dma_wait3A_377] : memref<10000x64xf32, #tpu.memory_space<hbm>> -> memref<10000x64xf32, #tpu.memory_space<hbm>>
      tpu.wait_indirect_dma semaphore(%arg14 : memref<!tpu.dma_semaphore, #tpu.memory_space<semaphore_mem>>) src(%dma_wait3A_378 : memref<10000x64xf32, #tpu.memory_space<hbm>>) dst(%arg10 : memref<128x64xf32, #tpu.memory_space<vmem>>)
      %dma_wait3A_379 = arith.constant 0 : i32
      %dma_wait3A_380 = tpu.memref_slice %arg4[%dma_wait3A_379] : memref<320000xi32, #tpu.memory_space<hbm>> -> memref<128xi32, #tpu.memory_space<hbm>>
      %dma_wait3A_381 = arith.constant 0 : i32
      %dma_wait3A_382 = tpu.memref_slice %arg4[%dma_wait3A_381] : memref<320000xi32, #tpu.memory_space<hbm>> -> memref<128xi32, #tpu.memory_space<hbm>>
      tpu.wait_dma2 semaphore(%arg18 : memref<!tpu.dma_semaphore, #tpu.memory_space<semaphore_mem>>) src(%dma_wait3A_382 : memref<128xi32, #tpu.memory_space<hbm>>) dst(%arg7 : memref<128xi32, #tpu.memory_space<vmem>>)
      %dma_start3A_383 = arith.constant 0 : i32
      %dma_start3A_384 = arith.constant 0 : i32
      %dma_start3A_385 = tpu.memref_slice %arg13[%dma_start3A_383, %dma_start3A_384] : memref<10240x64xf32, #tpu.memory_space<vmem_shared>> -> memref<10240x64xf32, #tpu.memory_space<vmem_shared>>
      tpu.enqueue_indirect_dma source(%arg10 : memref<128x64xf32, #tpu.memory_space<vmem>>) target(%dma_start3A_385 : memref<10240x64xf32, #tpu.memory_space<vmem_shared>>) offsets(%arg7 : memref<128xi32, #tpu.memory_space<vmem>>) semaphore(%arg16 : memref<!tpu.dma_semaphore, #tpu.memory_space<semaphore_mem>>) {add = true}
      %dma_wait3A_386 = arith.constant 0 : i32
      %dma_wait3A_387 = arith.constant 0 : i32
      %dma_wait3A_388 = tpu.memref_slice %arg13[%dma_wait3A_386, %dma_wait3A_387] : memref<10240x64xf32, #tpu.memory_space<vmem_shared>> -> memref<10240x64xf32, #tpu.memory_space<vmem_shared>>
      tpu.wait_indirect_dma semaphore(%arg16 : memref<!tpu.dma_semaphore, #tpu.memory_space<semaphore_mem>>) src(%arg10 : memref<128x64xf32, #tpu.memory_space<vmem>>) dst(%dma_wait3A_388 : memref<10240x64xf32, #tpu.memory_space<vmem_shared>>)
      %add3A_389 = arith.constant 2 : i32
      %add3A_390 = arith.addi %mul3A_356, %add3A_389 : i32
      %mul3A_391 = arith.constant 128 : i32
      %mul3A_392 = arith.muli %add3A_390, %mul3A_391 : i32
      %add3A_393 = arith.addi %mul3A_2, %mul3A_392 : i32
      %dma_start3A_394 = tpu.memref_slice %arg4[%add3A_393] : memref<320000xi32, #tpu.memory_space<hbm>> -> memref<128xi32, #tpu.memory_space<hbm>>
      %dma_start3A_395 = tpu.memref_slice %arg4[%add3A_393] : memref<320000xi32, #tpu.memory_space<hbm>> -> memref<128xi32, #tpu.memory_space<hbm>>
      tpu.enqueue_dma source(%dma_start3A_395 : memref<128xi32, #tpu.memory_space<hbm>>) target(%arg7 : memref<128xi32, #tpu.memory_space<vmem>>) target_semaphore(%arg18 : memref<!tpu.dma_semaphore, #tpu.memory_space<semaphore_mem>>)
      %add3A_396 = arith.constant 2 : i32
      %add3A_397 = arith.addi %mul3A_356, %add3A_396 : i32
      %mul3A_398 = arith.constant 128 : i32
      %mul3A_399 = arith.muli %add3A_397, %mul3A_398 : i32
      %dma_start3A_400 = tpu.memref_slice %arg6[%mul3A_399] : memref<10000xi32, #tpu.memory_space<vmem>> -> memref<128xi32, #tpu.memory_space<vmem>>
      %dma_start3A_401 = arith.constant 0 : i32
      %dma_start3A_402 = arith.constant 0 : i32
      %dma_start3A_403 = tpu.memref_slice %arg2[%dma_start3A_401, %dma_start3A_402] : memref<10000x64xf32, #tpu.memory_space<hbm>> -> memref<10000x64xf32, #tpu.memory_space<hbm>>
      tpu.enqueue_indirect_dma source(%dma_start3A_403 : memref<10000x64xf32, #tpu.memory_space<hbm>>) target(%arg10 : memref<128x64xf32, #tpu.memory_space<vmem>>) offsets(%dma_start3A_400 : memref<128xi32, #tpu.memory_space<vmem>>) semaphore(%arg14 : memref<!tpu.dma_semaphore, #tpu.memory_space<semaphore_mem>>)
      %dma_wait3A_404 = arith.constant 0 : i32
      %dma_wait3A_405 = tpu.memref_slice %arg6[%dma_wait3A_404] : memref<10000xi32, #tpu.memory_space<vmem>> -> memref<128xi32, #tpu.memory_space<vmem>>
      %dma_wait3A_406 = arith.constant 0 : i32
      %dma_wait3A_407 = arith.constant 0 : i32
      %dma_wait3A_408 = tpu.memref_slice %arg2[%dma_wait3A_406, %dma_wait3A_407] : memref<10000x64xf32, #tpu.memory_space<hbm>> -> memref<10000x64xf32, #tpu.memory_space<hbm>>
      tpu.wait_indirect_dma semaphore(%arg15 : memref<!tpu.dma_semaphore, #tpu.memory_space<semaphore_mem>>) src(%dma_wait3A_408 : memref<10000x64xf32, #tpu.memory_space<hbm>>) dst(%arg11 : memref<128x64xf32, #tpu.memory_space<vmem>>)
      %dma_wait3A_409 = arith.constant 0 : i32
      %dma_wait3A_410 = tpu.memref_slice %arg4[%dma_wait3A_409] : memref<320000xi32, #tpu.memory_space<hbm>> -> memref<128xi32, #tpu.memory_space<hbm>>
      %dma_wait3A_411 = arith.constant 0 : i32
      %dma_wait3A_412 = tpu.memref_slice %arg4[%dma_wait3A_411] : memref<320000xi32, #tpu.memory_space<hbm>> -> memref<128xi32, #tpu.memory_space<hbm>>
      tpu.wait_dma2 semaphore(%arg19 : memref<!tpu.dma_semaphore, #tpu.memory_space<semaphore_mem>>) src(%dma_wait3A_412 : memref<128xi32, #tpu.memory_space<hbm>>) dst(%arg8 : memref<128xi32, #tpu.memory_space<vmem>>)
      %dma_start3A_413 = arith.constant 0 : i32
      %dma_start3A_414 = arith.constant 0 : i32
      %dma_start3A_415 = tpu.memref_slice %arg13[%dma_start3A_413, %dma_start3A_414] : memref<10240x64xf32, #tpu.memory_space<vmem_shared>> -> memref<10240x64xf32, #tpu.memory_space<vmem_shared>>
      tpu.enqueue_indirect_dma source(%arg11 : memref<128x64xf32, #tpu.memory_space<vmem>>) target(%dma_start3A_415 : memref<10240x64xf32, #tpu.memory_space<vmem_shared>>) offsets(%arg8 : memref<128xi32, #tpu.memory_space<vmem>>) semaphore(%arg17 : memref<!tpu.dma_semaphore, #tpu.memory_space<semaphore_mem>>) {add = true}
    }
    %scan3A_288 = arith.constant 38 : i32
    %dma_wait3A_289 = arith.constant 0 : i32
    %dma_wait3A_290 = arith.constant 0 : i32
    %dma_wait3A_291 = tpu.memref_slice %arg13[%dma_wait3A_289, %dma_wait3A_290] : memref<10240x64xf32, #tpu.memory_space<vmem_shared>> -> memref<10240x64xf32, #tpu.memory_space<vmem_shared>>
    tpu.wait_indirect_dma semaphore(%arg17 : memref<!tpu.dma_semaphore, #tpu.memory_space<semaphore_mem>>) src(%arg11 : memref<128x64xf32, #tpu.memory_space<vmem>>) dst(%dma_wait3A_291 : memref<10240x64xf32, #tpu.memory_space<vmem_shared>>)
    %add3A_292 = arith.constant 9856 : i32
    %add3A_293 = arith.addi %mul3A_2, %add3A_292 : i32
    %dma_start3A_294 = tpu.memref_slice %arg4[%add3A_293] : memref<320000xi32, #tpu.memory_space<hbm>> -> memref<128xi32, #tpu.memory_space<hbm>>
    %dma_start3A_295 = tpu.memref_slice %arg4[%add3A_293] : memref<320000xi32, #tpu.memory_space<hbm>> -> memref<128xi32, #tpu.memory_space<hbm>>
    tpu.enqueue_dma source(%dma_start3A_295 : memref<128xi32, #tpu.memory_space<hbm>>) target(%arg8 : memref<128xi32, #tpu.memory_space<vmem>>) target_semaphore(%arg19 : memref<!tpu.dma_semaphore, #tpu.memory_space<semaphore_mem>>)
    %dma_start3A_296 = arith.constant 9856 : i32
    %dma_start3A_297 = tpu.memref_slice %arg6[%dma_start3A_296] : memref<10000xi32, #tpu.memory_space<vmem>> -> memref<128xi32, #tpu.memory_space<vmem>>
    %dma_start3A_298 = arith.constant 0 : i32
    %dma_start3A_299 = arith.constant 0 : i32
    %dma_start3A_300 = tpu.memref_slice %arg2[%dma_start3A_298, %dma_start3A_299] : memref<10000x64xf32, #tpu.memory_space<hbm>> -> memref<10000x64xf32, #tpu.memory_space<hbm>>
    tpu.enqueue_indirect_dma source(%dma_start3A_300 : memref<10000x64xf32, #tpu.memory_space<hbm>>) target(%arg11 : memref<128x64xf32, #tpu.memory_space<vmem>>) offsets(%dma_start3A_297 : memref<128xi32, #tpu.memory_space<vmem>>) semaphore(%arg15 : memref<!tpu.dma_semaphore, #tpu.memory_space<semaphore_mem>>)
    %dma_wait3A_301 = arith.constant 0 : i32
    %dma_wait3A_302 = tpu.memref_slice %arg6[%dma_wait3A_301] : memref<10000xi32, #tpu.memory_space<vmem>> -> memref<128xi32, #tpu.memory_space<vmem>>
    %dma_wait3A_303 = arith.constant 0 : i32
    %dma_wait3A_304 = arith.constant 0 : i32
    %dma_wait3A_305 = tpu.memref_slice %arg2[%dma_wait3A_303, %dma_wait3A_304] : memref<10000x64xf32, #tpu.memory_space<hbm>> -> memref<10000x64xf32, #tpu.memory_space<hbm>>
    tpu.wait_indirect_dma semaphore(%arg14 : memref<!tpu.dma_semaphore, #tpu.memory_space<semaphore_mem>>) src(%dma_wait3A_305 : memref<10000x64xf32, #tpu.memory_space<hbm>>) dst(%arg10 : memref<128x64xf32, #tpu.memory_space<vmem>>)
    %dma_wait3A_306 = arith.constant 0 : i32
    %dma_wait3A_307 = tpu.memref_slice %arg4[%dma_wait3A_306] : memref<320000xi32, #tpu.memory_space<hbm>> -> memref<128xi32, #tpu.memory_space<hbm>>
    %dma_wait3A_308 = arith.constant 0 : i32
    %dma_wait3A_309 = tpu.memref_slice %arg4[%dma_wait3A_308] : memref<320000xi32, #tpu.memory_space<hbm>> -> memref<128xi32, #tpu.memory_space<hbm>>
    tpu.wait_dma2 semaphore(%arg18 : memref<!tpu.dma_semaphore, #tpu.memory_space<semaphore_mem>>) src(%dma_wait3A_309 : memref<128xi32, #tpu.memory_space<hbm>>) dst(%arg7 : memref<128xi32, #tpu.memory_space<vmem>>)
    %dma_start3A_310 = arith.constant 0 : i32
    %dma_start3A_311 = arith.constant 0 : i32
    %dma_start3A_312 = tpu.memref_slice %arg13[%dma_start3A_310, %dma_start3A_311] : memref<10240x64xf32, #tpu.memory_space<vmem_shared>> -> memref<10240x64xf32, #tpu.memory_space<vmem_shared>>
    tpu.enqueue_indirect_dma source(%arg10 : memref<128x64xf32, #tpu.memory_space<vmem>>) target(%dma_start3A_312 : memref<10240x64xf32, #tpu.memory_space<vmem_shared>>) offsets(%arg7 : memref<128xi32, #tpu.memory_space<vmem>>) semaphore(%arg16 : memref<!tpu.dma_semaphore, #tpu.memory_space<semaphore_mem>>) {add = true}
    %dma_wait3A_313 = arith.constant 0 : i32
    %dma_wait3A_314 = arith.constant 0 : i32
    %dma_wait3A_315 = tpu.memref_slice %arg13[%dma_wait3A_313, %dma_wait3A_314] : memref<10240x64xf32, #tpu.memory_space<vmem_shared>> -> memref<10240x64xf32, #tpu.memory_space<vmem_shared>>
    tpu.wait_indirect_dma semaphore(%arg16 : memref<!tpu.dma_semaphore, #tpu.memory_space<semaphore_mem>>) src(%arg10 : memref<128x64xf32, #tpu.memory_space<vmem>>) dst(%dma_wait3A_315 : memref<10240x64xf32, #tpu.memory_space<vmem_shared>>)
    %add3A_316 = arith.constant 9984 : i32
    %add3A_317 = arith.addi %mul3A_2, %add3A_316 : i32
    "tpu.region"() ({
      %run_scoped3A = tpu.sem_alloc : memref<!tpu.dma_semaphore, #tpu.memory_space<semaphore_mem>>
      %dma_start3A_354 = tpu.memref_slice %arg4[%add3A_317] : memref<320000xi32, #tpu.memory_space<hbm>> -> memref<16xi32, #tpu.memory_space<hbm>>
      %dma_start3A_355 = tpu.memref_slice %arg4[%add3A_317] : memref<320000xi32, #tpu.memory_space<hbm>> -> memref<16xi32, #tpu.memory_space<hbm>>
      tpu.enqueue_dma source(%dma_start3A_355 : memref<16xi32, #tpu.memory_space<hbm>>) target(%arg9 : memref<16xi32, #tpu.memory_space<vmem>>) target_semaphore(%run_scoped3A : memref<!tpu.dma_semaphore, #tpu.memory_space<semaphore_mem>>)
      %dma_wait3A_356 = tpu.memref_slice %arg4[%add3A_317] : memref<320000xi32, #tpu.memory_space<hbm>> -> memref<16xi32, #tpu.memory_space<hbm>>
      %dma_wait3A_357 = tpu.memref_slice %arg4[%add3A_317] : memref<320000xi32, #tpu.memory_space<hbm>> -> memref<16xi32, #tpu.memory_space<hbm>>
      tpu.wait_dma2 semaphore(%run_scoped3A : memref<!tpu.dma_semaphore, #tpu.memory_space<semaphore_mem>>) src(%dma_wait3A_357 : memref<16xi32, #tpu.memory_space<hbm>>) dst(%arg9 : memref<16xi32, #tpu.memory_space<vmem>>)
      tpu.yield
    }) : () -> ()
    %dma_start3A_318 = arith.constant 9984 : i32
    %dma_start3A_319 = tpu.memref_slice %arg6[%dma_start3A_318] : memref<10000xi32, #tpu.memory_space<vmem>> -> memref<16xi32, #tpu.memory_space<vmem>>
    %dma_start3A_320 = arith.constant 0 : i32
    %dma_start3A_321 = arith.constant 0 : i32
    %dma_start3A_322 = tpu.memref_slice %arg2[%dma_start3A_320, %dma_start3A_321] : memref<10000x64xf32, #tpu.memory_space<hbm>> -> memref<10000x64xf32, #tpu.memory_space<hbm>>
    tpu.enqueue_indirect_dma source(%dma_start3A_322 : memref<10000x64xf32, #tpu.memory_space<hbm>>) target(%arg12 : memref<16x64xf32, #tpu.memory_space<vmem>>) offsets(%dma_start3A_319 : memref<16xi32, #tpu.memory_space<vmem>>) semaphore(%arg14 : memref<!tpu.dma_semaphore, #tpu.memory_space<semaphore_mem>>)
    %dma_wait3A_323 = arith.constant 0 : i32
    %dma_wait3A_324 = tpu.memref_slice %arg6[%dma_wait3A_323] : memref<10000xi32, #tpu.memory_space<vmem>> -> memref<16xi32, #tpu.memory_space<vmem>>
    %dma_wait3A_325 = arith.constant 0 : i32
    %dma_wait3A_326 = arith.constant 0 : i32
    %dma_wait3A_327 = tpu.memref_slice %arg2[%dma_wait3A_325, %dma_wait3A_326] : memref<10000x64xf32, #tpu.memory_space<hbm>> -> memref<10000x64xf32, #tpu.memory_space<hbm>>
    tpu.wait_indirect_dma semaphore(%arg14 : memref<!tpu.dma_semaphore, #tpu.memory_space<semaphore_mem>>) src(%dma_wait3A_327 : memref<10000x64xf32, #tpu.memory_space<hbm>>) dst(%arg12 : memref<16x64xf32, #tpu.memory_space<vmem>>)
    %dma_start3A_328 = arith.constant 0 : i32
    %dma_start3A_329 = arith.constant 0 : i32
    %dma_start3A_330 = tpu.memref_slice %arg13[%dma_start3A_328, %dma_start3A_329] : memref<10240x64xf32, #tpu.memory_space<vmem_shared>> -> memref<10240x64xf32, #tpu.memory_space<vmem_shared>>
    tpu.enqueue_indirect_dma source(%arg12 : memref<16x64xf32, #tpu.memory_space<vmem>>) target(%dma_start3A_330 : memref<10240x64xf32, #tpu.memory_space<vmem_shared>>) offsets(%arg9 : memref<16xi32, #tpu.memory_space<vmem>>) semaphore(%arg16 : memref<!tpu.dma_semaphore, #tpu.memory_space<semaphore_mem>>) {add = true}
    %dma_wait3A_331 = arith.constant 0 : i32
    %dma_wait3A_332 = tpu.memref_slice %arg6[%dma_wait3A_331] : memref<10000xi32, #tpu.memory_space<vmem>> -> memref<128xi32, #tpu.memory_space<vmem>>
    %dma_wait3A_333 = arith.constant 0 : i32
    %dma_wait3A_334 = arith.constant 0 : i32
    %dma_wait3A_335 = tpu.memref_slice %arg2[%dma_wait3A_333, %dma_wait3A_334] : memref<10000x64xf32, #tpu.memory_space<hbm>> -> memref<10000x64xf32, #tpu.memory_space<hbm>>
    tpu.wait_indirect_dma semaphore(%arg15 : memref<!tpu.dma_semaphore, #tpu.memory_space<semaphore_mem>>) src(%dma_wait3A_335 : memref<10000x64xf32, #tpu.memory_space<hbm>>) dst(%arg11 : memref<128x64xf32, #tpu.memory_space<vmem>>)
    %dma_wait3A_336 = arith.constant 0 : i32
    %dma_wait3A_337 = tpu.memref_slice %arg4[%dma_wait3A_336] : memref<320000xi32, #tpu.memory_space<hbm>> -> memref<128xi32, #tpu.memory_space<hbm>>
    %dma_wait3A_338 = arith.constant 0 : i32
    %dma_wait3A_339 = tpu.memref_slice %arg4[%dma_wait3A_338] : memref<320000xi32, #tpu.memory_space<hbm>> -> memref<128xi32, #tpu.memory_space<hbm>>
    tpu.wait_dma2 semaphore(%arg19 : memref<!tpu.dma_semaphore, #tpu.memory_space<semaphore_mem>>) src(%dma_wait3A_339 : memref<128xi32, #tpu.memory_space<hbm>>) dst(%arg8 : memref<128xi32, #tpu.memory_space<vmem>>)
    %dma_start3A_340 = arith.constant 0 : i32
    %dma_start3A_341 = arith.constant 0 : i32
    %dma_start3A_342 = tpu.memref_slice %arg13[%dma_start3A_340, %dma_start3A_341] : memref<10240x64xf32, #tpu.memory_space<vmem_shared>> -> memref<10240x64xf32, #tpu.memory_space<vmem_shared>>
    tpu.enqueue_indirect_dma source(%arg11 : memref<128x64xf32, #tpu.memory_space<vmem>>) target(%dma_start3A_342 : memref<10240x64xf32, #tpu.memory_space<vmem_shared>>) offsets(%arg8 : memref<128xi32, #tpu.memory_space<vmem>>) semaphore(%arg17 : memref<!tpu.dma_semaphore, #tpu.memory_space<semaphore_mem>>) {add = true}
    %dma_wait3A_343 = arith.constant 0 : i32
    %dma_wait3A_344 = arith.constant 0 : i32
    %dma_wait3A_345 = tpu.memref_slice %arg13[%dma_wait3A_343, %dma_wait3A_344] : memref<10240x64xf32, #tpu.memory_space<vmem_shared>> -> memref<10240x64xf32, #tpu.memory_space<vmem_shared>>
    tpu.wait_indirect_dma semaphore(%arg16 : memref<!tpu.dma_semaphore, #tpu.memory_space<semaphore_mem>>) src(%arg12 : memref<16x64xf32, #tpu.memory_space<vmem>>) dst(%dma_wait3A_345 : memref<10240x64xf32, #tpu.memory_space<vmem_shared>>)
    %dma_wait3A_346 = arith.constant 0 : i32
    %dma_wait3A_347 = arith.constant 0 : i32
    %dma_wait3A_348 = tpu.memref_slice %arg13[%dma_wait3A_346, %dma_wait3A_347] : memref<10240x64xf32, #tpu.memory_space<vmem_shared>> -> memref<10240x64xf32, #tpu.memory_space<vmem_shared>>
    tpu.wait_indirect_dma semaphore(%arg17 : memref<!tpu.dma_semaphore, #tpu.memory_space<semaphore_mem>>) src(%arg11 : memref<128x64xf32, #tpu.memory_space<vmem>>) dst(%dma_wait3A_348 : memref<10240x64xf32, #tpu.memory_space<vmem_shared>>)
    %barrier3A_349 = arith.constant 0 : index
    tpu.barrier barrier_id(%barrier3A_349)
    %mul3A_350 = arith.constant 640 : i32
    %mul3A_351 = arith.muli %arg1, %mul3A_350 : i32
    %mul3A_352 = arith.constant 640 : i32
    %mul3A_353 = arith.muli %arg1, %mul3A_352 : i32
    "tpu.region"() ({
      %run_scoped3A = tpu.sem_alloc : memref<!tpu.dma_semaphore, #tpu.memory_space<semaphore_mem>>
      %dma_start3A_354 = arith.constant 0 : i32
      %dma_start3A_355 = tpu.memref_slice %arg5[%arg0, %mul3A_353, %dma_start3A_354] : memref<2x10240x64xf32, #tpu.memory_space<hbm>> -> memref<1x640x64xf32, #tpu.memory_space<hbm>>
      %dma_start3A_356 = tpu.memref_squeeze %dma_start3A_355 : memref<1x640x64xf32, #tpu.memory_space<hbm>> -> memref<640x64xf32, #tpu.memory_space<hbm>>
      %dma_start3A_357 = arith.constant 0 : i32
      %dma_start3A_358 = tpu.memref_slice %arg13[%mul3A_351, %dma_start3A_357] : memref<10240x64xf32, #tpu.memory_space<vmem_shared>> -> memref<640x64xf32, #tpu.memory_space<vmem_shared>>
      tpu.enqueue_dma source(%dma_start3A_358 : memref<640x64xf32, #tpu.memory_space<vmem_shared>>) target(%dma_start3A_356 : memref<640x64xf32, #tpu.memory_space<hbm>>) target_semaphore(%run_scoped3A : memref<!tpu.dma_semaphore, #tpu.memory_space<semaphore_mem>>)
      %dma_wait3A_359 = arith.constant 0 : i32
      %dma_wait3A_360 = tpu.memref_slice %arg5[%arg0, %mul3A_353, %dma_wait3A_359] : memref<2x10240x64xf32, #tpu.memory_space<hbm>> -> memref<1x640x64xf32, #tpu.memory_space<hbm>>
      %dma_wait3A_361 = tpu.memref_squeeze %dma_wait3A_360 : memref<1x640x64xf32, #tpu.memory_space<hbm>> -> memref<640x64xf32, #tpu.memory_space<hbm>>
      %dma_wait3A_362 = arith.constant 0 : i32
      %dma_wait3A_363 = tpu.memref_slice %arg13[%mul3A_351, %dma_wait3A_362] : memref<10240x64xf32, #tpu.memory_space<vmem_shared>> -> memref<640x64xf32, #tpu.memory_space<vmem_shared>>
      tpu.wait_dma2 semaphore(%run_scoped3A : memref<!tpu.dma_semaphore, #tpu.memory_space<semaphore_mem>>) src(%dma_wait3A_363 : memref<640x64xf32, #tpu.memory_space<vmem_shared>>) dst(%dma_wait3A_361 : memref<640x64xf32, #tpu.memory_space<hbm>>)
      tpu.yield
    }) : () -> ()
    return
  }
}

#map = affine_map<(d0, d1) -> (0, 0)>
#map1 = affine_map<(d0, d1) -> (0)>
#map2 = affine_map<(d0, d1) -> (0, 0, 0)>
module attributes {stable_mosaic.version = 14 : i64} {
  func.func @_agg(%arg0: i32, %arg1: i32, %arg2: memref<10000x128xf32, #tpu.memory_space<hbm>>, %arg3: memref<320000xi32, #tpu.memory_space<hbm>>, %arg4: memref<320000xi32, #tpu.memory_space<hbm>>, %arg5: memref<2x10240x128xf32, #tpu.memory_space<hbm>>, %arg6: memref<10000xi32, #tpu.memory_space<vmem>>, %arg7: memref<128xi32, #tpu.memory_space<vmem>>, %arg8: memref<128xi32, #tpu.memory_space<vmem>>, %arg9: memref<16xi32, #tpu.memory_space<vmem>>, %arg10: memref<128x128xf32, #tpu.memory_space<vmem>>, %arg11: memref<128x128xf32, #tpu.memory_space<vmem>>, %arg12: memref<16x128xf32, #tpu.memory_space<vmem>>, %arg13: memref<10240x128xf32, #tpu.memory_space<vmem_shared>>, %arg14: memref<!tpu.dma_semaphore, #tpu.memory_space<semaphore_mem>>, %arg15: memref<!tpu.dma_semaphore, #tpu.memory_space<semaphore_mem>>, %arg16: memref<!tpu.dma_semaphore, #tpu.memory_space<semaphore_mem>>, %arg17: memref<!tpu.dma_semaphore, #tpu.memory_space<semaphore_mem>>, %arg18: memref<!tpu.dma_semaphore, #tpu.memory_space<semaphore_mem>>, %arg19: memref<!tpu.dma_semaphore, #tpu.memory_space<semaphore_mem>>) attributes {dimension_semantics = [#tpu.dimension_semantics<core_parallel>, #tpu.dimension_semantics<subcore_parallel>], iteration_bounds = array<i64: 2, 16>, scalar_prefetch = 0 : i64, scratch_operands = 14 : i64, tpu.core_type = #tpu.core_type<sc_vector_subcore>, window_params = [{transform_indices = #map}, {transform_indices = #map1}, {transform_indices = #map1}, {transform_indices = #map2}]} {
    %mul3A = arith.constant 2 : i32
    %mul3A_0 = arith.muli %arg1, %mul3A : i32
    %add3A = arith.addi %mul3A_0, %arg0 : i32
    %mul3A_1 = arith.constant 10000 : i32
    %mul3A_2 = arith.muli %add3A, %mul3A_1 : i32
    %dma_start3A = tpu.memref_slice %arg3[%mul3A_2] : memref<320000xi32, #tpu.memory_space<hbm>> -> memref<10000xi32, #tpu.memory_space<hbm>>
    %dma_start3A_3 = tpu.memref_slice %arg3[%mul3A_2] : memref<320000xi32, #tpu.memory_space<hbm>> -> memref<10000xi32, #tpu.memory_space<hbm>>
    tpu.enqueue_dma source(%dma_start3A_3 : memref<10000xi32, #tpu.memory_space<hbm>>) target(%arg6 : memref<10000xi32, #tpu.memory_space<vmem>>) target_semaphore(%arg15 : memref<!tpu.dma_semaphore, #tpu.memory_space<semaphore_mem>>)
    %broadcast_in_dim3A = arith.constant 0.000000e+00 : f32
    %broadcast_in_dim3A_4 = vector.broadcast %broadcast_in_dim3A : f32 to vector<16xf32>
    %swap3A = arith.constant 0 : i32
    %swap3A_5 = arith.index_cast %swap3A : i32 to index
    %swap3A_6 = arith.constant 0 : index
    %swap3A_7 = tpu.vector_load %arg12[%swap3A_5, %swap3A_6] {strides = array<i32>} : memref<16x128xf32, #tpu.memory_space<vmem>>, vector<16xf32>,
    tpu.vector_store %arg12[%swap3A_5, %swap3A_6], %broadcast_in_dim3A_4 {strides = array<i32>} : memref<16x128xf32, #tpu.memory_space<vmem>>, vector<16xf32>,
    %swap3A_8 = arith.constant 0 : i32
    %swap3A_9 = arith.index_cast %swap3A_8 : i32 to index
    %swap3A_10 = arith.constant 16 : index
    %swap3A_11 = tpu.vector_load %arg12[%swap3A_9, %swap3A_10] {strides = array<i32>} : memref<16x128xf32, #tpu.memory_space<vmem>>, vector<16xf32>,
    tpu.vector_store %arg12[%swap3A_9, %swap3A_10], %broadcast_in_dim3A_4 {strides = array<i32>} : memref<16x128xf32, #tpu.memory_space<vmem>>, vector<16xf32>,
    %swap3A_12 = arith.constant 0 : i32
    %swap3A_13 = arith.index_cast %swap3A_12 : i32 to index
    %swap3A_14 = arith.constant 32 : index
    %swap3A_15 = tpu.vector_load %arg12[%swap3A_13, %swap3A_14] {strides = array<i32>} : memref<16x128xf32, #tpu.memory_space<vmem>>, vector<16xf32>,
    tpu.vector_store %arg12[%swap3A_13, %swap3A_14], %broadcast_in_dim3A_4 {strides = array<i32>} : memref<16x128xf32, #tpu.memory_space<vmem>>, vector<16xf32>,
    %swap3A_16 = arith.constant 0 : i32
    %swap3A_17 = arith.index_cast %swap3A_16 : i32 to index
    %swap3A_18 = arith.constant 48 : index
    %swap3A_19 = tpu.vector_load %arg12[%swap3A_17, %swap3A_18] {strides = array<i32>} : memref<16x128xf32, #tpu.memory_space<vmem>>, vector<16xf32>,
    tpu.vector_store %arg12[%swap3A_17, %swap3A_18], %broadcast_in_dim3A_4 {strides = array<i32>} : memref<16x128xf32, #tpu.memory_space<vmem>>, vector<16xf32>,
    %swap3A_20 = arith.constant 0 : i32
    %swap3A_21 = arith.index_cast %swap3A_20 : i32 to index
    %swap3A_22 = arith.constant 64 : index
    %swap3A_23 = tpu.vector_load %arg12[%swap3A_21, %swap3A_22] {strides = array<i32>} : memref<16x128xf32, #tpu.memory_space<vmem>>, vector<16xf32>,
    tpu.vector_store %arg12[%swap3A_21, %swap3A_22], %broadcast_in_dim3A_4 {strides = array<i32>} : memref<16x128xf32, #tpu.memory_space<vmem>>, vector<16xf32>,
    %swap3A_24 = arith.constant 0 : i32
    %swap3A_25 = arith.index_cast %swap3A_24 : i32 to index
    %swap3A_26 = arith.constant 80 : index
    %swap3A_27 = tpu.vector_load %arg12[%swap3A_25, %swap3A_26] {strides = array<i32>} : memref<16x128xf32, #tpu.memory_space<vmem>>, vector<16xf32>,
    tpu.vector_store %arg12[%swap3A_25, %swap3A_26], %broadcast_in_dim3A_4 {strides = array<i32>} : memref<16x128xf32, #tpu.memory_space<vmem>>, vector<16xf32>,
    %swap3A_28 = arith.constant 0 : i32
    %swap3A_29 = arith.index_cast %swap3A_28 : i32 to index
    %swap3A_30 = arith.constant 96 : index
    %swap3A_31 = tpu.vector_load %arg12[%swap3A_29, %swap3A_30] {strides = array<i32>} : memref<16x128xf32, #tpu.memory_space<vmem>>, vector<16xf32>,
    tpu.vector_store %arg12[%swap3A_29, %swap3A_30], %broadcast_in_dim3A_4 {strides = array<i32>} : memref<16x128xf32, #tpu.memory_space<vmem>>, vector<16xf32>,
    %swap3A_32 = arith.constant 0 : i32
    %swap3A_33 = arith.index_cast %swap3A_32 : i32 to index
    %swap3A_34 = arith.constant 112 : index
    %swap3A_35 = tpu.vector_load %arg12[%swap3A_33, %swap3A_34] {strides = array<i32>} : memref<16x128xf32, #tpu.memory_space<vmem>>, vector<16xf32>,
    tpu.vector_store %arg12[%swap3A_33, %swap3A_34], %broadcast_in_dim3A_4 {strides = array<i32>} : memref<16x128xf32, #tpu.memory_space<vmem>>, vector<16xf32>,
    %swap3A_36 = arith.constant 1 : i32
    %swap3A_37 = arith.index_cast %swap3A_36 : i32 to index
    %swap3A_38 = arith.constant 0 : index
    %swap3A_39 = tpu.vector_load %arg12[%swap3A_37, %swap3A_38] {strides = array<i32>} : memref<16x128xf32, #tpu.memory_space<vmem>>, vector<16xf32>,
    tpu.vector_store %arg12[%swap3A_37, %swap3A_38], %broadcast_in_dim3A_4 {strides = array<i32>} : memref<16x128xf32, #tpu.memory_space<vmem>>, vector<16xf32>,
    %swap3A_40 = arith.constant 1 : i32
    %swap3A_41 = arith.index_cast %swap3A_40 : i32 to index
    %swap3A_42 = arith.constant 16 : index
    %swap3A_43 = tpu.vector_load %arg12[%swap3A_41, %swap3A_42] {strides = array<i32>} : memref<16x128xf32, #tpu.memory_space<vmem>>, vector<16xf32>,
    tpu.vector_store %arg12[%swap3A_41, %swap3A_42], %broadcast_in_dim3A_4 {strides = array<i32>} : memref<16x128xf32, #tpu.memory_space<vmem>>, vector<16xf32>,
    %swap3A_44 = arith.constant 1 : i32
    %swap3A_45 = arith.index_cast %swap3A_44 : i32 to index
    %swap3A_46 = arith.constant 32 : index
    %swap3A_47 = tpu.vector_load %arg12[%swap3A_45, %swap3A_46] {strides = array<i32>} : memref<16x128xf32, #tpu.memory_space<vmem>>, vector<16xf32>,
    tpu.vector_store %arg12[%swap3A_45, %swap3A_46], %broadcast_in_dim3A_4 {strides = array<i32>} : memref<16x128xf32, #tpu.memory_space<vmem>>, vector<16xf32>,
    %swap3A_48 = arith.constant 1 : i32
    %swap3A_49 = arith.index_cast %swap3A_48 : i32 to index
    %swap3A_50 = arith.constant 48 : index
    %swap3A_51 = tpu.vector_load %arg12[%swap3A_49, %swap3A_50] {strides = array<i32>} : memref<16x128xf32, #tpu.memory_space<vmem>>, vector<16xf32>,
    tpu.vector_store %arg12[%swap3A_49, %swap3A_50], %broadcast_in_dim3A_4 {strides = array<i32>} : memref<16x128xf32, #tpu.memory_space<vmem>>, vector<16xf32>,
    %swap3A_52 = arith.constant 1 : i32
    %swap3A_53 = arith.index_cast %swap3A_52 : i32 to index
    %swap3A_54 = arith.constant 64 : index
    %swap3A_55 = tpu.vector_load %arg12[%swap3A_53, %swap3A_54] {strides = array<i32>} : memref<16x128xf32, #tpu.memory_space<vmem>>, vector<16xf32>,
    tpu.vector_store %arg12[%swap3A_53, %swap3A_54], %broadcast_in_dim3A_4 {strides = array<i32>} : memref<16x128xf32, #tpu.memory_space<vmem>>, vector<16xf32>,
    %swap3A_56 = arith.constant 1 : i32
    %swap3A_57 = arith.index_cast %swap3A_56 : i32 to index
    %swap3A_58 = arith.constant 80 : index
    %swap3A_59 = tpu.vector_load %arg12[%swap3A_57, %swap3A_58] {strides = array<i32>} : memref<16x128xf32, #tpu.memory_space<vmem>>, vector<16xf32>,
    tpu.vector_store %arg12[%swap3A_57, %swap3A_58], %broadcast_in_dim3A_4 {strides = array<i32>} : memref<16x128xf32, #tpu.memory_space<vmem>>, vector<16xf32>,
    %swap3A_60 = arith.constant 1 : i32
    %swap3A_61 = arith.index_cast %swap3A_60 : i32 to index
    %swap3A_62 = arith.constant 96 : index
    %swap3A_63 = tpu.vector_load %arg12[%swap3A_61, %swap3A_62] {strides = array<i32>} : memref<16x128xf32, #tpu.memory_space<vmem>>, vector<16xf32>,
    tpu.vector_store %arg12[%swap3A_61, %swap3A_62], %broadcast_in_dim3A_4 {strides = array<i32>} : memref<16x128xf32, #tpu.memory_space<vmem>>, vector<16xf32>,
    %swap3A_64 = arith.constant 1 : i32
    %swap3A_65 = arith.index_cast %swap3A_64 : i32 to index
    %swap3A_66 = arith.constant 112 : index
    %swap3A_67 = tpu.vector_load %arg12[%swap3A_65, %swap3A_66] {strides = array<i32>} : memref<16x128xf32, #tpu.memory_space<vmem>>, vector<16xf32>,
    tpu.vector_store %arg12[%swap3A_65, %swap3A_66], %broadcast_in_dim3A_4 {strides = array<i32>} : memref<16x128xf32, #tpu.memory_space<vmem>>, vector<16xf32>,
    %swap3A_68 = arith.constant 2 : i32
    %swap3A_69 = arith.index_cast %swap3A_68 : i32 to index
    %swap3A_70 = arith.constant 0 : index
    %swap3A_71 = tpu.vector_load %arg12[%swap3A_69, %swap3A_70] {strides = array<i32>} : memref<16x128xf32, #tpu.memory_space<vmem>>, vector<16xf32>,
    tpu.vector_store %arg12[%swap3A_69, %swap3A_70], %broadcast_in_dim3A_4 {strides = array<i32>} : memref<16x128xf32, #tpu.memory_space<vmem>>, vector<16xf32>,
    %swap3A_72 = arith.constant 2 : i32
    %swap3A_73 = arith.index_cast %swap3A_72 : i32 to index
    %swap3A_74 = arith.constant 16 : index
    %swap3A_75 = tpu.vector_load %arg12[%swap3A_73, %swap3A_74] {strides = array<i32>} : memref<16x128xf32, #tpu.memory_space<vmem>>, vector<16xf32>,
    tpu.vector_store %arg12[%swap3A_73, %swap3A_74], %broadcast_in_dim3A_4 {strides = array<i32>} : memref<16x128xf32, #tpu.memory_space<vmem>>, vector<16xf32>,
    %swap3A_76 = arith.constant 2 : i32
    %swap3A_77 = arith.index_cast %swap3A_76 : i32 to index
    %swap3A_78 = arith.constant 32 : index
    %swap3A_79 = tpu.vector_load %arg12[%swap3A_77, %swap3A_78] {strides = array<i32>} : memref<16x128xf32, #tpu.memory_space<vmem>>, vector<16xf32>,
    tpu.vector_store %arg12[%swap3A_77, %swap3A_78], %broadcast_in_dim3A_4 {strides = array<i32>} : memref<16x128xf32, #tpu.memory_space<vmem>>, vector<16xf32>,
    %swap3A_80 = arith.constant 2 : i32
    %swap3A_81 = arith.index_cast %swap3A_80 : i32 to index
    %swap3A_82 = arith.constant 48 : index
    %swap3A_83 = tpu.vector_load %arg12[%swap3A_81, %swap3A_82] {strides = array<i32>} : memref<16x128xf32, #tpu.memory_space<vmem>>, vector<16xf32>,
    tpu.vector_store %arg12[%swap3A_81, %swap3A_82], %broadcast_in_dim3A_4 {strides = array<i32>} : memref<16x128xf32, #tpu.memory_space<vmem>>, vector<16xf32>,
    %swap3A_84 = arith.constant 2 : i32
    %swap3A_85 = arith.index_cast %swap3A_84 : i32 to index
    %swap3A_86 = arith.constant 64 : index
    %swap3A_87 = tpu.vector_load %arg12[%swap3A_85, %swap3A_86] {strides = array<i32>} : memref<16x128xf32, #tpu.memory_space<vmem>>, vector<16xf32>,
    tpu.vector_store %arg12[%swap3A_85, %swap3A_86], %broadcast_in_dim3A_4 {strides = array<i32>} : memref<16x128xf32, #tpu.memory_space<vmem>>, vector<16xf32>,
    %swap3A_88 = arith.constant 2 : i32
    %swap3A_89 = arith.index_cast %swap3A_88 : i32 to index
    %swap3A_90 = arith.constant 80 : index
    %swap3A_91 = tpu.vector_load %arg12[%swap3A_89, %swap3A_90] {strides = array<i32>} : memref<16x128xf32, #tpu.memory_space<vmem>>, vector<16xf32>,
    tpu.vector_store %arg12[%swap3A_89, %swap3A_90], %broadcast_in_dim3A_4 {strides = array<i32>} : memref<16x128xf32, #tpu.memory_space<vmem>>, vector<16xf32>,
    %swap3A_92 = arith.constant 2 : i32
    %swap3A_93 = arith.index_cast %swap3A_92 : i32 to index
    %swap3A_94 = arith.constant 96 : index
    %swap3A_95 = tpu.vector_load %arg12[%swap3A_93, %swap3A_94] {strides = array<i32>} : memref<16x128xf32, #tpu.memory_space<vmem>>, vector<16xf32>,
    tpu.vector_store %arg12[%swap3A_93, %swap3A_94], %broadcast_in_dim3A_4 {strides = array<i32>} : memref<16x128xf32, #tpu.memory_space<vmem>>, vector<16xf32>,
    %swap3A_96 = arith.constant 2 : i32
    %swap3A_97 = arith.index_cast %swap3A_96 : i32 to index
    %swap3A_98 = arith.constant 112 : index
    %swap3A_99 = tpu.vector_load %arg12[%swap3A_97, %swap3A_98] {strides = array<i32>} : memref<16x128xf32, #tpu.memory_space<vmem>>, vector<16xf32>,
    tpu.vector_store %arg12[%swap3A_97, %swap3A_98], %broadcast_in_dim3A_4 {strides = array<i32>} : memref<16x128xf32, #tpu.memory_space<vmem>>, vector<16xf32>,
    %swap3A_100 = arith.constant 3 : i32
    %swap3A_101 = arith.index_cast %swap3A_100 : i32 to index
    %swap3A_102 = arith.constant 0 : index
    %swap3A_103 = tpu.vector_load %arg12[%swap3A_101, %swap3A_102] {strides = array<i32>} : memref<16x128xf32, #tpu.memory_space<vmem>>, vector<16xf32>,
    tpu.vector_store %arg12[%swap3A_101, %swap3A_102], %broadcast_in_dim3A_4 {strides = array<i32>} : memref<16x128xf32, #tpu.memory_space<vmem>>, vector<16xf32>,
    %swap3A_104 = arith.constant 3 : i32
    %swap3A_105 = arith.index_cast %swap3A_104 : i32 to index
    %swap3A_106 = arith.constant 16 : index
    %swap3A_107 = tpu.vector_load %arg12[%swap3A_105, %swap3A_106] {strides = array<i32>} : memref<16x128xf32, #tpu.memory_space<vmem>>, vector<16xf32>,
    tpu.vector_store %arg12[%swap3A_105, %swap3A_106], %broadcast_in_dim3A_4 {strides = array<i32>} : memref<16x128xf32, #tpu.memory_space<vmem>>, vector<16xf32>,
    %swap3A_108 = arith.constant 3 : i32
    %swap3A_109 = arith.index_cast %swap3A_108 : i32 to index
    %swap3A_110 = arith.constant 32 : index
    %swap3A_111 = tpu.vector_load %arg12[%swap3A_109, %swap3A_110] {strides = array<i32>} : memref<16x128xf32, #tpu.memory_space<vmem>>, vector<16xf32>,
    tpu.vector_store %arg12[%swap3A_109, %swap3A_110], %broadcast_in_dim3A_4 {strides = array<i32>} : memref<16x128xf32, #tpu.memory_space<vmem>>, vector<16xf32>,
    %swap3A_112 = arith.constant 3 : i32
    %swap3A_113 = arith.index_cast %swap3A_112 : i32 to index
    %swap3A_114 = arith.constant 48 : index
    %swap3A_115 = tpu.vector_load %arg12[%swap3A_113, %swap3A_114] {strides = array<i32>} : memref<16x128xf32, #tpu.memory_space<vmem>>, vector<16xf32>,
    tpu.vector_store %arg12[%swap3A_113, %swap3A_114], %broadcast_in_dim3A_4 {strides = array<i32>} : memref<16x128xf32, #tpu.memory_space<vmem>>, vector<16xf32>,
    %swap3A_116 = arith.constant 3 : i32
    %swap3A_117 = arith.index_cast %swap3A_116 : i32 to index
    %swap3A_118 = arith.constant 64 : index
    %swap3A_119 = tpu.vector_load %arg12[%swap3A_117, %swap3A_118] {strides = array<i32>} : memref<16x128xf32, #tpu.memory_space<vmem>>, vector<16xf32>,
    tpu.vector_store %arg12[%swap3A_117, %swap3A_118], %broadcast_in_dim3A_4 {strides = array<i32>} : memref<16x128xf32, #tpu.memory_space<vmem>>, vector<16xf32>,
    %swap3A_120 = arith.constant 3 : i32
    %swap3A_121 = arith.index_cast %swap3A_120 : i32 to index
    %swap3A_122 = arith.constant 80 : index
    %swap3A_123 = tpu.vector_load %arg12[%swap3A_121, %swap3A_122] {strides = array<i32>} : memref<16x128xf32, #tpu.memory_space<vmem>>, vector<16xf32>,
    tpu.vector_store %arg12[%swap3A_121, %swap3A_122], %broadcast_in_dim3A_4 {strides = array<i32>} : memref<16x128xf32, #tpu.memory_space<vmem>>, vector<16xf32>,
    %swap3A_124 = arith.constant 3 : i32
    %swap3A_125 = arith.index_cast %swap3A_124 : i32 to index
    %swap3A_126 = arith.constant 96 : index
    %swap3A_127 = tpu.vector_load %arg12[%swap3A_125, %swap3A_126] {strides = array<i32>} : memref<16x128xf32, #tpu.memory_space<vmem>>, vector<16xf32>,
    tpu.vector_store %arg12[%swap3A_125, %swap3A_126], %broadcast_in_dim3A_4 {strides = array<i32>} : memref<16x128xf32, #tpu.memory_space<vmem>>, vector<16xf32>,
    %swap3A_128 = arith.constant 3 : i32
    %swap3A_129 = arith.index_cast %swap3A_128 : i32 to index
    %swap3A_130 = arith.constant 112 : index
    %swap3A_131 = tpu.vector_load %arg12[%swap3A_129, %swap3A_130] {strides = array<i32>} : memref<16x128xf32, #tpu.memory_space<vmem>>, vector<16xf32>,
    tpu.vector_store %arg12[%swap3A_129, %swap3A_130], %broadcast_in_dim3A_4 {strides = array<i32>} : memref<16x128xf32, #tpu.memory_space<vmem>>, vector<16xf32>,
    %swap3A_132 = arith.constant 4 : i32
    %swap3A_133 = arith.index_cast %swap3A_132 : i32 to index
    %swap3A_134 = arith.constant 0 : index
    %swap3A_135 = tpu.vector_load %arg12[%swap3A_133, %swap3A_134] {strides = array<i32>} : memref<16x128xf32, #tpu.memory_space<vmem>>, vector<16xf32>,
    tpu.vector_store %arg12[%swap3A_133, %swap3A_134], %broadcast_in_dim3A_4 {strides = array<i32>} : memref<16x128xf32, #tpu.memory_space<vmem>>, vector<16xf32>,
    %swap3A_136 = arith.constant 4 : i32
    %swap3A_137 = arith.index_cast %swap3A_136 : i32 to index
    %swap3A_138 = arith.constant 16 : index
    %swap3A_139 = tpu.vector_load %arg12[%swap3A_137, %swap3A_138] {strides = array<i32>} : memref<16x128xf32, #tpu.memory_space<vmem>>, vector<16xf32>,
    tpu.vector_store %arg12[%swap3A_137, %swap3A_138], %broadcast_in_dim3A_4 {strides = array<i32>} : memref<16x128xf32, #tpu.memory_space<vmem>>, vector<16xf32>,
    %swap3A_140 = arith.constant 4 : i32
    %swap3A_141 = arith.index_cast %swap3A_140 : i32 to index
    %swap3A_142 = arith.constant 32 : index
    %swap3A_143 = tpu.vector_load %arg12[%swap3A_141, %swap3A_142] {strides = array<i32>} : memref<16x128xf32, #tpu.memory_space<vmem>>, vector<16xf32>,
    tpu.vector_store %arg12[%swap3A_141, %swap3A_142], %broadcast_in_dim3A_4 {strides = array<i32>} : memref<16x128xf32, #tpu.memory_space<vmem>>, vector<16xf32>,
    %swap3A_144 = arith.constant 4 : i32
    %swap3A_145 = arith.index_cast %swap3A_144 : i32 to index
    %swap3A_146 = arith.constant 48 : index
    %swap3A_147 = tpu.vector_load %arg12[%swap3A_145, %swap3A_146] {strides = array<i32>} : memref<16x128xf32, #tpu.memory_space<vmem>>, vector<16xf32>,
    tpu.vector_store %arg12[%swap3A_145, %swap3A_146], %broadcast_in_dim3A_4 {strides = array<i32>} : memref<16x128xf32, #tpu.memory_space<vmem>>, vector<16xf32>,
    %swap3A_148 = arith.constant 4 : i32
    %swap3A_149 = arith.index_cast %swap3A_148 : i32 to index
    %swap3A_150 = arith.constant 64 : index
    %swap3A_151 = tpu.vector_load %arg12[%swap3A_149, %swap3A_150] {strides = array<i32>} : memref<16x128xf32, #tpu.memory_space<vmem>>, vector<16xf32>,
    tpu.vector_store %arg12[%swap3A_149, %swap3A_150], %broadcast_in_dim3A_4 {strides = array<i32>} : memref<16x128xf32, #tpu.memory_space<vmem>>, vector<16xf32>,
    %swap3A_152 = arith.constant 4 : i32
    %swap3A_153 = arith.index_cast %swap3A_152 : i32 to index
    %swap3A_154 = arith.constant 80 : index
    %swap3A_155 = tpu.vector_load %arg12[%swap3A_153, %swap3A_154] {strides = array<i32>} : memref<16x128xf32, #tpu.memory_space<vmem>>, vector<16xf32>,
    tpu.vector_store %arg12[%swap3A_153, %swap3A_154], %broadcast_in_dim3A_4 {strides = array<i32>} : memref<16x128xf32, #tpu.memory_space<vmem>>, vector<16xf32>,
    %swap3A_156 = arith.constant 4 : i32
    %swap3A_157 = arith.index_cast %swap3A_156 : i32 to index
    %swap3A_158 = arith.constant 96 : index
    %swap3A_159 = tpu.vector_load %arg12[%swap3A_157, %swap3A_158] {strides = array<i32>} : memref<16x128xf32, #tpu.memory_space<vmem>>, vector<16xf32>,
    tpu.vector_store %arg12[%swap3A_157, %swap3A_158], %broadcast_in_dim3A_4 {strides = array<i32>} : memref<16x128xf32, #tpu.memory_space<vmem>>, vector<16xf32>,
    %swap3A_160 = arith.constant 4 : i32
    %swap3A_161 = arith.index_cast %swap3A_160 : i32 to index
    %swap3A_162 = arith.constant 112 : index
    %swap3A_163 = tpu.vector_load %arg12[%swap3A_161, %swap3A_162] {strides = array<i32>} : memref<16x128xf32, #tpu.memory_space<vmem>>, vector<16xf32>,
    tpu.vector_store %arg12[%swap3A_161, %swap3A_162], %broadcast_in_dim3A_4 {strides = array<i32>} : memref<16x128xf32, #tpu.memory_space<vmem>>, vector<16xf32>,
    %swap3A_164 = arith.constant 5 : i32
    %swap3A_165 = arith.index_cast %swap3A_164 : i32 to index
    %swap3A_166 = arith.constant 0 : index
    %swap3A_167 = tpu.vector_load %arg12[%swap3A_165, %swap3A_166] {strides = array<i32>} : memref<16x128xf32, #tpu.memory_space<vmem>>, vector<16xf32>,
    tpu.vector_store %arg12[%swap3A_165, %swap3A_166], %broadcast_in_dim3A_4 {strides = array<i32>} : memref<16x128xf32, #tpu.memory_space<vmem>>, vector<16xf32>,
    %swap3A_168 = arith.constant 5 : i32
    %swap3A_169 = arith.index_cast %swap3A_168 : i32 to index
    %swap3A_170 = arith.constant 16 : index
    %swap3A_171 = tpu.vector_load %arg12[%swap3A_169, %swap3A_170] {strides = array<i32>} : memref<16x128xf32, #tpu.memory_space<vmem>>, vector<16xf32>,
    tpu.vector_store %arg12[%swap3A_169, %swap3A_170], %broadcast_in_dim3A_4 {strides = array<i32>} : memref<16x128xf32, #tpu.memory_space<vmem>>, vector<16xf32>,
    %swap3A_172 = arith.constant 5 : i32
    %swap3A_173 = arith.index_cast %swap3A_172 : i32 to index
    %swap3A_174 = arith.constant 32 : index
    %swap3A_175 = tpu.vector_load %arg12[%swap3A_173, %swap3A_174] {strides = array<i32>} : memref<16x128xf32, #tpu.memory_space<vmem>>, vector<16xf32>,
    tpu.vector_store %arg12[%swap3A_173, %swap3A_174], %broadcast_in_dim3A_4 {strides = array<i32>} : memref<16x128xf32, #tpu.memory_space<vmem>>, vector<16xf32>,
    %swap3A_176 = arith.constant 5 : i32
    %swap3A_177 = arith.index_cast %swap3A_176 : i32 to index
    %swap3A_178 = arith.constant 48 : index
    %swap3A_179 = tpu.vector_load %arg12[%swap3A_177, %swap3A_178] {strides = array<i32>} : memref<16x128xf32, #tpu.memory_space<vmem>>, vector<16xf32>,
    tpu.vector_store %arg12[%swap3A_177, %swap3A_178], %broadcast_in_dim3A_4 {strides = array<i32>} : memref<16x128xf32, #tpu.memory_space<vmem>>, vector<16xf32>,
    %swap3A_180 = arith.constant 5 : i32
    %swap3A_181 = arith.index_cast %swap3A_180 : i32 to index
    %swap3A_182 = arith.constant 64 : index
    %swap3A_183 = tpu.vector_load %arg12[%swap3A_181, %swap3A_182] {strides = array<i32>} : memref<16x128xf32, #tpu.memory_space<vmem>>, vector<16xf32>,
    tpu.vector_store %arg12[%swap3A_181, %swap3A_182], %broadcast_in_dim3A_4 {strides = array<i32>} : memref<16x128xf32, #tpu.memory_space<vmem>>, vector<16xf32>,
    %swap3A_184 = arith.constant 5 : i32
    %swap3A_185 = arith.index_cast %swap3A_184 : i32 to index
    %swap3A_186 = arith.constant 80 : index
    %swap3A_187 = tpu.vector_load %arg12[%swap3A_185, %swap3A_186] {strides = array<i32>} : memref<16x128xf32, #tpu.memory_space<vmem>>, vector<16xf32>,
    tpu.vector_store %arg12[%swap3A_185, %swap3A_186], %broadcast_in_dim3A_4 {strides = array<i32>} : memref<16x128xf32, #tpu.memory_space<vmem>>, vector<16xf32>,
    %swap3A_188 = arith.constant 5 : i32
    %swap3A_189 = arith.index_cast %swap3A_188 : i32 to index
    %swap3A_190 = arith.constant 96 : index
    %swap3A_191 = tpu.vector_load %arg12[%swap3A_189, %swap3A_190] {strides = array<i32>} : memref<16x128xf32, #tpu.memory_space<vmem>>, vector<16xf32>,
    tpu.vector_store %arg12[%swap3A_189, %swap3A_190], %broadcast_in_dim3A_4 {strides = array<i32>} : memref<16x128xf32, #tpu.memory_space<vmem>>, vector<16xf32>,
    %swap3A_192 = arith.constant 5 : i32
    %swap3A_193 = arith.index_cast %swap3A_192 : i32 to index
    %swap3A_194 = arith.constant 112 : index
    %swap3A_195 = tpu.vector_load %arg12[%swap3A_193, %swap3A_194] {strides = array<i32>} : memref<16x128xf32, #tpu.memory_space<vmem>>, vector<16xf32>,
    tpu.vector_store %arg12[%swap3A_193, %swap3A_194], %broadcast_in_dim3A_4 {strides = array<i32>} : memref<16x128xf32, #tpu.memory_space<vmem>>, vector<16xf32>,
    %swap3A_196 = arith.constant 6 : i32
    %swap3A_197 = arith.index_cast %swap3A_196 : i32 to index
    %swap3A_198 = arith.constant 0 : index
    %swap3A_199 = tpu.vector_load %arg12[%swap3A_197, %swap3A_198] {strides = array<i32>} : memref<16x128xf32, #tpu.memory_space<vmem>>, vector<16xf32>,
    tpu.vector_store %arg12[%swap3A_197, %swap3A_198], %broadcast_in_dim3A_4 {strides = array<i32>} : memref<16x128xf32, #tpu.memory_space<vmem>>, vector<16xf32>,
    %swap3A_200 = arith.constant 6 : i32
    %swap3A_201 = arith.index_cast %swap3A_200 : i32 to index
    %swap3A_202 = arith.constant 16 : index
    %swap3A_203 = tpu.vector_load %arg12[%swap3A_201, %swap3A_202] {strides = array<i32>} : memref<16x128xf32, #tpu.memory_space<vmem>>, vector<16xf32>,
    tpu.vector_store %arg12[%swap3A_201, %swap3A_202], %broadcast_in_dim3A_4 {strides = array<i32>} : memref<16x128xf32, #tpu.memory_space<vmem>>, vector<16xf32>,
    %swap3A_204 = arith.constant 6 : i32
    %swap3A_205 = arith.index_cast %swap3A_204 : i32 to index
    %swap3A_206 = arith.constant 32 : index
    %swap3A_207 = tpu.vector_load %arg12[%swap3A_205, %swap3A_206] {strides = array<i32>} : memref<16x128xf32, #tpu.memory_space<vmem>>, vector<16xf32>,
    tpu.vector_store %arg12[%swap3A_205, %swap3A_206], %broadcast_in_dim3A_4 {strides = array<i32>} : memref<16x128xf32, #tpu.memory_space<vmem>>, vector<16xf32>,
    %swap3A_208 = arith.constant 6 : i32
    %swap3A_209 = arith.index_cast %swap3A_208 : i32 to index
    %swap3A_210 = arith.constant 48 : index
    %swap3A_211 = tpu.vector_load %arg12[%swap3A_209, %swap3A_210] {strides = array<i32>} : memref<16x128xf32, #tpu.memory_space<vmem>>, vector<16xf32>,
    tpu.vector_store %arg12[%swap3A_209, %swap3A_210], %broadcast_in_dim3A_4 {strides = array<i32>} : memref<16x128xf32, #tpu.memory_space<vmem>>, vector<16xf32>,
    %swap3A_212 = arith.constant 6 : i32
    %swap3A_213 = arith.index_cast %swap3A_212 : i32 to index
    %swap3A_214 = arith.constant 64 : index
    %swap3A_215 = tpu.vector_load %arg12[%swap3A_213, %swap3A_214] {strides = array<i32>} : memref<16x128xf32, #tpu.memory_space<vmem>>, vector<16xf32>,
    tpu.vector_store %arg12[%swap3A_213, %swap3A_214], %broadcast_in_dim3A_4 {strides = array<i32>} : memref<16x128xf32, #tpu.memory_space<vmem>>, vector<16xf32>,
    %swap3A_216 = arith.constant 6 : i32
    %swap3A_217 = arith.index_cast %swap3A_216 : i32 to index
    %swap3A_218 = arith.constant 80 : index
    %swap3A_219 = tpu.vector_load %arg12[%swap3A_217, %swap3A_218] {strides = array<i32>} : memref<16x128xf32, #tpu.memory_space<vmem>>, vector<16xf32>,
    tpu.vector_store %arg12[%swap3A_217, %swap3A_218], %broadcast_in_dim3A_4 {strides = array<i32>} : memref<16x128xf32, #tpu.memory_space<vmem>>, vector<16xf32>,
    %swap3A_220 = arith.constant 6 : i32
    %swap3A_221 = arith.index_cast %swap3A_220 : i32 to index
    %swap3A_222 = arith.constant 96 : index
    %swap3A_223 = tpu.vector_load %arg12[%swap3A_221, %swap3A_222] {strides = array<i32>} : memref<16x128xf32, #tpu.memory_space<vmem>>, vector<16xf32>,
    tpu.vector_store %arg12[%swap3A_221, %swap3A_222], %broadcast_in_dim3A_4 {strides = array<i32>} : memref<16x128xf32, #tpu.memory_space<vmem>>, vector<16xf32>,
    %swap3A_224 = arith.constant 6 : i32
    %swap3A_225 = arith.index_cast %swap3A_224 : i32 to index
    %swap3A_226 = arith.constant 112 : index
    %swap3A_227 = tpu.vector_load %arg12[%swap3A_225, %swap3A_226] {strides = array<i32>} : memref<16x128xf32, #tpu.memory_space<vmem>>, vector<16xf32>,
    tpu.vector_store %arg12[%swap3A_225, %swap3A_226], %broadcast_in_dim3A_4 {strides = array<i32>} : memref<16x128xf32, #tpu.memory_space<vmem>>, vector<16xf32>,
    %swap3A_228 = arith.constant 7 : i32
    %swap3A_229 = arith.index_cast %swap3A_228 : i32 to index
    %swap3A_230 = arith.constant 0 : index
    %swap3A_231 = tpu.vector_load %arg12[%swap3A_229, %swap3A_230] {strides = array<i32>} : memref<16x128xf32, #tpu.memory_space<vmem>>, vector<16xf32>,
    tpu.vector_store %arg12[%swap3A_229, %swap3A_230], %broadcast_in_dim3A_4 {strides = array<i32>} : memref<16x128xf32, #tpu.memory_space<vmem>>, vector<16xf32>,
    %swap3A_232 = arith.constant 7 : i32
    %swap3A_233 = arith.index_cast %swap3A_232 : i32 to index
    %swap3A_234 = arith.constant 16 : index
    %swap3A_235 = tpu.vector_load %arg12[%swap3A_233, %swap3A_234] {strides = array<i32>} : memref<16x128xf32, #tpu.memory_space<vmem>>, vector<16xf32>,
    tpu.vector_store %arg12[%swap3A_233, %swap3A_234], %broadcast_in_dim3A_4 {strides = array<i32>} : memref<16x128xf32, #tpu.memory_space<vmem>>, vector<16xf32>,
    %swap3A_236 = arith.constant 7 : i32
    %swap3A_237 = arith.index_cast %swap3A_236 : i32 to index
    %swap3A_238 = arith.constant 32 : index
    %swap3A_239 = tpu.vector_load %arg12[%swap3A_237, %swap3A_238] {strides = array<i32>} : memref<16x128xf32, #tpu.memory_space<vmem>>, vector<16xf32>,
    tpu.vector_store %arg12[%swap3A_237, %swap3A_238], %broadcast_in_dim3A_4 {strides = array<i32>} : memref<16x128xf32, #tpu.memory_space<vmem>>, vector<16xf32>,
    %swap3A_240 = arith.constant 7 : i32
    %swap3A_241 = arith.index_cast %swap3A_240 : i32 to index
    %swap3A_242 = arith.constant 48 : index
    %swap3A_243 = tpu.vector_load %arg12[%swap3A_241, %swap3A_242] {strides = array<i32>} : memref<16x128xf32, #tpu.memory_space<vmem>>, vector<16xf32>,
    tpu.vector_store %arg12[%swap3A_241, %swap3A_242], %broadcast_in_dim3A_4 {strides = array<i32>} : memref<16x128xf32, #tpu.memory_space<vmem>>, vector<16xf32>,
    %swap3A_244 = arith.constant 7 : i32
    %swap3A_245 = arith.index_cast %swap3A_244 : i32 to index
    %swap3A_246 = arith.constant 64 : index
    %swap3A_247 = tpu.vector_load %arg12[%swap3A_245, %swap3A_246] {strides = array<i32>} : memref<16x128xf32, #tpu.memory_space<vmem>>, vector<16xf32>,
    tpu.vector_store %arg12[%swap3A_245, %swap3A_246], %broadcast_in_dim3A_4 {strides = array<i32>} : memref<16x128xf32, #tpu.memory_space<vmem>>, vector<16xf32>,
    %swap3A_248 = arith.constant 7 : i32
    %swap3A_249 = arith.index_cast %swap3A_248 : i32 to index
    %swap3A_250 = arith.constant 80 : index
    %swap3A_251 = tpu.vector_load %arg12[%swap3A_249, %swap3A_250] {strides = array<i32>} : memref<16x128xf32, #tpu.memory_space<vmem>>, vector<16xf32>,
    tpu.vector_store %arg12[%swap3A_249, %swap3A_250], %broadcast_in_dim3A_4 {strides = array<i32>} : memref<16x128xf32, #tpu.memory_space<vmem>>, vector<16xf32>,
    %swap3A_252 = arith.constant 7 : i32
    %swap3A_253 = arith.index_cast %swap3A_252 : i32 to index
    %swap3A_254 = arith.constant 96 : index
    %swap3A_255 = tpu.vector_load %arg12[%swap3A_253, %swap3A_254] {strides = array<i32>} : memref<16x128xf32, #tpu.memory_space<vmem>>, vector<16xf32>,
    tpu.vector_store %arg12[%swap3A_253, %swap3A_254], %broadcast_in_dim3A_4 {strides = array<i32>} : memref<16x128xf32, #tpu.memory_space<vmem>>, vector<16xf32>,
    %swap3A_256 = arith.constant 7 : i32
    %swap3A_257 = arith.index_cast %swap3A_256 : i32 to index
    %swap3A_258 = arith.constant 112 : index
    %swap3A_259 = tpu.vector_load %arg12[%swap3A_257, %swap3A_258] {strides = array<i32>} : memref<16x128xf32, #tpu.memory_space<vmem>>, vector<16xf32>,
    tpu.vector_store %arg12[%swap3A_257, %swap3A_258], %broadcast_in_dim3A_4 {strides = array<i32>} : memref<16x128xf32, #tpu.memory_space<vmem>>, vector<16xf32>,
    %swap3A_260 = arith.constant 8 : i32
    %swap3A_261 = arith.index_cast %swap3A_260 : i32 to index
    %swap3A_262 = arith.constant 0 : index
    %swap3A_263 = tpu.vector_load %arg12[%swap3A_261, %swap3A_262] {strides = array<i32>} : memref<16x128xf32, #tpu.memory_space<vmem>>, vector<16xf32>,
    tpu.vector_store %arg12[%swap3A_261, %swap3A_262], %broadcast_in_dim3A_4 {strides = array<i32>} : memref<16x128xf32, #tpu.memory_space<vmem>>, vector<16xf32>,
    %swap3A_264 = arith.constant 8 : i32
    %swap3A_265 = arith.index_cast %swap3A_264 : i32 to index
    %swap3A_266 = arith.constant 16 : index
    %swap3A_267 = tpu.vector_load %arg12[%swap3A_265, %swap3A_266] {strides = array<i32>} : memref<16x128xf32, #tpu.memory_space<vmem>>, vector<16xf32>,
    tpu.vector_store %arg12[%swap3A_265, %swap3A_266], %broadcast_in_dim3A_4 {strides = array<i32>} : memref<16x128xf32, #tpu.memory_space<vmem>>, vector<16xf32>,
    %swap3A_268 = arith.constant 8 : i32
    %swap3A_269 = arith.index_cast %swap3A_268 : i32 to index
    %swap3A_270 = arith.constant 32 : index
    %swap3A_271 = tpu.vector_load %arg12[%swap3A_269, %swap3A_270] {strides = array<i32>} : memref<16x128xf32, #tpu.memory_space<vmem>>, vector<16xf32>,
    tpu.vector_store %arg12[%swap3A_269, %swap3A_270], %broadcast_in_dim3A_4 {strides = array<i32>} : memref<16x128xf32, #tpu.memory_space<vmem>>, vector<16xf32>,
    %swap3A_272 = arith.constant 8 : i32
    %swap3A_273 = arith.index_cast %swap3A_272 : i32 to index
    %swap3A_274 = arith.constant 48 : index
    %swap3A_275 = tpu.vector_load %arg12[%swap3A_273, %swap3A_274] {strides = array<i32>} : memref<16x128xf32, #tpu.memory_space<vmem>>, vector<16xf32>,
    tpu.vector_store %arg12[%swap3A_273, %swap3A_274], %broadcast_in_dim3A_4 {strides = array<i32>} : memref<16x128xf32, #tpu.memory_space<vmem>>, vector<16xf32>,
    %swap3A_276 = arith.constant 8 : i32
    %swap3A_277 = arith.index_cast %swap3A_276 : i32 to index
    %swap3A_278 = arith.constant 64 : index
    %swap3A_279 = tpu.vector_load %arg12[%swap3A_277, %swap3A_278] {strides = array<i32>} : memref<16x128xf32, #tpu.memory_space<vmem>>, vector<16xf32>,
    tpu.vector_store %arg12[%swap3A_277, %swap3A_278], %broadcast_in_dim3A_4 {strides = array<i32>} : memref<16x128xf32, #tpu.memory_space<vmem>>, vector<16xf32>,
    %swap3A_280 = arith.constant 8 : i32
    %swap3A_281 = arith.index_cast %swap3A_280 : i32 to index
    %swap3A_282 = arith.constant 80 : index
    %swap3A_283 = tpu.vector_load %arg12[%swap3A_281, %swap3A_282] {strides = array<i32>} : memref<16x128xf32, #tpu.memory_space<vmem>>, vector<16xf32>,
    tpu.vector_store %arg12[%swap3A_281, %swap3A_282], %broadcast_in_dim3A_4 {strides = array<i32>} : memref<16x128xf32, #tpu.memory_space<vmem>>, vector<16xf32>,
    %swap3A_284 = arith.constant 8 : i32
    %swap3A_285 = arith.index_cast %swap3A_284 : i32 to index
    %swap3A_286 = arith.constant 96 : index
    %swap3A_287 = tpu.vector_load %arg12[%swap3A_285, %swap3A_286] {strides = array<i32>} : memref<16x128xf32, #tpu.memory_space<vmem>>, vector<16xf32>,
    tpu.vector_store %arg12[%swap3A_285, %swap3A_286], %broadcast_in_dim3A_4 {strides = array<i32>} : memref<16x128xf32, #tpu.memory_space<vmem>>, vector<16xf32>,
    %swap3A_288 = arith.constant 8 : i32
    %swap3A_289 = arith.index_cast %swap3A_288 : i32 to index
    %swap3A_290 = arith.constant 112 : index
    %swap3A_291 = tpu.vector_load %arg12[%swap3A_289, %swap3A_290] {strides = array<i32>} : memref<16x128xf32, #tpu.memory_space<vmem>>, vector<16xf32>,
    tpu.vector_store %arg12[%swap3A_289, %swap3A_290], %broadcast_in_dim3A_4 {strides = array<i32>} : memref<16x128xf32, #tpu.memory_space<vmem>>, vector<16xf32>,
    %swap3A_292 = arith.constant 9 : i32
    %swap3A_293 = arith.index_cast %swap3A_292 : i32 to index
    %swap3A_294 = arith.constant 0 : index
    %swap3A_295 = tpu.vector_load %arg12[%swap3A_293, %swap3A_294] {strides = array<i32>} : memref<16x128xf32, #tpu.memory_space<vmem>>, vector<16xf32>,
    tpu.vector_store %arg12[%swap3A_293, %swap3A_294], %broadcast_in_dim3A_4 {strides = array<i32>} : memref<16x128xf32, #tpu.memory_space<vmem>>, vector<16xf32>,
    %swap3A_296 = arith.constant 9 : i32
    %swap3A_297 = arith.index_cast %swap3A_296 : i32 to index
    %swap3A_298 = arith.constant 16 : index
    %swap3A_299 = tpu.vector_load %arg12[%swap3A_297, %swap3A_298] {strides = array<i32>} : memref<16x128xf32, #tpu.memory_space<vmem>>, vector<16xf32>,
    tpu.vector_store %arg12[%swap3A_297, %swap3A_298], %broadcast_in_dim3A_4 {strides = array<i32>} : memref<16x128xf32, #tpu.memory_space<vmem>>, vector<16xf32>,
    %swap3A_300 = arith.constant 9 : i32
    %swap3A_301 = arith.index_cast %swap3A_300 : i32 to index
    %swap3A_302 = arith.constant 32 : index
    %swap3A_303 = tpu.vector_load %arg12[%swap3A_301, %swap3A_302] {strides = array<i32>} : memref<16x128xf32, #tpu.memory_space<vmem>>, vector<16xf32>,
    tpu.vector_store %arg12[%swap3A_301, %swap3A_302], %broadcast_in_dim3A_4 {strides = array<i32>} : memref<16x128xf32, #tpu.memory_space<vmem>>, vector<16xf32>,
    %swap3A_304 = arith.constant 9 : i32
    %swap3A_305 = arith.index_cast %swap3A_304 : i32 to index
    %swap3A_306 = arith.constant 48 : index
    %swap3A_307 = tpu.vector_load %arg12[%swap3A_305, %swap3A_306] {strides = array<i32>} : memref<16x128xf32, #tpu.memory_space<vmem>>, vector<16xf32>,
    tpu.vector_store %arg12[%swap3A_305, %swap3A_306], %broadcast_in_dim3A_4 {strides = array<i32>} : memref<16x128xf32, #tpu.memory_space<vmem>>, vector<16xf32>,
    %swap3A_308 = arith.constant 9 : i32
    %swap3A_309 = arith.index_cast %swap3A_308 : i32 to index
    %swap3A_310 = arith.constant 64 : index
    %swap3A_311 = tpu.vector_load %arg12[%swap3A_309, %swap3A_310] {strides = array<i32>} : memref<16x128xf32, #tpu.memory_space<vmem>>, vector<16xf32>,
    tpu.vector_store %arg12[%swap3A_309, %swap3A_310], %broadcast_in_dim3A_4 {strides = array<i32>} : memref<16x128xf32, #tpu.memory_space<vmem>>, vector<16xf32>,
    %swap3A_312 = arith.constant 9 : i32
    %swap3A_313 = arith.index_cast %swap3A_312 : i32 to index
    %swap3A_314 = arith.constant 80 : index
    %swap3A_315 = tpu.vector_load %arg12[%swap3A_313, %swap3A_314] {strides = array<i32>} : memref<16x128xf32, #tpu.memory_space<vmem>>, vector<16xf32>,
    tpu.vector_store %arg12[%swap3A_313, %swap3A_314], %broadcast_in_dim3A_4 {strides = array<i32>} : memref<16x128xf32, #tpu.memory_space<vmem>>, vector<16xf32>,
    %swap3A_316 = arith.constant 9 : i32
    %swap3A_317 = arith.index_cast %swap3A_316 : i32 to index
    %swap3A_318 = arith.constant 96 : index
    %swap3A_319 = tpu.vector_load %arg12[%swap3A_317, %swap3A_318] {strides = array<i32>} : memref<16x128xf32, #tpu.memory_space<vmem>>, vector<16xf32>,
    tpu.vector_store %arg12[%swap3A_317, %swap3A_318], %broadcast_in_dim3A_4 {strides = array<i32>} : memref<16x128xf32, #tpu.memory_space<vmem>>, vector<16xf32>,
    %swap3A_320 = arith.constant 9 : i32
    %swap3A_321 = arith.index_cast %swap3A_320 : i32 to index
    %swap3A_322 = arith.constant 112 : index
    %swap3A_323 = tpu.vector_load %arg12[%swap3A_321, %swap3A_322] {strides = array<i32>} : memref<16x128xf32, #tpu.memory_space<vmem>>, vector<16xf32>,
    tpu.vector_store %arg12[%swap3A_321, %swap3A_322], %broadcast_in_dim3A_4 {strides = array<i32>} : memref<16x128xf32, #tpu.memory_space<vmem>>, vector<16xf32>,
    %swap3A_324 = arith.constant 10 : i32
    %swap3A_325 = arith.index_cast %swap3A_324 : i32 to index
    %swap3A_326 = arith.constant 0 : index
    %swap3A_327 = tpu.vector_load %arg12[%swap3A_325, %swap3A_326] {strides = array<i32>} : memref<16x128xf32, #tpu.memory_space<vmem>>, vector<16xf32>,
    tpu.vector_store %arg12[%swap3A_325, %swap3A_326], %broadcast_in_dim3A_4 {strides = array<i32>} : memref<16x128xf32, #tpu.memory_space<vmem>>, vector<16xf32>,
    %swap3A_328 = arith.constant 10 : i32
    %swap3A_329 = arith.index_cast %swap3A_328 : i32 to index
    %swap3A_330 = arith.constant 16 : index
    %swap3A_331 = tpu.vector_load %arg12[%swap3A_329, %swap3A_330] {strides = array<i32>} : memref<16x128xf32, #tpu.memory_space<vmem>>, vector<16xf32>,
    tpu.vector_store %arg12[%swap3A_329, %swap3A_330], %broadcast_in_dim3A_4 {strides = array<i32>} : memref<16x128xf32, #tpu.memory_space<vmem>>, vector<16xf32>,
    %swap3A_332 = arith.constant 10 : i32
    %swap3A_333 = arith.index_cast %swap3A_332 : i32 to index
    %swap3A_334 = arith.constant 32 : index
    %swap3A_335 = tpu.vector_load %arg12[%swap3A_333, %swap3A_334] {strides = array<i32>} : memref<16x128xf32, #tpu.memory_space<vmem>>, vector<16xf32>,
    tpu.vector_store %arg12[%swap3A_333, %swap3A_334], %broadcast_in_dim3A_4 {strides = array<i32>} : memref<16x128xf32, #tpu.memory_space<vmem>>, vector<16xf32>,
    %swap3A_336 = arith.constant 10 : i32
    %swap3A_337 = arith.index_cast %swap3A_336 : i32 to index
    %swap3A_338 = arith.constant 48 : index
    %swap3A_339 = tpu.vector_load %arg12[%swap3A_337, %swap3A_338] {strides = array<i32>} : memref<16x128xf32, #tpu.memory_space<vmem>>, vector<16xf32>,
    tpu.vector_store %arg12[%swap3A_337, %swap3A_338], %broadcast_in_dim3A_4 {strides = array<i32>} : memref<16x128xf32, #tpu.memory_space<vmem>>, vector<16xf32>,
    %swap3A_340 = arith.constant 10 : i32
    %swap3A_341 = arith.index_cast %swap3A_340 : i32 to index
    %swap3A_342 = arith.constant 64 : index
    %swap3A_343 = tpu.vector_load %arg12[%swap3A_341, %swap3A_342] {strides = array<i32>} : memref<16x128xf32, #tpu.memory_space<vmem>>, vector<16xf32>,
    tpu.vector_store %arg12[%swap3A_341, %swap3A_342], %broadcast_in_dim3A_4 {strides = array<i32>} : memref<16x128xf32, #tpu.memory_space<vmem>>, vector<16xf32>,
    %swap3A_344 = arith.constant 10 : i32
    %swap3A_345 = arith.index_cast %swap3A_344 : i32 to index
    %swap3A_346 = arith.constant 80 : index
    %swap3A_347 = tpu.vector_load %arg12[%swap3A_345, %swap3A_346] {strides = array<i32>} : memref<16x128xf32, #tpu.memory_space<vmem>>, vector<16xf32>,
    tpu.vector_store %arg12[%swap3A_345, %swap3A_346], %broadcast_in_dim3A_4 {strides = array<i32>} : memref<16x128xf32, #tpu.memory_space<vmem>>, vector<16xf32>,
    %swap3A_348 = arith.constant 10 : i32
    %swap3A_349 = arith.index_cast %swap3A_348 : i32 to index
    %swap3A_350 = arith.constant 96 : index
    %swap3A_351 = tpu.vector_load %arg12[%swap3A_349, %swap3A_350] {strides = array<i32>} : memref<16x128xf32, #tpu.memory_space<vmem>>, vector<16xf32>,
    tpu.vector_store %arg12[%swap3A_349, %swap3A_350], %broadcast_in_dim3A_4 {strides = array<i32>} : memref<16x128xf32, #tpu.memory_space<vmem>>, vector<16xf32>,
    %swap3A_352 = arith.constant 10 : i32
    %swap3A_353 = arith.index_cast %swap3A_352 : i32 to index
    %swap3A_354 = arith.constant 112 : index
    %swap3A_355 = tpu.vector_load %arg12[%swap3A_353, %swap3A_354] {strides = array<i32>} : memref<16x128xf32, #tpu.memory_space<vmem>>, vector<16xf32>,
    tpu.vector_store %arg12[%swap3A_353, %swap3A_354], %broadcast_in_dim3A_4 {strides = array<i32>} : memref<16x128xf32, #tpu.memory_space<vmem>>, vector<16xf32>,
    %swap3A_356 = arith.constant 11 : i32
    %swap3A_357 = arith.index_cast %swap3A_356 : i32 to index
    %swap3A_358 = arith.constant 0 : index
    %swap3A_359 = tpu.vector_load %arg12[%swap3A_357, %swap3A_358] {strides = array<i32>} : memref<16x128xf32, #tpu.memory_space<vmem>>, vector<16xf32>,
    tpu.vector_store %arg12[%swap3A_357, %swap3A_358], %broadcast_in_dim3A_4 {strides = array<i32>} : memref<16x128xf32, #tpu.memory_space<vmem>>, vector<16xf32>,
    %swap3A_360 = arith.constant 11 : i32
    %swap3A_361 = arith.index_cast %swap3A_360 : i32 to index
    %swap3A_362 = arith.constant 16 : index
    %swap3A_363 = tpu.vector_load %arg12[%swap3A_361, %swap3A_362] {strides = array<i32>} : memref<16x128xf32, #tpu.memory_space<vmem>>, vector<16xf32>,
    tpu.vector_store %arg12[%swap3A_361, %swap3A_362], %broadcast_in_dim3A_4 {strides = array<i32>} : memref<16x128xf32, #tpu.memory_space<vmem>>, vector<16xf32>,
    %swap3A_364 = arith.constant 11 : i32
    %swap3A_365 = arith.index_cast %swap3A_364 : i32 to index
    %swap3A_366 = arith.constant 32 : index
    %swap3A_367 = tpu.vector_load %arg12[%swap3A_365, %swap3A_366] {strides = array<i32>} : memref<16x128xf32, #tpu.memory_space<vmem>>, vector<16xf32>,
    tpu.vector_store %arg12[%swap3A_365, %swap3A_366], %broadcast_in_dim3A_4 {strides = array<i32>} : memref<16x128xf32, #tpu.memory_space<vmem>>, vector<16xf32>,
    %swap3A_368 = arith.constant 11 : i32
    %swap3A_369 = arith.index_cast %swap3A_368 : i32 to index
    %swap3A_370 = arith.constant 48 : index
    %swap3A_371 = tpu.vector_load %arg12[%swap3A_369, %swap3A_370] {strides = array<i32>} : memref<16x128xf32, #tpu.memory_space<vmem>>, vector<16xf32>,
    tpu.vector_store %arg12[%swap3A_369, %swap3A_370], %broadcast_in_dim3A_4 {strides = array<i32>} : memref<16x128xf32, #tpu.memory_space<vmem>>, vector<16xf32>,
    %swap3A_372 = arith.constant 11 : i32
    %swap3A_373 = arith.index_cast %swap3A_372 : i32 to index
    %swap3A_374 = arith.constant 64 : index
    %swap3A_375 = tpu.vector_load %arg12[%swap3A_373, %swap3A_374] {strides = array<i32>} : memref<16x128xf32, #tpu.memory_space<vmem>>, vector<16xf32>,
    tpu.vector_store %arg12[%swap3A_373, %swap3A_374], %broadcast_in_dim3A_4 {strides = array<i32>} : memref<16x128xf32, #tpu.memory_space<vmem>>, vector<16xf32>,
    %swap3A_376 = arith.constant 11 : i32
    %swap3A_377 = arith.index_cast %swap3A_376 : i32 to index
    %swap3A_378 = arith.constant 80 : index
    %swap3A_379 = tpu.vector_load %arg12[%swap3A_377, %swap3A_378] {strides = array<i32>} : memref<16x128xf32, #tpu.memory_space<vmem>>, vector<16xf32>,
    tpu.vector_store %arg12[%swap3A_377, %swap3A_378], %broadcast_in_dim3A_4 {strides = array<i32>} : memref<16x128xf32, #tpu.memory_space<vmem>>, vector<16xf32>,
    %swap3A_380 = arith.constant 11 : i32
    %swap3A_381 = arith.index_cast %swap3A_380 : i32 to index
    %swap3A_382 = arith.constant 96 : index
    %swap3A_383 = tpu.vector_load %arg12[%swap3A_381, %swap3A_382] {strides = array<i32>} : memref<16x128xf32, #tpu.memory_space<vmem>>, vector<16xf32>,
    tpu.vector_store %arg12[%swap3A_381, %swap3A_382], %broadcast_in_dim3A_4 {strides = array<i32>} : memref<16x128xf32, #tpu.memory_space<vmem>>, vector<16xf32>,
    %swap3A_384 = arith.constant 11 : i32
    %swap3A_385 = arith.index_cast %swap3A_384 : i32 to index
    %swap3A_386 = arith.constant 112 : index
    %swap3A_387 = tpu.vector_load %arg12[%swap3A_385, %swap3A_386] {strides = array<i32>} : memref<16x128xf32, #tpu.memory_space<vmem>>, vector<16xf32>,
    tpu.vector_store %arg12[%swap3A_385, %swap3A_386], %broadcast_in_dim3A_4 {strides = array<i32>} : memref<16x128xf32, #tpu.memory_space<vmem>>, vector<16xf32>,
    %swap3A_388 = arith.constant 12 : i32
    %swap3A_389 = arith.index_cast %swap3A_388 : i32 to index
    %swap3A_390 = arith.constant 0 : index
    %swap3A_391 = tpu.vector_load %arg12[%swap3A_389, %swap3A_390] {strides = array<i32>} : memref<16x128xf32, #tpu.memory_space<vmem>>, vector<16xf32>,
    tpu.vector_store %arg12[%swap3A_389, %swap3A_390], %broadcast_in_dim3A_4 {strides = array<i32>} : memref<16x128xf32, #tpu.memory_space<vmem>>, vector<16xf32>,
    %swap3A_392 = arith.constant 12 : i32
    %swap3A_393 = arith.index_cast %swap3A_392 : i32 to index
    %swap3A_394 = arith.constant 16 : index
    %swap3A_395 = tpu.vector_load %arg12[%swap3A_393, %swap3A_394] {strides = array<i32>} : memref<16x128xf32, #tpu.memory_space<vmem>>, vector<16xf32>,
    tpu.vector_store %arg12[%swap3A_393, %swap3A_394], %broadcast_in_dim3A_4 {strides = array<i32>} : memref<16x128xf32, #tpu.memory_space<vmem>>, vector<16xf32>,
    %swap3A_396 = arith.constant 12 : i32
    %swap3A_397 = arith.index_cast %swap3A_396 : i32 to index
    %swap3A_398 = arith.constant 32 : index
    %swap3A_399 = tpu.vector_load %arg12[%swap3A_397, %swap3A_398] {strides = array<i32>} : memref<16x128xf32, #tpu.memory_space<vmem>>, vector<16xf32>,
    tpu.vector_store %arg12[%swap3A_397, %swap3A_398], %broadcast_in_dim3A_4 {strides = array<i32>} : memref<16x128xf32, #tpu.memory_space<vmem>>, vector<16xf32>,
    %swap3A_400 = arith.constant 12 : i32
    %swap3A_401 = arith.index_cast %swap3A_400 : i32 to index
    %swap3A_402 = arith.constant 48 : index
    %swap3A_403 = tpu.vector_load %arg12[%swap3A_401, %swap3A_402] {strides = array<i32>} : memref<16x128xf32, #tpu.memory_space<vmem>>, vector<16xf32>,
    tpu.vector_store %arg12[%swap3A_401, %swap3A_402], %broadcast_in_dim3A_4 {strides = array<i32>} : memref<16x128xf32, #tpu.memory_space<vmem>>, vector<16xf32>,
    %swap3A_404 = arith.constant 12 : i32
    %swap3A_405 = arith.index_cast %swap3A_404 : i32 to index
    %swap3A_406 = arith.constant 64 : index
    %swap3A_407 = tpu.vector_load %arg12[%swap3A_405, %swap3A_406] {strides = array<i32>} : memref<16x128xf32, #tpu.memory_space<vmem>>, vector<16xf32>,
    tpu.vector_store %arg12[%swap3A_405, %swap3A_406], %broadcast_in_dim3A_4 {strides = array<i32>} : memref<16x128xf32, #tpu.memory_space<vmem>>, vector<16xf32>,
    %swap3A_408 = arith.constant 12 : i32
    %swap3A_409 = arith.index_cast %swap3A_408 : i32 to index
    %swap3A_410 = arith.constant 80 : index
    %swap3A_411 = tpu.vector_load %arg12[%swap3A_409, %swap3A_410] {strides = array<i32>} : memref<16x128xf32, #tpu.memory_space<vmem>>, vector<16xf32>,
    tpu.vector_store %arg12[%swap3A_409, %swap3A_410], %broadcast_in_dim3A_4 {strides = array<i32>} : memref<16x128xf32, #tpu.memory_space<vmem>>, vector<16xf32>,
    %swap3A_412 = arith.constant 12 : i32
    %swap3A_413 = arith.index_cast %swap3A_412 : i32 to index
    %swap3A_414 = arith.constant 96 : index
    %swap3A_415 = tpu.vector_load %arg12[%swap3A_413, %swap3A_414] {strides = array<i32>} : memref<16x128xf32, #tpu.memory_space<vmem>>, vector<16xf32>,
    tpu.vector_store %arg12[%swap3A_413, %swap3A_414], %broadcast_in_dim3A_4 {strides = array<i32>} : memref<16x128xf32, #tpu.memory_space<vmem>>, vector<16xf32>,
    %swap3A_416 = arith.constant 12 : i32
    %swap3A_417 = arith.index_cast %swap3A_416 : i32 to index
    %swap3A_418 = arith.constant 112 : index
    %swap3A_419 = tpu.vector_load %arg12[%swap3A_417, %swap3A_418] {strides = array<i32>} : memref<16x128xf32, #tpu.memory_space<vmem>>, vector<16xf32>,
    tpu.vector_store %arg12[%swap3A_417, %swap3A_418], %broadcast_in_dim3A_4 {strides = array<i32>} : memref<16x128xf32, #tpu.memory_space<vmem>>, vector<16xf32>,
    %swap3A_420 = arith.constant 13 : i32
    %swap3A_421 = arith.index_cast %swap3A_420 : i32 to index
    %swap3A_422 = arith.constant 0 : index
    %swap3A_423 = tpu.vector_load %arg12[%swap3A_421, %swap3A_422] {strides = array<i32>} : memref<16x128xf32, #tpu.memory_space<vmem>>, vector<16xf32>,
    tpu.vector_store %arg12[%swap3A_421, %swap3A_422], %broadcast_in_dim3A_4 {strides = array<i32>} : memref<16x128xf32, #tpu.memory_space<vmem>>, vector<16xf32>,
    %swap3A_424 = arith.constant 13 : i32
    %swap3A_425 = arith.index_cast %swap3A_424 : i32 to index
    %swap3A_426 = arith.constant 16 : index
    %swap3A_427 = tpu.vector_load %arg12[%swap3A_425, %swap3A_426] {strides = array<i32>} : memref<16x128xf32, #tpu.memory_space<vmem>>, vector<16xf32>,
    tpu.vector_store %arg12[%swap3A_425, %swap3A_426], %broadcast_in_dim3A_4 {strides = array<i32>} : memref<16x128xf32, #tpu.memory_space<vmem>>, vector<16xf32>,
    %swap3A_428 = arith.constant 13 : i32
    %swap3A_429 = arith.index_cast %swap3A_428 : i32 to index
    %swap3A_430 = arith.constant 32 : index
    %swap3A_431 = tpu.vector_load %arg12[%swap3A_429, %swap3A_430] {strides = array<i32>} : memref<16x128xf32, #tpu.memory_space<vmem>>, vector<16xf32>,
    tpu.vector_store %arg12[%swap3A_429, %swap3A_430], %broadcast_in_dim3A_4 {strides = array<i32>} : memref<16x128xf32, #tpu.memory_space<vmem>>, vector<16xf32>,
    %swap3A_432 = arith.constant 13 : i32
    %swap3A_433 = arith.index_cast %swap3A_432 : i32 to index
    %swap3A_434 = arith.constant 48 : index
    %swap3A_435 = tpu.vector_load %arg12[%swap3A_433, %swap3A_434] {strides = array<i32>} : memref<16x128xf32, #tpu.memory_space<vmem>>, vector<16xf32>,
    tpu.vector_store %arg12[%swap3A_433, %swap3A_434], %broadcast_in_dim3A_4 {strides = array<i32>} : memref<16x128xf32, #tpu.memory_space<vmem>>, vector<16xf32>,
    %swap3A_436 = arith.constant 13 : i32
    %swap3A_437 = arith.index_cast %swap3A_436 : i32 to index
    %swap3A_438 = arith.constant 64 : index
    %swap3A_439 = tpu.vector_load %arg12[%swap3A_437, %swap3A_438] {strides = array<i32>} : memref<16x128xf32, #tpu.memory_space<vmem>>, vector<16xf32>,
    tpu.vector_store %arg12[%swap3A_437, %swap3A_438], %broadcast_in_dim3A_4 {strides = array<i32>} : memref<16x128xf32, #tpu.memory_space<vmem>>, vector<16xf32>,
    %swap3A_440 = arith.constant 13 : i32
    %swap3A_441 = arith.index_cast %swap3A_440 : i32 to index
    %swap3A_442 = arith.constant 80 : index
    %swap3A_443 = tpu.vector_load %arg12[%swap3A_441, %swap3A_442] {strides = array<i32>} : memref<16x128xf32, #tpu.memory_space<vmem>>, vector<16xf32>,
    tpu.vector_store %arg12[%swap3A_441, %swap3A_442], %broadcast_in_dim3A_4 {strides = array<i32>} : memref<16x128xf32, #tpu.memory_space<vmem>>, vector<16xf32>,
    %swap3A_444 = arith.constant 13 : i32
    %swap3A_445 = arith.index_cast %swap3A_444 : i32 to index
    %swap3A_446 = arith.constant 96 : index
    %swap3A_447 = tpu.vector_load %arg12[%swap3A_445, %swap3A_446] {strides = array<i32>} : memref<16x128xf32, #tpu.memory_space<vmem>>, vector<16xf32>,
    tpu.vector_store %arg12[%swap3A_445, %swap3A_446], %broadcast_in_dim3A_4 {strides = array<i32>} : memref<16x128xf32, #tpu.memory_space<vmem>>, vector<16xf32>,
    %swap3A_448 = arith.constant 13 : i32
    %swap3A_449 = arith.index_cast %swap3A_448 : i32 to index
    %swap3A_450 = arith.constant 112 : index
    %swap3A_451 = tpu.vector_load %arg12[%swap3A_449, %swap3A_450] {strides = array<i32>} : memref<16x128xf32, #tpu.memory_space<vmem>>, vector<16xf32>,
    tpu.vector_store %arg12[%swap3A_449, %swap3A_450], %broadcast_in_dim3A_4 {strides = array<i32>} : memref<16x128xf32, #tpu.memory_space<vmem>>, vector<16xf32>,
    %swap3A_452 = arith.constant 14 : i32
    %swap3A_453 = arith.index_cast %swap3A_452 : i32 to index
    %swap3A_454 = arith.constant 0 : index
    %swap3A_455 = tpu.vector_load %arg12[%swap3A_453, %swap3A_454] {strides = array<i32>} : memref<16x128xf32, #tpu.memory_space<vmem>>, vector<16xf32>,
    tpu.vector_store %arg12[%swap3A_453, %swap3A_454], %broadcast_in_dim3A_4 {strides = array<i32>} : memref<16x128xf32, #tpu.memory_space<vmem>>, vector<16xf32>,
    %swap3A_456 = arith.constant 14 : i32
    %swap3A_457 = arith.index_cast %swap3A_456 : i32 to index
    %swap3A_458 = arith.constant 16 : index
    %swap3A_459 = tpu.vector_load %arg12[%swap3A_457, %swap3A_458] {strides = array<i32>} : memref<16x128xf32, #tpu.memory_space<vmem>>, vector<16xf32>,
    tpu.vector_store %arg12[%swap3A_457, %swap3A_458], %broadcast_in_dim3A_4 {strides = array<i32>} : memref<16x128xf32, #tpu.memory_space<vmem>>, vector<16xf32>,
    %swap3A_460 = arith.constant 14 : i32
    %swap3A_461 = arith.index_cast %swap3A_460 : i32 to index
    %swap3A_462 = arith.constant 32 : index
    %swap3A_463 = tpu.vector_load %arg12[%swap3A_461, %swap3A_462] {strides = array<i32>} : memref<16x128xf32, #tpu.memory_space<vmem>>, vector<16xf32>,
    tpu.vector_store %arg12[%swap3A_461, %swap3A_462], %broadcast_in_dim3A_4 {strides = array<i32>} : memref<16x128xf32, #tpu.memory_space<vmem>>, vector<16xf32>,
    %swap3A_464 = arith.constant 14 : i32
    %swap3A_465 = arith.index_cast %swap3A_464 : i32 to index
    %swap3A_466 = arith.constant 48 : index
    %swap3A_467 = tpu.vector_load %arg12[%swap3A_465, %swap3A_466] {strides = array<i32>} : memref<16x128xf32, #tpu.memory_space<vmem>>, vector<16xf32>,
    tpu.vector_store %arg12[%swap3A_465, %swap3A_466], %broadcast_in_dim3A_4 {strides = array<i32>} : memref<16x128xf32, #tpu.memory_space<vmem>>, vector<16xf32>,
    %swap3A_468 = arith.constant 14 : i32
    %swap3A_469 = arith.index_cast %swap3A_468 : i32 to index
    %swap3A_470 = arith.constant 64 : index
    %swap3A_471 = tpu.vector_load %arg12[%swap3A_469, %swap3A_470] {strides = array<i32>} : memref<16x128xf32, #tpu.memory_space<vmem>>, vector<16xf32>,
    tpu.vector_store %arg12[%swap3A_469, %swap3A_470], %broadcast_in_dim3A_4 {strides = array<i32>} : memref<16x128xf32, #tpu.memory_space<vmem>>, vector<16xf32>,
    %swap3A_472 = arith.constant 14 : i32
    %swap3A_473 = arith.index_cast %swap3A_472 : i32 to index
    %swap3A_474 = arith.constant 80 : index
    %swap3A_475 = tpu.vector_load %arg12[%swap3A_473, %swap3A_474] {strides = array<i32>} : memref<16x128xf32, #tpu.memory_space<vmem>>, vector<16xf32>,
    tpu.vector_store %arg12[%swap3A_473, %swap3A_474], %broadcast_in_dim3A_4 {strides = array<i32>} : memref<16x128xf32, #tpu.memory_space<vmem>>, vector<16xf32>,
    %swap3A_476 = arith.constant 14 : i32
    %swap3A_477 = arith.index_cast %swap3A_476 : i32 to index
    %swap3A_478 = arith.constant 96 : index
    %swap3A_479 = tpu.vector_load %arg12[%swap3A_477, %swap3A_478] {strides = array<i32>} : memref<16x128xf32, #tpu.memory_space<vmem>>, vector<16xf32>,
    tpu.vector_store %arg12[%swap3A_477, %swap3A_478], %broadcast_in_dim3A_4 {strides = array<i32>} : memref<16x128xf32, #tpu.memory_space<vmem>>, vector<16xf32>,
    %swap3A_480 = arith.constant 14 : i32
    %swap3A_481 = arith.index_cast %swap3A_480 : i32 to index
    %swap3A_482 = arith.constant 112 : index
    %swap3A_483 = tpu.vector_load %arg12[%swap3A_481, %swap3A_482] {strides = array<i32>} : memref<16x128xf32, #tpu.memory_space<vmem>>, vector<16xf32>,
    tpu.vector_store %arg12[%swap3A_481, %swap3A_482], %broadcast_in_dim3A_4 {strides = array<i32>} : memref<16x128xf32, #tpu.memory_space<vmem>>, vector<16xf32>,
    %swap3A_484 = arith.constant 15 : i32
    %swap3A_485 = arith.index_cast %swap3A_484 : i32 to index
    %swap3A_486 = arith.constant 0 : index
    %swap3A_487 = tpu.vector_load %arg12[%swap3A_485, %swap3A_486] {strides = array<i32>} : memref<16x128xf32, #tpu.memory_space<vmem>>, vector<16xf32>,
    tpu.vector_store %arg12[%swap3A_485, %swap3A_486], %broadcast_in_dim3A_4 {strides = array<i32>} : memref<16x128xf32, #tpu.memory_space<vmem>>, vector<16xf32>,
    %swap3A_488 = arith.constant 15 : i32
    %swap3A_489 = arith.index_cast %swap3A_488 : i32 to index
    %swap3A_490 = arith.constant 16 : index
    %swap3A_491 = tpu.vector_load %arg12[%swap3A_489, %swap3A_490] {strides = array<i32>} : memref<16x128xf32, #tpu.memory_space<vmem>>, vector<16xf32>,
    tpu.vector_store %arg12[%swap3A_489, %swap3A_490], %broadcast_in_dim3A_4 {strides = array<i32>} : memref<16x128xf32, #tpu.memory_space<vmem>>, vector<16xf32>,
    %swap3A_492 = arith.constant 15 : i32
    %swap3A_493 = arith.index_cast %swap3A_492 : i32 to index
    %swap3A_494 = arith.constant 32 : index
    %swap3A_495 = tpu.vector_load %arg12[%swap3A_493, %swap3A_494] {strides = array<i32>} : memref<16x128xf32, #tpu.memory_space<vmem>>, vector<16xf32>,
    tpu.vector_store %arg12[%swap3A_493, %swap3A_494], %broadcast_in_dim3A_4 {strides = array<i32>} : memref<16x128xf32, #tpu.memory_space<vmem>>, vector<16xf32>,
    %swap3A_496 = arith.constant 15 : i32
    %swap3A_497 = arith.index_cast %swap3A_496 : i32 to index
    %swap3A_498 = arith.constant 48 : index
    %swap3A_499 = tpu.vector_load %arg12[%swap3A_497, %swap3A_498] {strides = array<i32>} : memref<16x128xf32, #tpu.memory_space<vmem>>, vector<16xf32>,
    tpu.vector_store %arg12[%swap3A_497, %swap3A_498], %broadcast_in_dim3A_4 {strides = array<i32>} : memref<16x128xf32, #tpu.memory_space<vmem>>, vector<16xf32>,
    %swap3A_500 = arith.constant 15 : i32
    %swap3A_501 = arith.index_cast %swap3A_500 : i32 to index
    %swap3A_502 = arith.constant 64 : index
    %swap3A_503 = tpu.vector_load %arg12[%swap3A_501, %swap3A_502] {strides = array<i32>} : memref<16x128xf32, #tpu.memory_space<vmem>>, vector<16xf32>,
    tpu.vector_store %arg12[%swap3A_501, %swap3A_502], %broadcast_in_dim3A_4 {strides = array<i32>} : memref<16x128xf32, #tpu.memory_space<vmem>>, vector<16xf32>,
    %swap3A_504 = arith.constant 15 : i32
    %swap3A_505 = arith.index_cast %swap3A_504 : i32 to index
    %swap3A_506 = arith.constant 80 : index
    %swap3A_507 = tpu.vector_load %arg12[%swap3A_505, %swap3A_506] {strides = array<i32>} : memref<16x128xf32, #tpu.memory_space<vmem>>, vector<16xf32>,
    tpu.vector_store %arg12[%swap3A_505, %swap3A_506], %broadcast_in_dim3A_4 {strides = array<i32>} : memref<16x128xf32, #tpu.memory_space<vmem>>, vector<16xf32>,
    %swap3A_508 = arith.constant 15 : i32
    %swap3A_509 = arith.index_cast %swap3A_508 : i32 to index
    %swap3A_510 = arith.constant 96 : index
    %swap3A_511 = tpu.vector_load %arg12[%swap3A_509, %swap3A_510] {strides = array<i32>} : memref<16x128xf32, #tpu.memory_space<vmem>>, vector<16xf32>,
    tpu.vector_store %arg12[%swap3A_509, %swap3A_510], %broadcast_in_dim3A_4 {strides = array<i32>} : memref<16x128xf32, #tpu.memory_space<vmem>>, vector<16xf32>,
    %swap3A_512 = arith.constant 15 : i32
    %swap3A_513 = arith.index_cast %swap3A_512 : i32 to index
    %swap3A_514 = arith.constant 112 : index
    %swap3A_515 = tpu.vector_load %arg12[%swap3A_513, %swap3A_514] {strides = array<i32>} : memref<16x128xf32, #tpu.memory_space<vmem>>, vector<16xf32>,
    tpu.vector_store %arg12[%swap3A_513, %swap3A_514], %broadcast_in_dim3A_4 {strides = array<i32>} : memref<16x128xf32, #tpu.memory_space<vmem>>, vector<16xf32>,
    %scan3A = arith.constant 0 : i32
    %scan3A_516 = arith.constant 0 : i32
    %scan3A_517 = arith.constant 40 : i32
    %scan3A_518 = arith.addi %scan3A_516, %scan3A_517 : i32
    %scan3A_519 = arith.constant 1 : i32
    scf.for %scan3A_610 = %scan3A_516 to %scan3A_518 step %scan3A_519  : i32 {
      %mul3A_611 = arith.constant 640 : i32
      %mul3A_612 = arith.muli %arg1, %mul3A_611 : i32
      %mul3A_613 = arith.constant 16 : i32
      %mul3A_614 = arith.muli %scan3A_610, %mul3A_613 : i32
      %add3A_615 = arith.addi %mul3A_612, %mul3A_614 : i32
      %dma_start3A_616 = arith.constant 0 : i32
      %dma_start3A_617 = tpu.memref_slice %arg13[%add3A_615, %dma_start3A_616] : memref<10240x128xf32, #tpu.memory_space<vmem_shared>> -> memref<16x128xf32, #tpu.memory_space<vmem_shared>>
      %dma_start3A_618 = arith.constant 0 : i32
      %dma_start3A_619 = tpu.memref_slice %arg13[%add3A_615, %dma_start3A_618] : memref<10240x128xf32, #tpu.memory_space<vmem_shared>> -> memref<16x128xf32, #tpu.memory_space<vmem_shared>>
      tpu.enqueue_dma source(%arg12 : memref<16x128xf32, #tpu.memory_space<vmem>>) target(%dma_start3A_619 : memref<16x128xf32, #tpu.memory_space<vmem_shared>>) target_semaphore(%arg16 : memref<!tpu.dma_semaphore, #tpu.memory_space<semaphore_mem>>)
    }
    %scan3A_520 = arith.constant 40 : i32
    %scan3A_521 = arith.constant 0 : i32
    %scan3A_522 = arith.constant 0 : i32
    %scan3A_523 = arith.constant 40 : i32
    %scan3A_524 = arith.addi %scan3A_522, %scan3A_523 : i32
    %scan3A_525 = arith.constant 1 : i32
    scf.for %scan3A_610 = %scan3A_522 to %scan3A_524 step %scan3A_525  : i32 {
      %mul3A_611 = arith.constant 640 : i32
      %mul3A_612 = arith.muli %arg1, %mul3A_611 : i32
      %dma_wait3A_613 = arith.constant 0 : i32
      %dma_wait3A_614 = tpu.memref_slice %arg13[%mul3A_612, %dma_wait3A_613] : memref<10240x128xf32, #tpu.memory_space<vmem_shared>> -> memref<16x128xf32, #tpu.memory_space<vmem_shared>>
      %dma_wait3A_615 = arith.constant 0 : i32
      %dma_wait3A_616 = tpu.memref_slice %arg13[%mul3A_612, %dma_wait3A_615] : memref<10240x128xf32, #tpu.memory_space<vmem_shared>> -> memref<16x128xf32, #tpu.memory_space<vmem_shared>>
      tpu.wait_dma2 semaphore(%arg16 : memref<!tpu.dma_semaphore, #tpu.memory_space<semaphore_mem>>) src(%arg12 : memref<16x128xf32, #tpu.memory_space<vmem>>) dst(%dma_wait3A_616 : memref<16x128xf32, #tpu.memory_space<vmem_shared>>)
    }
    %scan3A_526 = arith.constant 40 : i32
    %dma_wait3A = arith.constant 0 : i32
    %dma_wait3A_527 = tpu.memref_slice %arg3[%dma_wait3A] : memref<320000xi32, #tpu.memory_space<hbm>> -> memref<10000xi32, #tpu.memory_space<hbm>>
    %dma_wait3A_528 = arith.constant 0 : i32
    %dma_wait3A_529 = tpu.memref_slice %arg3[%dma_wait3A_528] : memref<320000xi32, #tpu.memory_space<hbm>> -> memref<10000xi32, #tpu.memory_space<hbm>>
    tpu.wait_dma2 semaphore(%arg15 : memref<!tpu.dma_semaphore, #tpu.memory_space<semaphore_mem>>) src(%dma_wait3A_529 : memref<10000xi32, #tpu.memory_space<hbm>>) dst(%arg6 : memref<10000xi32, #tpu.memory_space<vmem>>)
    %barrier3A = arith.constant 0 : index
    tpu.barrier barrier_id(%barrier3A)
    %add3A_530 = arith.constant 0 : i32
    %add3A_531 = arith.addi %mul3A_2, %add3A_530 : i32
    %dma_start3A_532 = tpu.memref_slice %arg4[%add3A_531] : memref<320000xi32, #tpu.memory_space<hbm>> -> memref<128xi32, #tpu.memory_space<hbm>>
    %dma_start3A_533 = tpu.memref_slice %arg4[%add3A_531] : memref<320000xi32, #tpu.memory_space<hbm>> -> memref<128xi32, #tpu.memory_space<hbm>>
    tpu.enqueue_dma source(%dma_start3A_533 : memref<128xi32, #tpu.memory_space<hbm>>) target(%arg7 : memref<128xi32, #tpu.memory_space<vmem>>) target_semaphore(%arg18 : memref<!tpu.dma_semaphore, #tpu.memory_space<semaphore_mem>>)
    %dma_start3A_534 = arith.constant 0 : i32
    %dma_start3A_535 = tpu.memref_slice %arg6[%dma_start3A_534] : memref<10000xi32, #tpu.memory_space<vmem>> -> memref<128xi32, #tpu.memory_space<vmem>>
    %dma_start3A_536 = arith.constant 0 : i32
    %dma_start3A_537 = arith.constant 0 : i32
    %dma_start3A_538 = tpu.memref_slice %arg2[%dma_start3A_536, %dma_start3A_537] : memref<10000x128xf32, #tpu.memory_space<hbm>> -> memref<10000x128xf32, #tpu.memory_space<hbm>>
    tpu.enqueue_indirect_dma source(%dma_start3A_538 : memref<10000x128xf32, #tpu.memory_space<hbm>>) target(%arg10 : memref<128x128xf32, #tpu.memory_space<vmem>>) offsets(%dma_start3A_535 : memref<128xi32, #tpu.memory_space<vmem>>) semaphore(%arg14 : memref<!tpu.dma_semaphore, #tpu.memory_space<semaphore_mem>>)
    %scan3A_539 = arith.constant 0 : i32
    %scan3A_540 = arith.constant 0 : i32
    %scan3A_541 = arith.constant 38 : i32
    %scan3A_542 = arith.addi %scan3A_540, %scan3A_541 : i32
    %scan3A_543 = arith.constant 1 : i32
    scf.for %scan3A_610 = %scan3A_540 to %scan3A_542 step %scan3A_543  : i32 {
      %mul3A_611 = arith.constant 2 : i32
      %mul3A_612 = arith.muli %mul3A_611, %scan3A_610 : i32
      %gt3A = arith.constant 0 : i32
      %gt3A_613 = arith.cmpi sgt, %scan3A_610, %gt3A : i32
      %convert_element_type3A = arith.extui %gt3A_613 : i1 to i32
      %cond3A = arith.constant 0 : i32
      %cond3A_614 = arith.cmpi ne, %convert_element_type3A, %cond3A : i32
      scf.if %cond3A_614 {
        %dma_wait3A_672 = arith.constant 0 : i32
        %dma_wait3A_673 = arith.constant 0 : i32
        %dma_wait3A_674 = tpu.memref_slice %arg13[%dma_wait3A_672, %dma_wait3A_673] : memref<10240x128xf32, #tpu.memory_space<vmem_shared>> -> memref<10240x128xf32, #tpu.memory_space<vmem_shared>>
        tpu.wait_indirect_dma semaphore(%arg17 : memref<!tpu.dma_semaphore, #tpu.memory_space<semaphore_mem>>) src(%arg11 : memref<128x128xf32, #tpu.memory_space<vmem>>) dst(%dma_wait3A_674 : memref<10240x128xf32, #tpu.memory_space<vmem_shared>>)
      } else {
      }
      %add3A_615 = arith.constant 1 : i32
      %add3A_616 = arith.addi %mul3A_612, %add3A_615 : i32
      %mul3A_617 = arith.constant 128 : i32
      %mul3A_618 = arith.muli %add3A_616, %mul3A_617 : i32
      %add3A_619 = arith.addi %mul3A_2, %mul3A_618 : i32
      %dma_start3A_620 = tpu.memref_slice %arg4[%add3A_619] : memref<320000xi32, #tpu.memory_space<hbm>> -> memref<128xi32, #tpu.memory_space<hbm>>
      %dma_start3A_621 = tpu.memref_slice %arg4[%add3A_619] : memref<320000xi32, #tpu.memory_space<hbm>> -> memref<128xi32, #tpu.memory_space<hbm>>
      tpu.enqueue_dma source(%dma_start3A_621 : memref<128xi32, #tpu.memory_space<hbm>>) target(%arg8 : memref<128xi32, #tpu.memory_space<vmem>>) target_semaphore(%arg19 : memref<!tpu.dma_semaphore, #tpu.memory_space<semaphore_mem>>)
      %add3A_622 = arith.constant 1 : i32
      %add3A_623 = arith.addi %mul3A_612, %add3A_622 : i32
      %mul3A_624 = arith.constant 128 : i32
      %mul3A_625 = arith.muli %add3A_623, %mul3A_624 : i32
      %dma_start3A_626 = tpu.memref_slice %arg6[%mul3A_625] : memref<10000xi32, #tpu.memory_space<vmem>> -> memref<128xi32, #tpu.memory_space<vmem>>
      %dma_start3A_627 = arith.constant 0 : i32
      %dma_start3A_628 = arith.constant 0 : i32
      %dma_start3A_629 = tpu.memref_slice %arg2[%dma_start3A_627, %dma_start3A_628] : memref<10000x128xf32, #tpu.memory_space<hbm>> -> memref<10000x128xf32, #tpu.memory_space<hbm>>
      tpu.enqueue_indirect_dma source(%dma_start3A_629 : memref<10000x128xf32, #tpu.memory_space<hbm>>) target(%arg11 : memref<128x128xf32, #tpu.memory_space<vmem>>) offsets(%dma_start3A_626 : memref<128xi32, #tpu.memory_space<vmem>>) semaphore(%arg15 : memref<!tpu.dma_semaphore, #tpu.memory_space<semaphore_mem>>)
      %dma_wait3A_630 = arith.constant 0 : i32
      %dma_wait3A_631 = tpu.memref_slice %arg6[%dma_wait3A_630] : memref<10000xi32, #tpu.memory_space<vmem>> -> memref<128xi32, #tpu.memory_space<vmem>>
      %dma_wait3A_632 = arith.constant 0 : i32
      %dma_wait3A_633 = arith.constant 0 : i32
      %dma_wait3A_634 = tpu.memref_slice %arg2[%dma_wait3A_632, %dma_wait3A_633] : memref<10000x128xf32, #tpu.memory_space<hbm>> -> memref<10000x128xf32, #tpu.memory_space<hbm>>
      tpu.wait_indirect_dma semaphore(%arg14 : memref<!tpu.dma_semaphore, #tpu.memory_space<semaphore_mem>>) src(%dma_wait3A_634 : memref<10000x128xf32, #tpu.memory_space<hbm>>) dst(%arg10 : memref<128x128xf32, #tpu.memory_space<vmem>>)
      %dma_wait3A_635 = arith.constant 0 : i32
      %dma_wait3A_636 = tpu.memref_slice %arg4[%dma_wait3A_635] : memref<320000xi32, #tpu.memory_space<hbm>> -> memref<128xi32, #tpu.memory_space<hbm>>
      %dma_wait3A_637 = arith.constant 0 : i32
      %dma_wait3A_638 = tpu.memref_slice %arg4[%dma_wait3A_637] : memref<320000xi32, #tpu.memory_space<hbm>> -> memref<128xi32, #tpu.memory_space<hbm>>
      tpu.wait_dma2 semaphore(%arg18 : memref<!tpu.dma_semaphore, #tpu.memory_space<semaphore_mem>>) src(%dma_wait3A_638 : memref<128xi32, #tpu.memory_space<hbm>>) dst(%arg7 : memref<128xi32, #tpu.memory_space<vmem>>)
      %dma_start3A_639 = arith.constant 0 : i32
      %dma_start3A_640 = arith.constant 0 : i32
      %dma_start3A_641 = tpu.memref_slice %arg13[%dma_start3A_639, %dma_start3A_640] : memref<10240x128xf32, #tpu.memory_space<vmem_shared>> -> memref<10240x128xf32, #tpu.memory_space<vmem_shared>>
      tpu.enqueue_indirect_dma source(%arg10 : memref<128x128xf32, #tpu.memory_space<vmem>>) target(%dma_start3A_641 : memref<10240x128xf32, #tpu.memory_space<vmem_shared>>) offsets(%arg7 : memref<128xi32, #tpu.memory_space<vmem>>) semaphore(%arg16 : memref<!tpu.dma_semaphore, #tpu.memory_space<semaphore_mem>>) {add = true}
      %dma_wait3A_642 = arith.constant 0 : i32
      %dma_wait3A_643 = arith.constant 0 : i32
      %dma_wait3A_644 = tpu.memref_slice %arg13[%dma_wait3A_642, %dma_wait3A_643] : memref<10240x128xf32, #tpu.memory_space<vmem_shared>> -> memref<10240x128xf32, #tpu.memory_space<vmem_shared>>
      tpu.wait_indirect_dma semaphore(%arg16 : memref<!tpu.dma_semaphore, #tpu.memory_space<semaphore_mem>>) src(%arg10 : memref<128x128xf32, #tpu.memory_space<vmem>>) dst(%dma_wait3A_644 : memref<10240x128xf32, #tpu.memory_space<vmem_shared>>)
      %add3A_645 = arith.constant 2 : i32
      %add3A_646 = arith.addi %mul3A_612, %add3A_645 : i32
      %mul3A_647 = arith.constant 128 : i32
      %mul3A_648 = arith.muli %add3A_646, %mul3A_647 : i32
      %add3A_649 = arith.addi %mul3A_2, %mul3A_648 : i32
      %dma_start3A_650 = tpu.memref_slice %arg4[%add3A_649] : memref<320000xi32, #tpu.memory_space<hbm>> -> memref<128xi32, #tpu.memory_space<hbm>>
      %dma_start3A_651 = tpu.memref_slice %arg4[%add3A_649] : memref<320000xi32, #tpu.memory_space<hbm>> -> memref<128xi32, #tpu.memory_space<hbm>>
      tpu.enqueue_dma source(%dma_start3A_651 : memref<128xi32, #tpu.memory_space<hbm>>) target(%arg7 : memref<128xi32, #tpu.memory_space<vmem>>) target_semaphore(%arg18 : memref<!tpu.dma_semaphore, #tpu.memory_space<semaphore_mem>>)
      %add3A_652 = arith.constant 2 : i32
      %add3A_653 = arith.addi %mul3A_612, %add3A_652 : i32
      %mul3A_654 = arith.constant 128 : i32
      %mul3A_655 = arith.muli %add3A_653, %mul3A_654 : i32
      %dma_start3A_656 = tpu.memref_slice %arg6[%mul3A_655] : memref<10000xi32, #tpu.memory_space<vmem>> -> memref<128xi32, #tpu.memory_space<vmem>>
      %dma_start3A_657 = arith.constant 0 : i32
      %dma_start3A_658 = arith.constant 0 : i32
      %dma_start3A_659 = tpu.memref_slice %arg2[%dma_start3A_657, %dma_start3A_658] : memref<10000x128xf32, #tpu.memory_space<hbm>> -> memref<10000x128xf32, #tpu.memory_space<hbm>>
      tpu.enqueue_indirect_dma source(%dma_start3A_659 : memref<10000x128xf32, #tpu.memory_space<hbm>>) target(%arg10 : memref<128x128xf32, #tpu.memory_space<vmem>>) offsets(%dma_start3A_656 : memref<128xi32, #tpu.memory_space<vmem>>) semaphore(%arg14 : memref<!tpu.dma_semaphore, #tpu.memory_space<semaphore_mem>>)
      %dma_wait3A_660 = arith.constant 0 : i32
      %dma_wait3A_661 = tpu.memref_slice %arg6[%dma_wait3A_660] : memref<10000xi32, #tpu.memory_space<vmem>> -> memref<128xi32, #tpu.memory_space<vmem>>
      %dma_wait3A_662 = arith.constant 0 : i32
      %dma_wait3A_663 = arith.constant 0 : i32
      %dma_wait3A_664 = tpu.memref_slice %arg2[%dma_wait3A_662, %dma_wait3A_663] : memref<10000x128xf32, #tpu.memory_space<hbm>> -> memref<10000x128xf32, #tpu.memory_space<hbm>>
      tpu.wait_indirect_dma semaphore(%arg15 : memref<!tpu.dma_semaphore, #tpu.memory_space<semaphore_mem>>) src(%dma_wait3A_664 : memref<10000x128xf32, #tpu.memory_space<hbm>>) dst(%arg11 : memref<128x128xf32, #tpu.memory_space<vmem>>)
      %dma_wait3A_665 = arith.constant 0 : i32
      %dma_wait3A_666 = tpu.memref_slice %arg4[%dma_wait3A_665] : memref<320000xi32, #tpu.memory_space<hbm>> -> memref<128xi32, #tpu.memory_space<hbm>>
      %dma_wait3A_667 = arith.constant 0 : i32
      %dma_wait3A_668 = tpu.memref_slice %arg4[%dma_wait3A_667] : memref<320000xi32, #tpu.memory_space<hbm>> -> memref<128xi32, #tpu.memory_space<hbm>>
      tpu.wait_dma2 semaphore(%arg19 : memref<!tpu.dma_semaphore, #tpu.memory_space<semaphore_mem>>) src(%dma_wait3A_668 : memref<128xi32, #tpu.memory_space<hbm>>) dst(%arg8 : memref<128xi32, #tpu.memory_space<vmem>>)
      %dma_start3A_669 = arith.constant 0 : i32
      %dma_start3A_670 = arith.constant 0 : i32
      %dma_start3A_671 = tpu.memref_slice %arg13[%dma_start3A_669, %dma_start3A_670] : memref<10240x128xf32, #tpu.memory_space<vmem_shared>> -> memref<10240x128xf32, #tpu.memory_space<vmem_shared>>
      tpu.enqueue_indirect_dma source(%arg11 : memref<128x128xf32, #tpu.memory_space<vmem>>) target(%dma_start3A_671 : memref<10240x128xf32, #tpu.memory_space<vmem_shared>>) offsets(%arg8 : memref<128xi32, #tpu.memory_space<vmem>>) semaphore(%arg17 : memref<!tpu.dma_semaphore, #tpu.memory_space<semaphore_mem>>) {add = true}
    }
    %scan3A_544 = arith.constant 38 : i32
    %dma_wait3A_545 = arith.constant 0 : i32
    %dma_wait3A_546 = arith.constant 0 : i32
    %dma_wait3A_547 = tpu.memref_slice %arg13[%dma_wait3A_545, %dma_wait3A_546] : memref<10240x128xf32, #tpu.memory_space<vmem_shared>> -> memref<10240x128xf32, #tpu.memory_space<vmem_shared>>
    tpu.wait_indirect_dma semaphore(%arg17 : memref<!tpu.dma_semaphore, #tpu.memory_space<semaphore_mem>>) src(%arg11 : memref<128x128xf32, #tpu.memory_space<vmem>>) dst(%dma_wait3A_547 : memref<10240x128xf32, #tpu.memory_space<vmem_shared>>)
    %add3A_548 = arith.constant 9856 : i32
    %add3A_549 = arith.addi %mul3A_2, %add3A_548 : i32
    %dma_start3A_550 = tpu.memref_slice %arg4[%add3A_549] : memref<320000xi32, #tpu.memory_space<hbm>> -> memref<128xi32, #tpu.memory_space<hbm>>
    %dma_start3A_551 = tpu.memref_slice %arg4[%add3A_549] : memref<320000xi32, #tpu.memory_space<hbm>> -> memref<128xi32, #tpu.memory_space<hbm>>
    tpu.enqueue_dma source(%dma_start3A_551 : memref<128xi32, #tpu.memory_space<hbm>>) target(%arg8 : memref<128xi32, #tpu.memory_space<vmem>>) target_semaphore(%arg19 : memref<!tpu.dma_semaphore, #tpu.memory_space<semaphore_mem>>)
    %dma_start3A_552 = arith.constant 9856 : i32
    %dma_start3A_553 = tpu.memref_slice %arg6[%dma_start3A_552] : memref<10000xi32, #tpu.memory_space<vmem>> -> memref<128xi32, #tpu.memory_space<vmem>>
    %dma_start3A_554 = arith.constant 0 : i32
    %dma_start3A_555 = arith.constant 0 : i32
    %dma_start3A_556 = tpu.memref_slice %arg2[%dma_start3A_554, %dma_start3A_555] : memref<10000x128xf32, #tpu.memory_space<hbm>> -> memref<10000x128xf32, #tpu.memory_space<hbm>>
    tpu.enqueue_indirect_dma source(%dma_start3A_556 : memref<10000x128xf32, #tpu.memory_space<hbm>>) target(%arg11 : memref<128x128xf32, #tpu.memory_space<vmem>>) offsets(%dma_start3A_553 : memref<128xi32, #tpu.memory_space<vmem>>) semaphore(%arg15 : memref<!tpu.dma_semaphore, #tpu.memory_space<semaphore_mem>>)
    %dma_wait3A_557 = arith.constant 0 : i32
    %dma_wait3A_558 = tpu.memref_slice %arg6[%dma_wait3A_557] : memref<10000xi32, #tpu.memory_space<vmem>> -> memref<128xi32, #tpu.memory_space<vmem>>
    %dma_wait3A_559 = arith.constant 0 : i32
    %dma_wait3A_560 = arith.constant 0 : i32
    %dma_wait3A_561 = tpu.memref_slice %arg2[%dma_wait3A_559, %dma_wait3A_560] : memref<10000x128xf32, #tpu.memory_space<hbm>> -> memref<10000x128xf32, #tpu.memory_space<hbm>>
    tpu.wait_indirect_dma semaphore(%arg14 : memref<!tpu.dma_semaphore, #tpu.memory_space<semaphore_mem>>) src(%dma_wait3A_561 : memref<10000x128xf32, #tpu.memory_space<hbm>>) dst(%arg10 : memref<128x128xf32, #tpu.memory_space<vmem>>)
    %dma_wait3A_562 = arith.constant 0 : i32
    %dma_wait3A_563 = tpu.memref_slice %arg4[%dma_wait3A_562] : memref<320000xi32, #tpu.memory_space<hbm>> -> memref<128xi32, #tpu.memory_space<hbm>>
    %dma_wait3A_564 = arith.constant 0 : i32
    %dma_wait3A_565 = tpu.memref_slice %arg4[%dma_wait3A_564] : memref<320000xi32, #tpu.memory_space<hbm>> -> memref<128xi32, #tpu.memory_space<hbm>>
    tpu.wait_dma2 semaphore(%arg18 : memref<!tpu.dma_semaphore, #tpu.memory_space<semaphore_mem>>) src(%dma_wait3A_565 : memref<128xi32, #tpu.memory_space<hbm>>) dst(%arg7 : memref<128xi32, #tpu.memory_space<vmem>>)
    %dma_start3A_566 = arith.constant 0 : i32
    %dma_start3A_567 = arith.constant 0 : i32
    %dma_start3A_568 = tpu.memref_slice %arg13[%dma_start3A_566, %dma_start3A_567] : memref<10240x128xf32, #tpu.memory_space<vmem_shared>> -> memref<10240x128xf32, #tpu.memory_space<vmem_shared>>
    tpu.enqueue_indirect_dma source(%arg10 : memref<128x128xf32, #tpu.memory_space<vmem>>) target(%dma_start3A_568 : memref<10240x128xf32, #tpu.memory_space<vmem_shared>>) offsets(%arg7 : memref<128xi32, #tpu.memory_space<vmem>>) semaphore(%arg16 : memref<!tpu.dma_semaphore, #tpu.memory_space<semaphore_mem>>) {add = true}
    %dma_wait3A_569 = arith.constant 0 : i32
    %dma_wait3A_570 = arith.constant 0 : i32
    %dma_wait3A_571 = tpu.memref_slice %arg13[%dma_wait3A_569, %dma_wait3A_570] : memref<10240x128xf32, #tpu.memory_space<vmem_shared>> -> memref<10240x128xf32, #tpu.memory_space<vmem_shared>>
    tpu.wait_indirect_dma semaphore(%arg16 : memref<!tpu.dma_semaphore, #tpu.memory_space<semaphore_mem>>) src(%arg10 : memref<128x128xf32, #tpu.memory_space<vmem>>) dst(%dma_wait3A_571 : memref<10240x128xf32, #tpu.memory_space<vmem_shared>>)
    %add3A_572 = arith.constant 9984 : i32
    %add3A_573 = arith.addi %mul3A_2, %add3A_572 : i32
    "tpu.region"() ({
      %run_scoped3A = tpu.sem_alloc : memref<!tpu.dma_semaphore, #tpu.memory_space<semaphore_mem>>
      %dma_start3A_610 = tpu.memref_slice %arg4[%add3A_573] : memref<320000xi32, #tpu.memory_space<hbm>> -> memref<16xi32, #tpu.memory_space<hbm>>
      %dma_start3A_611 = tpu.memref_slice %arg4[%add3A_573] : memref<320000xi32, #tpu.memory_space<hbm>> -> memref<16xi32, #tpu.memory_space<hbm>>
      tpu.enqueue_dma source(%dma_start3A_611 : memref<16xi32, #tpu.memory_space<hbm>>) target(%arg9 : memref<16xi32, #tpu.memory_space<vmem>>) target_semaphore(%run_scoped3A : memref<!tpu.dma_semaphore, #tpu.memory_space<semaphore_mem>>)
      %dma_wait3A_612 = tpu.memref_slice %arg4[%add3A_573] : memref<320000xi32, #tpu.memory_space<hbm>> -> memref<16xi32, #tpu.memory_space<hbm>>
      %dma_wait3A_613 = tpu.memref_slice %arg4[%add3A_573] : memref<320000xi32, #tpu.memory_space<hbm>> -> memref<16xi32, #tpu.memory_space<hbm>>
      tpu.wait_dma2 semaphore(%run_scoped3A : memref<!tpu.dma_semaphore, #tpu.memory_space<semaphore_mem>>) src(%dma_wait3A_613 : memref<16xi32, #tpu.memory_space<hbm>>) dst(%arg9 : memref<16xi32, #tpu.memory_space<vmem>>)
      tpu.yield
    }) : () -> ()
    %dma_start3A_574 = arith.constant 9984 : i32
    %dma_start3A_575 = tpu.memref_slice %arg6[%dma_start3A_574] : memref<10000xi32, #tpu.memory_space<vmem>> -> memref<16xi32, #tpu.memory_space<vmem>>
    %dma_start3A_576 = arith.constant 0 : i32
    %dma_start3A_577 = arith.constant 0 : i32
    %dma_start3A_578 = tpu.memref_slice %arg2[%dma_start3A_576, %dma_start3A_577] : memref<10000x128xf32, #tpu.memory_space<hbm>> -> memref<10000x128xf32, #tpu.memory_space<hbm>>
    tpu.enqueue_indirect_dma source(%dma_start3A_578 : memref<10000x128xf32, #tpu.memory_space<hbm>>) target(%arg12 : memref<16x128xf32, #tpu.memory_space<vmem>>) offsets(%dma_start3A_575 : memref<16xi32, #tpu.memory_space<vmem>>) semaphore(%arg14 : memref<!tpu.dma_semaphore, #tpu.memory_space<semaphore_mem>>)
    %dma_wait3A_579 = arith.constant 0 : i32
    %dma_wait3A_580 = tpu.memref_slice %arg6[%dma_wait3A_579] : memref<10000xi32, #tpu.memory_space<vmem>> -> memref<16xi32, #tpu.memory_space<vmem>>
    %dma_wait3A_581 = arith.constant 0 : i32
    %dma_wait3A_582 = arith.constant 0 : i32
    %dma_wait3A_583 = tpu.memref_slice %arg2[%dma_wait3A_581, %dma_wait3A_582] : memref<10000x128xf32, #tpu.memory_space<hbm>> -> memref<10000x128xf32, #tpu.memory_space<hbm>>
    tpu.wait_indirect_dma semaphore(%arg14 : memref<!tpu.dma_semaphore, #tpu.memory_space<semaphore_mem>>) src(%dma_wait3A_583 : memref<10000x128xf32, #tpu.memory_space<hbm>>) dst(%arg12 : memref<16x128xf32, #tpu.memory_space<vmem>>)
    %dma_start3A_584 = arith.constant 0 : i32
    %dma_start3A_585 = arith.constant 0 : i32
    %dma_start3A_586 = tpu.memref_slice %arg13[%dma_start3A_584, %dma_start3A_585] : memref<10240x128xf32, #tpu.memory_space<vmem_shared>> -> memref<10240x128xf32, #tpu.memory_space<vmem_shared>>
    tpu.enqueue_indirect_dma source(%arg12 : memref<16x128xf32, #tpu.memory_space<vmem>>) target(%dma_start3A_586 : memref<10240x128xf32, #tpu.memory_space<vmem_shared>>) offsets(%arg9 : memref<16xi32, #tpu.memory_space<vmem>>) semaphore(%arg16 : memref<!tpu.dma_semaphore, #tpu.memory_space<semaphore_mem>>) {add = true}
    %dma_wait3A_587 = arith.constant 0 : i32
    %dma_wait3A_588 = tpu.memref_slice %arg6[%dma_wait3A_587] : memref<10000xi32, #tpu.memory_space<vmem>> -> memref<128xi32, #tpu.memory_space<vmem>>
    %dma_wait3A_589 = arith.constant 0 : i32
    %dma_wait3A_590 = arith.constant 0 : i32
    %dma_wait3A_591 = tpu.memref_slice %arg2[%dma_wait3A_589, %dma_wait3A_590] : memref<10000x128xf32, #tpu.memory_space<hbm>> -> memref<10000x128xf32, #tpu.memory_space<hbm>>
    tpu.wait_indirect_dma semaphore(%arg15 : memref<!tpu.dma_semaphore, #tpu.memory_space<semaphore_mem>>) src(%dma_wait3A_591 : memref<10000x128xf32, #tpu.memory_space<hbm>>) dst(%arg11 : memref<128x128xf32, #tpu.memory_space<vmem>>)
    %dma_wait3A_592 = arith.constant 0 : i32
    %dma_wait3A_593 = tpu.memref_slice %arg4[%dma_wait3A_592] : memref<320000xi32, #tpu.memory_space<hbm>> -> memref<128xi32, #tpu.memory_space<hbm>>
    %dma_wait3A_594 = arith.constant 0 : i32
    %dma_wait3A_595 = tpu.memref_slice %arg4[%dma_wait3A_594] : memref<320000xi32, #tpu.memory_space<hbm>> -> memref<128xi32, #tpu.memory_space<hbm>>
    tpu.wait_dma2 semaphore(%arg19 : memref<!tpu.dma_semaphore, #tpu.memory_space<semaphore_mem>>) src(%dma_wait3A_595 : memref<128xi32, #tpu.memory_space<hbm>>) dst(%arg8 : memref<128xi32, #tpu.memory_space<vmem>>)
    %dma_start3A_596 = arith.constant 0 : i32
    %dma_start3A_597 = arith.constant 0 : i32
    %dma_start3A_598 = tpu.memref_slice %arg13[%dma_start3A_596, %dma_start3A_597] : memref<10240x128xf32, #tpu.memory_space<vmem_shared>> -> memref<10240x128xf32, #tpu.memory_space<vmem_shared>>
    tpu.enqueue_indirect_dma source(%arg11 : memref<128x128xf32, #tpu.memory_space<vmem>>) target(%dma_start3A_598 : memref<10240x128xf32, #tpu.memory_space<vmem_shared>>) offsets(%arg8 : memref<128xi32, #tpu.memory_space<vmem>>) semaphore(%arg17 : memref<!tpu.dma_semaphore, #tpu.memory_space<semaphore_mem>>) {add = true}
    %dma_wait3A_599 = arith.constant 0 : i32
    %dma_wait3A_600 = arith.constant 0 : i32
    %dma_wait3A_601 = tpu.memref_slice %arg13[%dma_wait3A_599, %dma_wait3A_600] : memref<10240x128xf32, #tpu.memory_space<vmem_shared>> -> memref<10240x128xf32, #tpu.memory_space<vmem_shared>>
    tpu.wait_indirect_dma semaphore(%arg16 : memref<!tpu.dma_semaphore, #tpu.memory_space<semaphore_mem>>) src(%arg12 : memref<16x128xf32, #tpu.memory_space<vmem>>) dst(%dma_wait3A_601 : memref<10240x128xf32, #tpu.memory_space<vmem_shared>>)
    %dma_wait3A_602 = arith.constant 0 : i32
    %dma_wait3A_603 = arith.constant 0 : i32
    %dma_wait3A_604 = tpu.memref_slice %arg13[%dma_wait3A_602, %dma_wait3A_603] : memref<10240x128xf32, #tpu.memory_space<vmem_shared>> -> memref<10240x128xf32, #tpu.memory_space<vmem_shared>>
    tpu.wait_indirect_dma semaphore(%arg17 : memref<!tpu.dma_semaphore, #tpu.memory_space<semaphore_mem>>) src(%arg11 : memref<128x128xf32, #tpu.memory_space<vmem>>) dst(%dma_wait3A_604 : memref<10240x128xf32, #tpu.memory_space<vmem_shared>>)
    %barrier3A_605 = arith.constant 0 : index
    tpu.barrier barrier_id(%barrier3A_605)
    %mul3A_606 = arith.constant 640 : i32
    %mul3A_607 = arith.muli %arg1, %mul3A_606 : i32
    %mul3A_608 = arith.constant 640 : i32
    %mul3A_609 = arith.muli %arg1, %mul3A_608 : i32
    "tpu.region"() ({
      %run_scoped3A = tpu.sem_alloc : memref<!tpu.dma_semaphore, #tpu.memory_space<semaphore_mem>>
      %dma_start3A_610 = arith.constant 0 : i32
      %dma_start3A_611 = tpu.memref_slice %arg5[%arg0, %mul3A_609, %dma_start3A_610] : memref<2x10240x128xf32, #tpu.memory_space<hbm>> -> memref<1x640x128xf32, #tpu.memory_space<hbm>>
      %dma_start3A_612 = tpu.memref_squeeze %dma_start3A_611 : memref<1x640x128xf32, #tpu.memory_space<hbm>> -> memref<640x128xf32, #tpu.memory_space<hbm>>
      %dma_start3A_613 = arith.constant 0 : i32
      %dma_start3A_614 = tpu.memref_slice %arg13[%mul3A_607, %dma_start3A_613] : memref<10240x128xf32, #tpu.memory_space<vmem_shared>> -> memref<640x128xf32, #tpu.memory_space<vmem_shared>>
      tpu.enqueue_dma source(%dma_start3A_614 : memref<640x128xf32, #tpu.memory_space<vmem_shared>>) target(%dma_start3A_612 : memref<640x128xf32, #tpu.memory_space<hbm>>) target_semaphore(%run_scoped3A : memref<!tpu.dma_semaphore, #tpu.memory_space<semaphore_mem>>)
      %dma_wait3A_615 = arith.constant 0 : i32
      %dma_wait3A_616 = tpu.memref_slice %arg5[%arg0, %mul3A_609, %dma_wait3A_615] : memref<2x10240x128xf32, #tpu.memory_space<hbm>> -> memref<1x640x128xf32, #tpu.memory_space<hbm>>
      %dma_wait3A_617 = tpu.memref_squeeze %dma_wait3A_616 : memref<1x640x128xf32, #tpu.memory_space<hbm>> -> memref<640x128xf32, #tpu.memory_space<hbm>>
      %dma_wait3A_618 = arith.constant 0 : i32
      %dma_wait3A_619 = tpu.memref_slice %arg13[%mul3A_607, %dma_wait3A_618] : memref<10240x128xf32, #tpu.memory_space<vmem_shared>> -> memref<640x128xf32, #tpu.memory_space<vmem_shared>>
      tpu.wait_dma2 semaphore(%run_scoped3A : memref<!tpu.dma_semaphore, #tpu.memory_space<semaphore_mem>>) src(%dma_wait3A_619 : memref<640x128xf32, #tpu.memory_space<vmem_shared>>) dst(%dma_wait3A_617 : memref<640x128xf32, #tpu.memory_space<hbm>>)
      tpu.yield
    }) : () -> ()
    return
  }
}

module attributes {stable_mosaic.version = 14 : i64} {
  func.func @_prep1_body(%arg0: memref<32x10000xf32, #tpu.memory_space<vmem>>, %arg1: memref<10000x128xf32, #tpu.memory_space<vmem>>, %arg2: memref<128x64xf32, #tpu.memory_space<vmem>>, %arg3: memref<10000x1xf32, #tpu.memory_space<vmem>>, %arg4: memref<10000x64xf32, #tpu.memory_space<vmem>>) attributes {dimension_semantics = [], scalar_prefetch = 0 : i64, scratch_operands = 0 : i64, tpu.core_type = #tpu.core_type<tc>} {
    %get3A = arith.constant 0 : index
    %get3A_0 = arith.constant 0 : index
    %get3A_1 = vector.load %arg0[%get3A, %get3A_0] : memref<32x10000xf32, #tpu.memory_space<vmem>>, vector<32x10000xf32>
    %reduce_sum3A = arith.constant dense<0.000000e+00> : vector<10000xf32>
    %reduce_sum3A_2 = vector.multi_reduction <add>, %get3A_1, %reduce_sum3A [0] : vector<32x10000xf32> to vector<10000xf32>
    %add3A = arith.constant 1.000000e+00 : f32
    %add3A_3 = vector.broadcast %add3A : f32 to vector<10000xf32>
    %add3A_4 = arith.addf %reduce_sum3A_2, %add3A_3 : vector<10000xf32>
    %rsqrt3A = math.rsqrt %add3A_4 : vector<10000xf32>
    %broadcast_in_dim3A = vector.shape_cast %rsqrt3A : vector<10000xf32> to vector<10000x1xf32>
    %swap3A = arith.constant 0 : index
    %swap3A_5 = arith.constant 0 : index
    %swap3A_6 = vector.load %arg3[%swap3A, %swap3A_5] : memref<10000x1xf32, #tpu.memory_space<vmem>>, vector<10000x1xf32>
    tpu.vector_store %arg3[%swap3A, %swap3A_5], %broadcast_in_dim3A {strides = array<i32>} : memref<10000x1xf32, #tpu.memory_space<vmem>>, vector<10000x1xf32>,
    %get3A_7 = arith.constant 0 : index
    %get3A_8 = arith.constant 0 : index
    %get3A_9 = vector.load %arg1[%get3A_7, %get3A_8] : memref<10000x128xf32, #tpu.memory_space<vmem>>, vector<10000x128xf32>
    %get3A_10 = arith.constant 0 : index
    %get3A_11 = arith.constant 0 : index
    %get3A_12 = vector.load %arg2[%get3A_10, %get3A_11] : memref<128x64xf32, #tpu.memory_space<vmem>>, vector<128x64xf32>
    %dot_general3A = arith.constant dense<0.000000e+00> : vector<10000x64xf32>
    %dot_general3A_13 = tpu.matmul %get3A_9, %get3A_12, %dot_general3A {dimension_numbers = #tpu.dot_dimension_numbers<[1], [0], [0], [1], [0, 0, 1, 1], [], []>, transpose_lhs_hint = false} : vector<10000x128xf32>, vector<128x64xf32>, vector<10000x64xf32> -> vector<10000x64xf32>
    %broadcast_in_dim3A_14 = vector.shape_cast %rsqrt3A : vector<10000xf32> to vector<10000x1xf32>
    %mul3A = vector.broadcast %broadcast_in_dim3A_14 : vector<10000x1xf32> to vector<10000x64xf32>
    %mul3A_15 = arith.mulf %dot_general3A_13, %mul3A : vector<10000x64xf32>
    %swap3A_16 = arith.constant 0 : index
    %swap3A_17 = arith.constant 0 : index
    %swap3A_18 = vector.load %arg4[%swap3A_16, %swap3A_17] : memref<10000x64xf32, #tpu.memory_space<vmem>>, vector<10000x64xf32>
    tpu.vector_store %arg4[%swap3A_16, %swap3A_17], %mul3A_15 {strides = array<i32>} : memref<10000x64xf32, #tpu.memory_space<vmem>>, vector<10000x64xf32>,
    return
  }
}

module attributes {stable_mosaic.version = 14 : i64} {
  func.func @_mid_body(%arg0: memref<2x10240x64xf32, #tpu.memory_space<vmem>>, %arg1: memref<10000x64xf32, #tpu.memory_space<vmem>>, %arg2: memref<10000x1xf32, #tpu.memory_space<vmem>>, %arg3: memref<64xf32, #tpu.memory_space<vmem>>, %arg4: memref<64x128xf32, #tpu.memory_space<vmem>>, %arg5: memref<10000x128xf32, #tpu.memory_space<vmem>>) attributes {dimension_semantics = [], scalar_prefetch = 0 : i64, scratch_operands = 0 : i64, tpu.core_type = #tpu.core_type<tc>} {
    %get3A = arith.constant 0 : index
    %get3A_0 = arith.constant 0 : index
    %get3A_1 = vector.load %arg2[%get3A, %get3A_0] : memref<10000x1xf32, #tpu.memory_space<vmem>>, vector<10000x1xf32>
    %get3A_2 = arith.constant 0 : index
    %get3A_3 = arith.constant 0 : index
    %get3A_4 = arith.constant 0 : index
    %get3A_5 = vector.load %arg0[%get3A_2, %get3A_3, %get3A_4] : memref<2x10240x64xf32, #tpu.memory_space<vmem>>, vector<2x10240x64xf32>
    %slice3A = vector.extract_strided_slice %get3A_5 {offsets = [0, 0, 0], sizes = [1, 10000, 64], strides = [1, 1, 1]} : vector<2x10240x64xf32> to vector<1x10000x64xf32>
    %squeeze3A = vector.shape_cast %slice3A : vector<1x10000x64xf32> to vector<10000x64xf32>
    %slice3A_6 = vector.extract_strided_slice %get3A_5 {offsets = [1, 0, 0], sizes = [1, 10000, 64], strides = [1, 1, 1]} : vector<2x10240x64xf32> to vector<1x10000x64xf32>
    %squeeze3A_7 = vector.shape_cast %slice3A_6 : vector<1x10000x64xf32> to vector<10000x64xf32>
    %add3A = arith.addf %squeeze3A, %squeeze3A_7 : vector<10000x64xf32>
    %get3A_8 = arith.constant 0 : index
    %get3A_9 = arith.constant 0 : index
    %get3A_10 = vector.load %arg1[%get3A_8, %get3A_9] : memref<10000x64xf32, #tpu.memory_space<vmem>>, vector<10000x64xf32>
    %add3A_11 = arith.addf %add3A, %get3A_10 : vector<10000x64xf32>
    %mul3A = vector.broadcast %get3A_1 : vector<10000x1xf32> to vector<10000x64xf32>
    %mul3A_12 = arith.mulf %mul3A, %add3A_11 : vector<10000x64xf32>
    %get3A_13 = arith.constant 0 : index
    %get3A_14 = vector.load %arg3[%get3A_13] : memref<64xf32, #tpu.memory_space<vmem>>, vector<64xf32>
    %broadcast_in_dim3A = vector.shape_cast %get3A_14 : vector<64xf32> to vector<1x64xf32>
    %add3A_15 = vector.broadcast %broadcast_in_dim3A : vector<1x64xf32> to vector<10000x64xf32>
    %add3A_16 = arith.addf %mul3A_12, %add3A_15 : vector<10000x64xf32>
    %max3A = arith.constant 0.000000e+00 : f32
    %max3A_17 = vector.broadcast %max3A : f32 to vector<10000x64xf32>
    %max3A_18 = arith.maximumf %add3A_16, %max3A_17 : vector<10000x64xf32>
    %get3A_19 = arith.constant 0 : index
    %get3A_20 = arith.constant 0 : index
    %get3A_21 = vector.load %arg4[%get3A_19, %get3A_20] : memref<64x128xf32, #tpu.memory_space<vmem>>, vector<64x128xf32>
    %dot_general3A = arith.constant dense<0.000000e+00> : vector<10000x128xf32>
    %dot_general3A_22 = tpu.matmul %max3A_18, %get3A_21, %dot_general3A {dimension_numbers = #tpu.dot_dimension_numbers<[1], [0], [0], [1], [0, 0, 1, 1], [], []>, transpose_lhs_hint = false} : vector<10000x64xf32>, vector<64x128xf32>, vector<10000x128xf32> -> vector<10000x128xf32>
    %mul3A_23 = vector.broadcast %get3A_1 : vector<10000x1xf32> to vector<10000x128xf32>
    %mul3A_24 = arith.mulf %dot_general3A_22, %mul3A_23 : vector<10000x128xf32>
    %swap3A = arith.constant 0 : index
    %swap3A_25 = arith.constant 0 : index
    %swap3A_26 = vector.load %arg5[%swap3A, %swap3A_25] : memref<10000x128xf32, #tpu.memory_space<vmem>>, vector<10000x128xf32>
    tpu.vector_store %arg5[%swap3A, %swap3A_25], %mul3A_24 {strides = array<i32>} : memref<10000x128xf32, #tpu.memory_space<vmem>>, vector<10000x128xf32>,
    return
  }
}

module attributes {stable_mosaic.version = 14 : i64} {
  func.func @_final_body(%arg0: memref<2x10240x128xf32, #tpu.memory_space<vmem>>, %arg1: memref<10000x128xf32, #tpu.memory_space<vmem>>, %arg2: memref<10000x1xf32, #tpu.memory_space<vmem>>, %arg3: memref<128xf32, #tpu.memory_space<vmem>>, %arg4: memref<10000xi32, #tpu.memory_space<vmem>>, %arg5: memref<128x3xf32, #tpu.memory_space<vmem>>, %arg6: memref<3xf32, #tpu.memory_space<vmem>>, %arg7: memref<64x3xf32, #tpu.memory_space<vmem>>) attributes {dimension_semantics = [], scalar_prefetch = 0 : i64, scratch_operands = 0 : i64, tpu.core_type = #tpu.core_type<tc>} {
    %get3A = arith.constant 0 : index
    %get3A_0 = arith.constant 0 : index
    %get3A_1 = vector.load %arg2[%get3A, %get3A_0] : memref<10000x1xf32, #tpu.memory_space<vmem>>, vector<10000x1xf32>
    %get3A_2 = arith.constant 0 : index
    %get3A_3 = arith.constant 0 : index
    %get3A_4 = arith.constant 0 : index
    %get3A_5 = vector.load %arg0[%get3A_2, %get3A_3, %get3A_4] : memref<2x10240x128xf32, #tpu.memory_space<vmem>>, vector<2x10240x128xf32>
    %slice3A = vector.extract_strided_slice %get3A_5 {offsets = [0, 0, 0], sizes = [1, 10000, 128], strides = [1, 1, 1]} : vector<2x10240x128xf32> to vector<1x10000x128xf32>
    %squeeze3A = vector.shape_cast %slice3A : vector<1x10000x128xf32> to vector<10000x128xf32>
    %slice3A_6 = vector.extract_strided_slice %get3A_5 {offsets = [1, 0, 0], sizes = [1, 10000, 128], strides = [1, 1, 1]} : vector<2x10240x128xf32> to vector<1x10000x128xf32>
    %squeeze3A_7 = vector.shape_cast %slice3A_6 : vector<1x10000x128xf32> to vector<10000x128xf32>
    %add3A = arith.addf %squeeze3A, %squeeze3A_7 : vector<10000x128xf32>
    %get3A_8 = arith.constant 0 : index
    %get3A_9 = arith.constant 0 : index
    %get3A_10 = vector.load %arg1[%get3A_8, %get3A_9] : memref<10000x128xf32, #tpu.memory_space<vmem>>, vector<10000x128xf32>
    %add3A_11 = arith.addf %add3A, %get3A_10 : vector<10000x128xf32>
    %mul3A = vector.broadcast %get3A_1 : vector<10000x1xf32> to vector<10000x128xf32>
    %mul3A_12 = arith.mulf %mul3A, %add3A_11 : vector<10000x128xf32>
    %get3A_13 = arith.constant 0 : index
    %get3A_14 = vector.load %arg3[%get3A_13] : memref<128xf32, #tpu.memory_space<vmem>>, vector<128xf32>
    %broadcast_in_dim3A = vector.shape_cast %get3A_14 : vector<128xf32> to vector<1x128xf32>
    %add3A_15 = vector.broadcast %broadcast_in_dim3A : vector<1x128xf32> to vector<10000x128xf32>
    %add3A_16 = arith.addf %mul3A_12, %add3A_15 : vector<10000x128xf32>
    %max3A = arith.constant 0.000000e+00 : f32
    %max3A_17 = vector.broadcast %max3A : f32 to vector<10000x128xf32>
    %max3A_18 = arith.maximumf %add3A_16, %max3A_17 : vector<10000x128xf32>
    %get3A_19 = arith.constant 0 : index
    %get3A_20 = vector.load %arg4[%get3A_19] : memref<10000xi32, #tpu.memory_space<vmem>>, vector<10000xi32>
    %iota3A = tpu.iota {dimensions = array<i32: 0>} : vector<64x10000xi32>
    %broadcast_in_dim3A_21 = vector.shape_cast %get3A_20 : vector<10000xi32> to vector<1x10000xi32>
    %eq3A = vector.broadcast %broadcast_in_dim3A_21 : vector<1x10000xi32> to vector<64x10000xi32>
    %eq3A_22 = arith.cmpi eq, %eq3A, %iota3A : vector<64x10000xi32>
    %convert_element_type3A = arith.extui %eq3A_22 : vector<64x10000xi1> to vector<64x10000xi32>
    %convert_element_type3A_23 = arith.sitofp %convert_element_type3A : vector<64x10000xi32> to vector<64x10000xf32>
    %dot_general3A = arith.constant dense<0.000000e+00> : vector<64x128xf32>
    %dot_general3A_24 = tpu.matmul %convert_element_type3A_23, %max3A_18, %dot_general3A {dimension_numbers = #tpu.dot_dimension_numbers<[1], [0], [0], [1], [0, 0, 1, 1], [], []>, transpose_lhs_hint = false} : vector<64x10000xf32>, vector<10000x128xf32>, vector<64x128xf32> -> vector<64x128xf32>
    %reduce_sum3A = arith.constant dense<0.000000e+00> : vector<64xf32>
    %reduce_sum3A_25 = vector.multi_reduction <add>, %convert_element_type3A_23, %reduce_sum3A [1] : vector<64x10000xf32> to vector<64xf32>
    %max3A_26 = arith.constant 1.000000e+00 : f32
    %max3A_27 = vector.broadcast %max3A_26 : f32 to vector<64xf32>
    %max3A_28 = arith.maximumf %reduce_sum3A_25, %max3A_27 : vector<64xf32>
    %broadcast_in_dim3A_29 = vector.shape_cast %max3A_28 : vector<64xf32> to vector<64x1xf32>
    %div3A = vector.broadcast %broadcast_in_dim3A_29 : vector<64x1xf32> to vector<64x128xf32>
    %div3A_30 = arith.divf %dot_general3A_24, %div3A : vector<64x128xf32>
    %get3A_31 = arith.constant 0 : index
    %get3A_32 = arith.constant 0 : index
    %get3A_33 = vector.load %arg5[%get3A_31, %get3A_32] : memref<128x3xf32, #tpu.memory_space<vmem>>, vector<128x3xf32>
    %dot_general3A_34 = arith.constant dense<0.000000e+00> : vector<64x3xf32>
    %dot_general3A_35 = tpu.matmul %div3A_30, %get3A_33, %dot_general3A_34 {dimension_numbers = #tpu.dot_dimension_numbers<[1], [0], [0], [1], [0, 0, 1, 1], [], []>, transpose_lhs_hint = false} : vector<64x128xf32>, vector<128x3xf32>, vector<64x3xf32> -> vector<64x3xf32>
    %get3A_36 = arith.constant 0 : index
    %get3A_37 = vector.load %arg6[%get3A_36] : memref<3xf32, #tpu.memory_space<vmem>>, vector<3xf32>
    %broadcast_in_dim3A_38 = vector.shape_cast %get3A_37 : vector<3xf32> to vector<1x3xf32>
    %add3A_39 = vector.broadcast %broadcast_in_dim3A_38 : vector<1x3xf32> to vector<64x3xf32>
    %add3A_40 = arith.addf %dot_general3A_35, %add3A_39 : vector<64x3xf32>
    %swap3A = arith.constant 0 : index
    %swap3A_41 = arith.constant 0 : index
    %swap3A_42 = vector.load %arg7[%swap3A, %swap3A_41] : memref<64x3xf32, #tpu.memory_space<vmem>>, vector<64x3xf32>
    tpu.vector_store %arg7[%swap3A, %swap3A_41], %add3A_40 {strides = array<i32>} : memref<64x3xf32, #tpu.memory_space<vmem>>, vector<64x3xf32>,
    return
  }
}

</mosaic_0001>

<sc_bundles>
// kernel: kernel.11.cloned.1.call-start
scs
__scs_entry_jumppad:
0x0: {  	(pc) =	sbr.rel $0x88, $3  }
0x1: {  	(tag) =	ssettag $0x0;
	lr =	simm.s32 $0x1  }
0x2: {  	[smem:$0x3F94] =	sst lr;
	_ =	strace $0xD0000000  }
0x3: {  	_ = 	snop  }
0x4: {  	_ = 	snop  }
0x5: {  	_ = 	snop  }
0x6: {  	_ = 	snop  }
0x7: {  	_ = 	snop  }
__scs_overlays_trampoline_lowered:
0x8: {  	[smem:$0x3FA3] =	sst s0  }
0x9: {  	[smem:$0x3FA4] =	sst s1  }
0xa: {  	[smem:$0x3FA5] =	sst s2  }
0xb: {  	[smem:$0x3FA6] =	sst s3  }
0xc: {  	[smem:$0x3FA7] =	sst s4  }
0xd: {  	[smem:$0x3FA8] =	sst s5  }
0xe: {  	[smem:$0x3FA9] =	sst s6  }
0xf: {  	[smem:$0x3FAA] =	sst s7  }
0x10: {  	[smem:$0x3FAB] =	sst s8  }
0x11: {  	[smem:$0x3FAC] =	sst s9;
	s0 =	simm.s32 @!p0 $0x0  }
0x12: {  	s1 =	sld [smem:$0x3F92];
	s0 =	simm.s32 @p0 $0x1  }
0x13: {  	[smem:$0x3FAD] =	sst s0;
	s0 =	simm.s32 @!p1 $0x0  }
0x14: {  	s2 =	sld [smem:$0x3F91];
	s0 =	simm.s32 @p1 $0x1  }
0x15: {  	[smem:$0x3FAE] =	sst s0;
	s0 =	simm.s32 @!p2 $0x0  }
0x16: {  	s3 =	sld [smem:$0x3FDB];
	s0 =	simm.s32 @p2 $0x1  }
0x17: {  	s4 =	simm.s32 $0x1BF5;
	[smem:$0x3FB0] =	sst s0  }
0x18: {  	s0 =	sld [smem:$0x3F93];
	_ =	swait.ge [sflag:s4], $0x0  }
0x19: {  	s7 =	sld [smem:$0x3F94]  }
0x1a: {  	s8 =	sadd.s32 $0xFFFFE003, lr  }
0x1b: {  	s9 =	sadd.s32 $0xFFFFFEF7, lr;
	s5 =	simm.s32 $0xFFFFFFFF;
	p2 =	slt.u32 s8, $0xFFFFF086  }
0x1c: {  	p1 =	slt.u32 s9, $0xF7A;
	s5 =	simm.s32 @!p2 $0x0  }
0x1d: {  	s5 =	simm.s32 @p1 $0x1;
	p0 =	seq.s32 s7, s2  }
0x1e: {  	s7 =	smul.u32 @!p0 $0xF7A, s2;
	p2 =	seq.s32 @!p0 s5, $0x0  }
0x1f: {  	s9 =	smul.u32 $0xF7A, s1;
	s8 =	simm.s32 @!p0 $0x1BF5;
	p2 =	por !p2, p0  }
0x20: {  	[sflag:s8] =	ssyncset.s32 @!p0 $0xFFFFF086;
	s6 =	sadd.s32 @!p0 s3, s7;
	s7 =	simm.s32 @!p0 $0x108  }
0x21: {  	s3 =	sadd.s32 s3, s9;
	s6 =	sadd.s32 @!p0 $0x88, s6;
	s7 =	simm.s32 @p2 $0x1082  }
0x22: {  	[simem:s7], [sflag:s8] =	dma.local @!p0 [hbm:s6], $0xF7A  }
0x23: {  	s9 =	sor.u32 $0xD0000000, s2;
	s6 =	simm.s32 $0x108;
	_ =	swait.ge @!p0 [sflag:s8], $0x0  }
0x24: {  	s3 =	sadd.s32 $0x88, s3;
	s6 =	simm.s32 @!p1 $0x1082;
	[sflag:s4] =	ssyncset.s32 $0xFFFFF086  }
0x25: {  	[simem:s6], [sflag:s4] =	dma.local [hbm:s3], $0xF7A  }
0x26: {  	[smem:$0x3F94] =	sst s1;
	(tag) =	ssettag s2;
	_ =	strace s9  }
0x27: {  	s1 =	sld [smem:$0x3FA4]  }
0x28: {  	s2 =	sld [smem:$0x3FA5]  }
0x29: {  	s4 =	sld [smem:$0x3FA7]  }
0x2a: {  	p0 =	seq.s32 s5, $0x0;
	s5 =	sld [smem:$0x3FA8]  }
0x2b: {  	s6 =	sld [smem:$0x3FA9]  }
0x2c: {  	s7 =	sld [smem:$0x3FAA]  }
0x2d: {  	s3 =	simm.s32 $0x108;
	s8 =	sld [smem:$0x3FAB]  }
0x2e: {  	s3 =	simm.s32 @!p0 $0x1082;
	s9 =	sld [smem:$0x3FAC]  }
0x2f: {  	lr =	sadd.s32 s0, s3;
	s0 =	sld [smem:$0x3FA3]  }
0x30: {  	s3 =	sld [smem:$0x3FA6]  }
0x31: {  	[smem:$0x3FAF] =	sst s10  }
0x32: {  	s10 =	sld [smem:$0x3FAD];
	_ =	sdelay $0x3  }
0x33: {  	p0 =	seq.s32 s10, $0x1;
	s10 =	sld [smem:$0x3FAF];
	_ =	sdelay $0x3  }
0x34: {  	[smem:$0x3FAF] =	sst s10  }
0x35: {  	s10 =	sld [smem:$0x3FAE];
	_ =	sdelay $0x3  }
0x36: {  	p1 =	seq.s32 s10, $0x1;
	s10 =	sld [smem:$0x3FAF];
	_ =	sdelay $0x3  }
0x37: {  	[smem:$0x3FAF] =	sst s10  }
0x38: {  	s10 =	sld [smem:$0x3FB0]  }
0x39: {  	_ = 	snop;
	(pc) =	sbr.ind lr, $3  }
0x3a: {  	_ = 	snop  }
0x3b: {  	_ = 	snop  }
0x3c: {  	p2 =	seq.s32 s10, $0x1;
	s10 =	sld [smem:$0x3FAF]  }
0x3d: {  	_ =	shalt  }
0x3e: {  	_ =	shalt  }
0x3f: {  	_ =	shalt  }
0x40: {  	_ =	shalt  }
0x41: {  	_ =	shalt  }
0x42: {  	_ =	shalt  }
0x43: {  	_ =	shalt  }
0x44: {  	_ =	shalt  }
0x45: {  	_ =	shalt  }
0x46: {  	_ =	shalt  }
0x47: {  	_ =	shalt  }
0x48: {  	_ =	shalt  }
0x49: {  	_ =	shalt  }
0x4a: {  	_ =	shalt  }
0x4b: {  	_ =	shalt  }
0x4c: {  	_ =	shalt  }
0x4d: {  	_ =	shalt  }
0x4e: {  	_ =	shalt  }
0x4f: {  	_ =	shalt  }
0x50: {  	_ =	shalt  }
0x51: {  	_ =	shalt  }
0x52: {  	_ =	shalt  }
0x53: {  	_ =	shalt  }
0x54: {  	_ =	shalt  }
0x55: {  	_ =	shalt  }
0x56: {  	_ =	shalt  }
0x57: {  	_ =	shalt  }
0x58: {  	_ =	shalt  }
0x59: {  	_ =	shalt  }
0x5a: {  	_ =	shalt  }
0x5b: {  	_ =	shalt  }
0x5c: {  	_ =	shalt  }
0x5d: {  	_ =	shalt  }
0x5e: {  	_ =	shalt  }
0x5f: {  	_ =	shalt  }
0x60: {  	_ =	shalt  }
0x61: {  	_ =	shalt  }
0x62: {  	_ =	shalt  }
0x63: {  	_ =	shalt  }
0x64: {  	_ =	shalt  }
0x65: {  	_ =	shalt  }
0x66: {  	_ =	shalt  }
0x67: {  	_ =	shalt  }
0x68: {  	_ =	shalt  }
0x69: {  	_ =	shalt  }
0x6a: {  	_ =	shalt  }
0x6b: {  	_ =	shalt  }
0x6c: {  	_ =	shalt  }
0x6d: {  	_ =	shalt  }
0x6e: {  	_ =	shalt  }
0x6f: {  	_ =	shalt  }
0x70: {  	_ =	shalt  }
0x71: {  	_ =	shalt  }
0x72: {  	_ =	shalt  }
0x73: {  	_ =	shalt  }
0x74: {  	_ =	shalt  }
0x75: {  	_ =	shalt  }
0x76: {  	_ =	shalt  }
0x77: {  	_ =	shalt  }
0x78: {  	_ =	shalt  }
0x79: {  	_ =	shalt  }
0x7a: {  	_ =	shalt  }
0x7b: {  	_ =	shalt  }
0x7c: {  	_ =	shalt  }
0x7d: {  	_ =	shalt  }
0x7e: {  	_ =	shalt  }
0x7f: {  	_ =	shalt  }
0x80: {  	_ =	shalt  }
0x81: {  	_ =	shalt  }
0x82: {  	_ =	shalt  }
0x83: {  	_ =	shalt  }
0x84: {  	_ =	shalt  }
0x85: {  	_ =	shalt  }
0x86: {  	_ =	shalt  }
0x87: {  	_ =	shalt  }
.Lfunc_end0:
.L_simem_size_0:
called_computation.1_lowered:
.L_overlay_start_0:
0x88: {  	s2 =	sld [smem:$0x3FD9]  }
0x89: {  	s3 =	sld [smem:$0x3FFE];
	_ =	sdelay $0x1  }
0x8a: {  	s1 =	srdreg.scid  }
0x8b: {  	s0 =	sand.u32 $0x1, s1  }
0x8c: {  	s16 =	sshll.u32 s0, $0xA;
	s2 =	sadd.s32 s3, s2  }
0x8d: {  	s2 =	sadd.s32 s2, s16  }
0x8e: {  	[smem:$0x3FBB] =	sst s2  }
0x8f: {  	_ = 	snop  }
0x90: {  	(tm) =	ssettm $0x1  }
0x91: {  	s17 =	sld [smem:$0x3FFB];
	_ =	sdelay $0x3  }
0x92: {  	_ =	strace s17  }
0x93: {  	s2 =	sld [smem:$0x3FFC];
	_ =	sdelay $0x3  }
0x94: {  	_ =	strace s2  }
0x95: {  	s2 =	sld [smem:$0x3FFD];
	_ =	sdelay $0x3  }
0x96: {  	_ =	strace s2  }
0x97: {  	_ =	strace $0x8FFFFFFF  }
0x98: {  	s18 =	sld [smem:$0x3FDB];
	_ =	sdelay $0x1  }
0x99: {  	s19 =	simm.s32 $_scs_section_size  }
0x9a: {  	s4 =	simm.s32 $_size__tile_overlayer_lowered;
	s5 =	simm.s32 $_tile_overlayer_lowered  }
0x9b: {  	s22 =	simm.s32 $0x1BFF;
	s21 =	sshll.u32 s5, $0x1;
	s2 =	sadd.s32 s19, s18  }
0x9c: {  	s6 =	simm.s32 $0x0;
	s20 =	sshll.u32 s4, $0x1;
	s4 =	sadd.s32 s21, s2  }
0x9d: {  	[timem:s6], [sflag:s22] =	dma.local [hbm:s4], s20  }
0x9e: {  	_ =	swait.ge [sflag:s22], s20  }
0x9f: {  	s3 =	ssub.s32 $0x0, s20;
	[sflag:s22] =	ssyncset.done $0x0  }
0xa0: {  	[sflag:s22] =	ssyncadd.s32 s3;
	_ =	sdelay $0x1  }
0xa1: {  	s23 =	simm.s32 $0x1B8B  }
0xa2: {  	_ =	swait.ge [sflag:s23], $0x1  }
0xa3: {  	[sflag:s23] =	ssyncset.done $0x0  }
0xa4: {  	s25 =	simm.s32 $0x1B8E;
	s24 =	sld [smem:$0x3FFE];
	[sflag:s23] =	ssyncadd.s32 $0xFFFFFFFF  }
0xa5: {  	s26 =	simm.s32 $execute0_lowered;
	[smem:$0x3FD2] =	sst s25  }
0xa6: {  	s4 =	sshll.u32 s26, $0x1;
	_ =	strace $0x80000049;
	[dreg:$0x1] =	wrdreg $0xFFFFFFFF  }
0xa7: {  	s28 =	simm.s32 $_size_execute0_lowered;
	s2 =	sadd.s32 s2, s4;
	[dreg:$0x0] =	wrdreg $0x0  }
0xa8: {  	s4 =	sshll.u32 s28, $0x1;
	[dreg:$0x2] =	wrdreg s2  }
0xa9: {  	[dreg:$0x3] =	wrdreg s4  }
0xaa: {  	[dreg:$0x4] =	wrdreg $0xC0  }
0xab: {  	_ =	task [dreg:s6], $0x5FFFF  }
0xac: {  	[dreg:$0x1] =	wrdreg $0xFFFFFFFF  }
0xad: {  	[dreg:$0x0] =	wrdreg $0x60  }
0xae: {  	[dreg:$0x2] =	wrdreg s24  }
0xaf: {  	[dreg:$0x3] =	wrdreg $0x6C200  }
0xb0: {  	[dreg:$0x4] =	wrdreg $0x9  }
0xb1: {  	_ =	task.clear_ibuf [dreg:s6], $0x5FFFF;
	_ =	strace $0x90000049  }
0xb2: {  	s29 =	simm.s32 $0x9;
	_ =	strace $0x8000004B  }
0xb3: {  	_ =	swait.ge [sflag:s29], $0x1  }
0xb4: {  	[sflag:s29] =	ssyncadd.s32 $0xFFFFFFFF  }
0xb5: {  	_ =	strace $0x9000004B  }
0xb6: {  	_ =	sfence  }
0xb7: {  	s30 =	sld [smem:$0x0];
	_ =	sdelay $0x2  }
0xb8: {  	s31 =	sshll.u32 s1, $0xD;
	s1 =	sshrl.u32 s1, $0x2  }
0xb9: {  	s3 =	sand.u32 $0x4000, s31;
	s1 =	sadd.s32 s1, s30  }
0xba: {  	s0 =	sor.u32 s3, s0;
	s1 =	sshll.u32 s1, $0x11  }
0xbb: {  	s0 =	sor.u32 s1, s0  }
0xbc: {  	s0 =	sadd.s32 $0x8F2B, s0  }
0xbd: {  	[sflag:s0] =	ssyncadd.remote.s32 $0x1  }
0xbe: {  	_ =	sfence.sel $0xFFFF  }
0xbf: {  	[dreg:$0x0] =	wrdreg $0xFFFFFFFF;
	(pc) =	sbr.abs _section_cstart, $3  }
0xc0: {  	[dreg:$0x1] =	wrdreg $0xFFFFFFFF  }
0xc1: {  	_ =	task.clear_ibuf [dreg:s6], $0x2FFFF;
	_ =	strace $0x9FFFFFFF  }
0xc2: {  	(tm) =	ssettm $0x7FFFFFFF  }
0xc3: {  	_ =	shalt  }
tec
execute0_lowered:
.L_overlay_start_1:
0x0: {  	(tag) =	ssettag $0x1  }
0x1: {  	s0 =	srdreg.scid;
	s5 =	rddreg [dreg:$0x0]  }
0x2: {  	s13 =	stileid.u32;
	s2 =	rddreg [dreg:$0x1]  }
0x3: {  	s3 =	simm.s32 $0x0;
	s0 =	sand.u32 $0x1, s0;
	s7 =	smul.u32 $0xA000, s13  }
0x4: {  	s1 =	sshll.u32 s13, $0x1;
	[smem:$0x7FF] =	sst s3;
	s10 =	smul.u32 $0x28000, s13  }
0x5: {  	s4 =	sadd.s32 $0x16000, s5;
	s1 =	sor.u32 s0, s1;
	s6 =	smul.u32 $0xA0000, s0  }
0x6: {  	s11 =	sadd.s32 $0xC200, s5;
	s9 =	ssub.s32 $0x2, s0;
	s1 =	smul.u32 $0x2710, s1  }
0x7: {  	_ =	strace $0x8000004A;
	s12 =	sshrl.u32 s9, $0x1;
	s16 =	sshrl.u32 s10, $0x2  }
0x8: {  	s6 =	sadd.s32 s7, s6;
	s9 =	ssub.s32 s9, s12;
	s1 =	sshrl.u32 s1, $0x3  }
0x9: {  	s6 =	sshrl.u32 s6, $0x3;
	s20 =	smax.u32 s9, $0x1;
	s8 =	sadd.s32 s1, s5  }
0xa: {  	s5 =	sadd.s32 s6, s5;
	[dreg:$0x7] =	wrdreg s20;
	s8 =	sadd.s32 $0x2400, s8  }
0xb: {  	s6 =	sadd.s32 s16, s2;
	s18 =	sadd.s32 $0x29A00, s5;
	[dreg:$0x3] =	wrdreg s8  }
0xc: {  	s22 =	sadd.s32 $0x400, s6;
	[dreg:$0x6] =	wrdreg s18  }
0xd: {  	s23 =	sadd.s32 $0x800, s6;
	[dreg:$0x8] =	wrdreg s22  }
0xe: {  	s24 =	sadd.s32 $0xC00, s6;
	[dreg:$0x9] =	wrdreg s23  }
0xf: {  	s25 =	sadd.s32 $0x1000, s6;
	[dreg:$0xa] =	wrdreg s24  }
0x10: {  	s26 =	sadd.s32 $0x1400, s6;
	[dreg:$0xb] =	wrdreg s25  }
0x11: {  	s9 =	sadd.s32 $0x1800, s6;
	[dreg:$0xc] =	wrdreg s26  }
0x12: {  	s10 =	sadd.s32 $0x1C00, s6;
	[dreg:$0xd] =	wrdreg s9  }
0x13: {  	s12 =	sadd.s32 $0x2000, s6;
	[dreg:$0xe] =	wrdreg s10  }
0x14: {  	s14 =	sadd.s32 $0x2400, s6;
	[dreg:$0xf] =	wrdreg s12  }
0x15: {  	s21 =	smul.u32 $0x4E20, s13;
	s15 =	sadd.s32 $0x2800, s6;
	[dreg:$0x10] =	wrdreg s14  }
0x16: {  	s0 =	smul.u32 $0x2710, s0;
	s16 =	sadd.s32 $0x2C00, s6;
	[dreg:$0x11] =	wrdreg s15  }
0x17: {  	s19 =	sadd.s32 s7, s2;
	s20 =	sadd.s32 $0x3800, s6;
	[dreg:$0x12] =	wrdreg s16  }
0x18: {  	s0 =	sadd.s32 s0, s21;
	s21 =	sadd.s32 $0x3C00, s6;
	[dreg:$0x16] =	wrdreg s20  }
0x19: {  	s13 =	sadd.s32 $0x180, s0;
	s7 =	sadd.s32 $0x5400, s6;
	[dreg:$0x17] =	wrdreg s21  }
0x1a: {  	s5 =	sshrl.u32 s13, $0x3;
	s13 =	sadd.s32 $0x6800, s6;
	[dreg:$0x1d] =	wrdreg s7  }
0x1b: {  	s18 =	sadd.s32 $0x3000, s6;
	[smem:$0x7F2] =	sst s13  }
0x1c: {  	s0 =	sadd.s32 $0x200, s0;
	s24 =	sadd.s32 $0x4000, s6;
	[dreg:$0x14] =	wrdreg s18  }
0x1d: {  	s0 =	sshrl.u32 s0, $0x3;
	s25 =	sadd.s32 $0x4400, s6;
	[dreg:$0x18] =	wrdreg s24  }
0x1e: {  	s29 =	sadd.s32 $0x9800, s6;
	s26 =	sadd.s32 $0x4800, s6;
	[dreg:$0x19] =	wrdreg s25  }
0x1f: {  	s22 =	sadd.s32 s5, s11;
	s5 =	sadd.s32 $0x5000, s6;
	[dreg:$0x1a] =	wrdreg s26  }
0x20: {  	s30 =	sadd.s32 $0x9C00, s6;
	s9 =	sadd.s32 $0x5800, s6;
	[dreg:$0x1c] =	wrdreg s5  }
0x21: {  	s8 =	sadd.s32 s11, s1;
	s10 =	sadd.s32 $0x5C00, s6;
	[dreg:$0x1e] =	wrdreg s9  }
0x22: {  	s23 =	sadd.s32 s0, s11;
	s11 =	sadd.s32 $0x6000, s6;
	[dreg:$0x1f] =	wrdreg s10  }
0x23: {  	s12 =	sadd.s32 $0x6400, s6;
	s14 =	sadd.s32 $0x6C00, s6;
	[smem:$0x7F0] =	sst s11  }
0x24: {  	s15 =	sadd.s32 $0x7000, s6;
	s16 =	sadd.s32 $0x7400, s6;
	[smem:$0x7F1] =	sst s12  }
0x25: {  	s20 =	sadd.s32 $0x8400, s6;
	s21 =	sadd.s32 $0x8800, s6;
	[smem:$0x7F3] =	sst s14  }
0x26: {  	s0 =	simm.s32 $0x6820;
	s13 =	simm.s32 $0x4820;
	[smem:$0x7F4] =	sst s15  }
0x27: {  	s7 =	simm.s32 $0x6;
	s1 =	sadd.s32 $0x4D0, s8;
	[smem:$0x7F5] =	sst s16  }
0x28: {  	s17 =	sadd.s32 $0x4E0, s8;
	s18 =	sadd.s32 $0x7C00, s6;
	[smem:$0x7F9] =	sst s20  }
0x29: {  	[smem:$0x7FA] =	sst s21;
	s24 =	sadd.s32 $0x8C00, s6;
	s25 =	sadd.s32 $0x9000, s6  }
0x2a: {  	s26 =	sadd.s32 $0x9400, s6;
	s31 =	sadd.s32 $0x10, s8;
	[dreg:$0x4] =	wrdreg s1  }
0x2b: {  	s28 =	smov.u32 s8;
	s5 =	simm.s32 $0x3;
	[dreg:$0x5] =	wrdreg s17  }
0x2c: {  	s9 =	simm.s32 $0x2710;
	s10 =	simm.s32 $0x80;
	[smem:$0x7F7] =	sst s18  }
0x2d: {  	s11 =	simm.s32 $0x2820;
	s12 =	simm.s32 $0x2790;
	[smem:$0x7FB] =	sst s24  }
0x2e: {  	s14 =	simm.s32 $0x1;
	s15 =	simm.s32 $0x5;
	[smem:$0x7FC] =	sst s25  }
0x2f: {  	s16 =	simm.s32 $0x4;
	s17 =	sshrl.u32 s19, $0x3;
	[smem:$0x7FD] =	sst s26  }
0x30: {  	s20 =	simm.s32 $0x0;
	s19 =	sadd.s32 $0x3400, s6;
	[dreg:$0x13] =	wrdreg s17  }
0x31: {  	s1 =	sadd.s32 $0x4C00, s6;
	s18 =	simm.s32 $0x7;
	[dreg:$0x15] =	wrdreg s19  }
0x32: {  	[dreg:$0x1b] =	wrdreg s1;
	s17 =	sadd.s32 $0x7800, s6;
	s19 =	sadd.s32 $0x8000, s6  }
0x33: {  	s1 =	sadd.s32 $0x20, s8;
	s8 =	simm.s32 $0x2;
	[smem:$0x7F6] =	sst s17  }
0x34: {  	v0 =	vimm.f32 $0.0e+00;
	[smem:$0x7F8] =	sst s19;
	s17 =	simm.s32 $0x2810;
	s19 =	simm.s32 $0x10  }
.LBB2_1:
0x35: {  	s21 =	rddreg [dreg:$0x3]  }
0x36: {  	[tilespmem:s3], [sflag:$0x2] =	stream.linear.gather [hbm4b:s21+s3], $0x2710, $0x38;
	[tilespmem:$0x10C20] =	vst v63  }
0x37: {  	[tilespmem:$0x6820] =	vst v0  }
0x38: {  	[tilespmem:$0x6830] =	vst v0  }
0x39: {  	[tilespmem:$0x6840] =	vst v0  }
0x3a: {  	[tilespmem:$0x6850] =	vst v0  }
0x3b: {  	[tilespmem:$0x6860] =	vst v0  }
0x3c: {  	[tilespmem:$0x6870] =	vst v0  }
0x3d: {  	[tilespmem:$0x6880] =	vst v0  }
0x3e: {  	[tilespmem:$0x6890] =	vst v0  }
0x3f: {  	[tilespmem:$0x68A0] =	vst v0  }
0x40: {  	[tilespmem:$0x68B0] =	vst v0  }
0x41: {  	[tilespmem:$0x68C0] =	vst v0  }
0x42: {  	[tilespmem:$0x68D0] =	vst v0  }
0x43: {  	[tilespmem:$0x68E0] =	vst v0  }
0x44: {  	[tilespmem:$0x68F0] =	vst v0  }
0x45: {  	[tilespmem:$0x6900] =	vst v0  }
0x46: {  	[tilespmem:$0x6910] =	vst v0  }
0x47: {  	[tilespmem:$0x6920] =	vst v0  }
0x48: {  	[tilespmem:$0x6930] =	vst v0  }
0x49: {  	[tilespmem:$0x6940] =	vst v0  }
0x4a: {  	[tilespmem:$0x6950] =	vst v0  }
0x4b: {  	[tilespmem:$0x6960] =	vst v0  }
0x4c: {  	[tilespmem:$0x6970] =	vst v0  }
0x4d: {  	[tilespmem:$0x6980] =	vst v0  }
0x4e: {  	[tilespmem:$0x6990] =	vst v0  }
0x4f: {  	[tilespmem:$0x69A0] =	vst v0  }
0x50: {  	[tilespmem:$0x69B0] =	vst v0  }
0x51: {  	[tilespmem:$0x69C0] =	vst v0  }
0x52: {  	[tilespmem:$0x69D0] =	vst v0  }
0x53: {  	[tilespmem:$0x69E0] =	vst v0  }
0x54: {  	[tilespmem:$0x69F0] =	vst v0  }
0x55: {  	[tilespmem:$0x6A00] =	vst v0  }
0x56: {  	[tilespmem:$0x6A10] =	vst v0  }
0x57: {  	[tilespmem:$0x6A20] =	vst v0  }
0x58: {  	[tilespmem:$0x6A30] =	vst v0  }
0x59: {  	[tilespmem:$0x6A40] =	vst v0  }
0x5a: {  	[tilespmem:$0x6A50] =	vst v0  }
0x5b: {  	[tilespmem:$0x6A60] =	vst v0  }
0x5c: {  	[tilespmem:$0x6A70] =	vst v0  }
0x5d: {  	[tilespmem:$0x6A80] =	vst v0  }
0x5e: {  	[tilespmem:$0x6A90] =	vst v0  }
0x5f: {  	[tilespmem:$0x6AA0] =	vst v0  }
0x60: {  	[tilespmem:$0x6AB0] =	vst v0  }
0x61: {  	[tilespmem:$0x6AC0] =	vst v0  }
0x62: {  	[tilespmem:$0x6AD0] =	vst v0  }
0x63: {  	[tilespmem:$0x6AE0] =	vst v0  }
0x64: {  	[tilespmem:$0x6AF0] =	vst v0  }
0x65: {  	[tilespmem:$0x6B00] =	vst v0  }
0x66: {  	[tilespmem:$0x6B10] =	vst v0  }
0x67: {  	[tilespmem:$0x6B20] =	vst v0  }
0x68: {  	[tilespmem:$0x6B30] =	vst v0  }
0x69: {  	[tilespmem:$0x6B40] =	vst v0  }
0x6a: {  	[tilespmem:$0x6B50] =	vst v0  }
0x6b: {  	[tilespmem:$0x6B60] =	vst v0  }
0x6c: {  	[tilespmem:$0x6B70] =	vst v0  }
0x6d: {  	[tilespmem:$0x6B80] =	vst v0  }
0x6e: {  	[tilespmem:$0x6B90] =	vst v0  }
0x6f: {  	[tilespmem:$0x6BA0] =	vst v0  }
0x70: {  	[tilespmem:$0x6BB0] =	vst v0  }
0x71: {  	[tilespmem:$0x6BC0] =	vst v0  }
0x72: {  	[tilespmem:$0x6BD0] =	vst v0  }
0x73: {  	[tilespmem:$0x6BE0] =	vst v0  }
0x74: {  	[tilespmem:$0x6BF0] =	vst v0  }
0x75: {  	[tilespmem:$0x6C00] =	vst v0  }
0x76: {  	s26 =	rddreg [dreg:$0x8];
	[tilespmem:$0x6C10] =	vst v0  }
0x77: {  	[spmem:s6] =	stream.linear.scatter [tilespmem:s0], [sflag:$0x3], $0x400, $0x38;
	[tilespmem:$0x10C20] =	vst v63  }
0x78: {  	s24 =	rddreg [dreg:$0x9]  }
0x79: {  	[spmem:s26] =	stream.linear.scatter [tilespmem:s0], [sflag:$0x3], $0x400, $0x38;
	[tilespmem:$0x10C20] =	vst v63  }
0x7a: {  	s25 =	rddreg [dreg:$0xa]  }
0x7b: {  	[spmem:s24] =	stream.linear.scatter [tilespmem:s0], [sflag:$0x3], $0x400, $0x38;
	[tilespmem:$0x10C20] =	vst v63  }
0x7c: {  	s26 =	rddreg [dreg:$0xb]  }
0x7d: {  	[spmem:s25] =	stream.linear.scatter [tilespmem:s0], [sflag:$0x3], $0x400, $0x38;
	[tilespmem:$0x10C20] =	vst v63  }
0x7e: {  	s24 =	rddreg [dreg:$0xc]  }
0x7f: {  	[spmem:s26] =	stream.linear.scatter [tilespmem:s0], [sflag:$0x3], $0x400, $0x38;
	[tilespmem:$0x10C20] =	vst v63  }
0x80: {  	s25 =	rddreg [dreg:$0xd]  }
0x81: {  	[spmem:s24] =	stream.linear.scatter [tilespmem:s0], [sflag:$0x3], $0x400, $0x38;
	[tilespmem:$0x10C20] =	vst v63  }
0x82: {  	s26 =	rddreg [dreg:$0xe]  }
0x83: {  	[spmem:s25] =	stream.linear.scatter [tilespmem:s0], [sflag:$0x3], $0x400, $0x38;
	[tilespmem:$0x10C20] =	vst v63  }
0x84: {  	s24 =	rddreg [dreg:$0xf]  }
0x85: {  	[spmem:s26] =	stream.linear.scatter [tilespmem:s0], [sflag:$0x3], $0x400, $0x38;
	[tilespmem:$0x10C20] =	vst v63  }
0x86: {  	s25 =	rddreg [dreg:$0x10]  }
0x87: {  	[spmem:s24] =	stream.linear.scatter [tilespmem:s0], [sflag:$0x3], $0x400, $0x38;
	[tilespmem:$0x10C20] =	vst v63  }
0x88: {  	s26 =	rddreg [dreg:$0x11]  }
0x89: {  	[spmem:s25] =	stream.linear.scatter [tilespmem:s0], [sflag:$0x3], $0x400, $0x38;
	[tilespmem:$0x10C20] =	vst v63  }
0x8a: {  	s24 =	rddreg [dreg:$0x12]  }
0x8b: {  	[spmem:s26] =	stream.linear.scatter [tilespmem:s0], [sflag:$0x3], $0x400, $0x38;
	[tilespmem:$0x10C20] =	vst v63  }
0x8c: {  	s25 =	rddreg [dreg:$0x14]  }
0x8d: {  	[spmem:s24] =	stream.linear.scatter [tilespmem:s0], [sflag:$0x3], $0x400, $0x38;
	[tilespmem:$0x10C20] =	vst v63  }
0x8e: {  	s26 =	rddreg [dreg:$0x15]  }
0x8f: {  	[spmem:s25] =	stream.linear.scatter [tilespmem:s0], [sflag:$0x3], $0x400, $0x38;
	[tilespmem:$0x10C20] =	vst v63  }
0x90: {  	s24 =	rddreg [dreg:$0x16]  }
0x91: {  	[spmem:s26] =	stream.linear.scatter [tilespmem:s0], [sflag:$0x3], $0x400, $0x38;
	[tilespmem:$0x10C20] =	vst v63  }
0x92: {  	s25 =	rddreg [dreg:$0x17]  }
0x93: {  	[spmem:s24] =	stream.linear.scatter [tilespmem:s0], [sflag:$0x3], $0x400, $0x38;
	[tilespmem:$0x10C20] =	vst v63  }
0x94: {  	s26 =	rddreg [dreg:$0x18]  }
0x95: {  	[spmem:s25] =	stream.linear.scatter [tilespmem:s0], [sflag:$0x3], $0x400, $0x38;
	[tilespmem:$0x10C20] =	vst v63  }
0x96: {  	s24 =	rddreg [dreg:$0x19]  }
0x97: {  	[spmem:s26] =	stream.linear.scatter [tilespmem:s0], [sflag:$0x3], $0x400, $0x38;
	[tilespmem:$0x10C20] =	vst v63  }
0x98: {  	s25 =	rddreg [dreg:$0x1a]  }
0x99: {  	[spmem:s24] =	stream.linear.scatter [tilespmem:s0], [sflag:$0x3], $0x400, $0x38;
	[tilespmem:$0x10C20] =	vst v63  }
0x9a: {  	s26 =	rddreg [dreg:$0x1b]  }
0x9b: {  	[spmem:s25] =	stream.linear.scatter [tilespmem:s0], [sflag:$0x3], $0x400, $0x38;
	[tilespmem:$0x10C20] =	vst v63  }
0x9c: {  	s24 =	rddreg [dreg:$0x1c]  }
0x9d: {  	[spmem:s26] =	stream.linear.scatter [tilespmem:s0], [sflag:$0x3], $0x400, $0x38;
	[tilespmem:$0x10C20] =	vst v63  }
0x9e: {  	s25 =	rddreg [dreg:$0x1d]  }
0x9f: {  	[spmem:s24] =	stream.linear.scatter [tilespmem:s0], [sflag:$0x3], $0x400, $0x38;
	[tilespmem:$0x10C20] =	vst v63  }
0xa0: {  	s26 =	rddreg [dreg:$0x1e]  }
0xa1: {  	[spmem:s25] =	stream.linear.scatter [tilespmem:s0], [sflag:$0x3], $0x400, $0x38;
	[tilespmem:$0x10C20] =	vst v63  }
0xa2: {  	s24 =	rddreg [dreg:$0x1f]  }
0xa3: {  	[spmem:s26] =	stream.linear.scatter [tilespmem:s0], [sflag:$0x3], $0x400, $0x38;
	[tilespmem:$0x10C20] =	vst v63  }
0xa4: {  	s25 =	sld [smem:$0x7F0]  }
0xa5: {  	[spmem:s24] =	stream.linear.scatter [tilespmem:s0], [sflag:$0x3], $0x400, $0x38;
	[tilespmem:$0x10C20] =	vst v63  }
0xa6: {  	s26 =	sld [smem:$0x7F1]  }
0xa7: {  	[spmem:s25] =	stream.linear.scatter [tilespmem:s0], [sflag:$0x3], $0x400, $0x38;
	[tilespmem:$0x10C20] =	vst v63  }
0xa8: {  	s24 =	sld [smem:$0x7F2]  }
0xa9: {  	[spmem:s26] =	stream.linear.scatter [tilespmem:s0], [sflag:$0x3], $0x400, $0x38;
	[tilespmem:$0x10C20] =	vst v63  }
0xaa: {  	s25 =	sld [smem:$0x7F3]  }
0xab: {  	[spmem:s24] =	stream.linear.scatter [tilespmem:s0], [sflag:$0x3], $0x400, $0x38;
	[tilespmem:$0x10C20] =	vst v63  }
0xac: {  	s26 =	sld [smem:$0x7F4]  }
0xad: {  	[spmem:s25] =	stream.linear.scatter [tilespmem:s0], [sflag:$0x3], $0x400, $0x38;
	[tilespmem:$0x10C20] =	vst v63  }
0xae: {  	s24 =	sld [smem:$0x7F5]  }
0xaf: {  	[spmem:s26] =	stream.linear.scatter [tilespmem:s0], [sflag:$0x3], $0x400, $0x38;
	[tilespmem:$0x10C20] =	vst v63  }
0xb0: {  	s25 =	sld [smem:$0x7F6]  }
0xb1: {  	[spmem:s24] =	stream.linear.scatter [tilespmem:s0], [sflag:$0x3], $0x400, $0x38;
	[tilespmem:$0x10C20] =	vst v63  }
0xb2: {  	s26 =	sld [smem:$0x7F7]  }
0xb3: {  	[spmem:s25] =	stream.linear.scatter [tilespmem:s0], [sflag:$0x3], $0x400, $0x38;
	[tilespmem:$0x10C20] =	vst v63  }
0xb4: {  	s24 =	sld [smem:$0x7F8]  }
0xb5: {  	[spmem:s26] =	stream.linear.scatter [tilespmem:s0], [sflag:$0x3], $0x400, $0x38;
	[tilespmem:$0x10C20] =	vst v63  }
0xb6: {  	s25 =	sld [smem:$0x7F9]  }
0xb7: {  	[spmem:s24] =	stream.linear.scatter [tilespmem:s0], [sflag:$0x3], $0x400, $0x38;
	[tilespmem:$0x10C20] =	vst v63  }
0xb8: {  	s26 =	sld [smem:$0x7FA]  }
0xb9: {  	[spmem:s25] =	stream.linear.scatter [tilespmem:s0], [sflag:$0x3], $0x400, $0x38;
	[tilespmem:$0x10C20] =	vst v63  }
0xba: {  	s24 =	sld [smem:$0x7FB]  }
0xbb: {  	[spmem:s26] =	stream.linear.scatter [tilespmem:s0], [sflag:$0x3], $0x400, $0x38;
	[tilespmem:$0x10C20] =	vst v63  }
0xbc: {  	s25 =	sld [smem:$0x7FC]  }
0xbd: {  	[spmem:s24] =	stream.linear.scatter [tilespmem:s0], [sflag:$0x3], $0x400, $0x38;
	[tilespmem:$0x10C20] =	vst v63  }
0xbe: {  	s26 =	sld [smem:$0x7FD]  }
0xbf: {  	[spmem:s25] =	stream.linear.scatter [tilespmem:s0], [sflag:$0x3], $0x400, $0x38;
	[tilespmem:$0x10C20] =	vst v63  }
0xc0: {  	_ = 	snop  }
0xc1: {  	[spmem:s26] =	stream.linear.scatter [tilespmem:s0], [sflag:$0x3], $0x400, $0x38;
	[tilespmem:$0x10C20] =	vst v63  }
0xc2: {  	_ = 	snop  }
0xc3: {  	[spmem:s29] =	stream.linear.scatter [tilespmem:s0], [sflag:$0x3], $0x400, $0x38;
	[tilespmem:$0x10C20] =	vst v63  }
0xc4: {  	_ = 	snop  }
0xc5: {  	[spmem:s30] =	stream.linear.scatter [tilespmem:s0], [sflag:$0x3], $0x400, $0x38;
	[tilespmem:$0x10C20] =	vst v63  }
0xc6: {  	_ =	swait.ge [sflag:s5], $0x400  }
0xc7: {  	s21 =	simm.s32 $0x27;
	[sflag:s5] =	ssyncset.done $0x0  }
.LBB2_2:
0xc8: {  	p0 =	sne.s32 s21, $0x1;
	s21 =	sadd.s32 $0xFFFFFFFF, s21;
	[sflag:s5] =	ssyncadd.s32 $0xFFFFFC00  }
.Ltmp0:
0xc9: {  	(pc) =	sbr.rel @p0 .LBB2_2-.Ltmp0, $3  }
0xca: {  	_ =	sdelay $0x1  }
0xcb: {  	_ =	swait.ge [sflag:s5], $0x400  }
0xcc: {  	[sflag:s5] =	ssyncset.done $0x0  }
0xcd: {  	[sflag:s5] =	ssyncadd.s32 $0xFFFFFC00  }
0xce: {  	_ =	swait.ge [sflag:s8], $0x2710  }
0xcf: {  	[sflag:s8] =	ssyncset.done $0x0  }
0xd0: {  	[sflag:s8] =	ssyncadd.s32 $0xFFFFD8F0  }
0xd1: {  	s21 =	simm.s32 $0x0;
	[bflag:$0x0] =	sbarrier.arrive $0xFFFF  }
0xd2: {  	[tilespmem:s9], [sflag:$0x5] =	stream.linear.gather [hbm4b:s28+s21], $0x80, $0x38;
	[tilespmem:$0x10C20] =	vst v63  }
0xd3: {  	_ = 	snop  }
0xd4: {  	[tilespmem:s11], [sflag:$0x1] =	stream.indirect.gather [hbm4b:s4+s10], $0x40, s21, s10, $0xb8;
	[tilespmem:$0x10C20] =	vst v63  }
0xd5: {  	_ = 	snop  }
0xd6: {  	[tilespmem:s12], [sflag:$0x6] =	stream.linear.gather [hbm4b:s31+s21], $0x80, $0x38;
	[tilespmem:$0x10C20] =	vst v63  }
0xd7: {  	_ = 	snop  }
0xd8: {  	[tilespmem:s13], [sflag:$0x2] =	stream.indirect.gather [hbm4b:s4+s10], $0x40, s10, s10, $0xb8;
	[tilespmem:$0x10C20] =	vst v63  }
0xd9: {  	_ =	swait.ge [sflag:s14], $0x2000  }
0xda: {  	[sflag:s14] =	ssyncset.done $0x0  }
0xdb: {  	[sflag:s14] =	ssyncadd.s32 $0xFFFFE000  }
0xdc: {  	_ =	swait.ge [sflag:s15], $0x80  }
0xdd: {  	[sflag:s15] =	ssyncset.done $0x0  }
0xde: {  	[sflag:s15] =	ssyncadd.s32 $0xFFFFFF80  }
0xdf: {  	[spmem:s2] =	stream.indirect.scatter.add.f32 [tilespmem:s11], [sflag:$0x3], $0x40, s9, s10, $0xb8;
	[tilespmem:$0x10C20] =	vst v63  }
0xe0: {  	_ =	swait.ge [sflag:s5], $0x2000  }
0xe1: {  	[sflag:s5] =	ssyncset.done $0x0  }
0xe2: {  	[sflag:s5] =	ssyncadd.s32 $0xFFFFE000  }
0xe3: {  	[tilespmem:s9], [sflag:$0x5] =	stream.linear.gather [hbm4b:s1+s21], $0x80, $0x38;
	[tilespmem:$0x10C20] =	vst v63  }
0xe4: {  	s25 =	simm.s32 $0x100  }
0xe5: {  	[tilespmem:s11], [sflag:$0x1] =	stream.indirect.gather [hbm4b:s4+s10], $0x40, s25, s10, $0xb8;
	[tilespmem:$0x10C20] =	vst v63  }
0xe6: {  	_ =	swait.ge [sflag:s8], $0x2000  }
0xe7: {  	[sflag:s8] =	ssyncset.done $0x0  }
0xe8: {  	[sflag:s8] =	ssyncadd.s32 $0xFFFFE000  }
0xe9: {  	_ =	swait.ge [sflag:s7], $0x80  }
0xea: {  	[sflag:s7] =	ssyncset.done $0x0  }
0xeb: {  	[sflag:s7] =	ssyncadd.s32 $0xFFFFFF80  }
0xec: {  	[spmem:s2] =	stream.indirect.scatter.add.f32 [tilespmem:s13], [sflag:$0x4], $0x40, s12, s10, $0xb8;
	[tilespmem:$0x10C20] =	vst v63  }
0xed: {  	_ =	swait.ge [sflag:s16], $0x2000  }
0xee: {  	[sflag:s16] =	ssyncset.done $0x0  }
0xef: {  	s26 =	sadd.s32 $0x0, s22;
	[sflag:s16] =	ssyncadd.s32 $0xFFFFE000  }
0xf0: {  	[tilespmem:s12], [sflag:$0x6] =	stream.linear.gather [hbm4b:s26+s3], $0x80, $0x38;
	[tilespmem:$0x10C20] =	vst v63  }
0xf1: {  	s24 =	simm.s32 $0x180  }
0xf2: {  	[tilespmem:s13], [sflag:$0x2] =	stream.indirect.gather [hbm4b:s4+s10], $0x40, s24, s10, $0xb8;
	[tilespmem:$0x10C20] =	vst v63  }
0xf3: {  	_ =	swait.ge [sflag:s14], $0x2000  }
0xf4: {  	[sflag:s14] =	ssyncset.done $0x0  }
0xf5: {  	[sflag:s14] =	ssyncadd.s32 $0xFFFFE000  }
0xf6: {  	_ =	swait.ge [sflag:s15], $0x80  }
0xf7: {  	[sflag:s15] =	ssyncset.done $0x0  }
0xf8: {  	[sflag:s15] =	ssyncadd.s32 $0xFFFFFF80  }
0xf9: {  	[spmem:s2] =	stream.indirect.scatter.add.f32 [tilespmem:s11], [sflag:$0x3], $0x40, s9, s10, $0xb8;
	[tilespmem:$0x10C20] =	vst v63  }
0xfa: {  	_ =	swait.ge [sflag:s5], $0x2000  }
0xfb: {  	[sflag:s5] =	ssyncset.done $0x0  }
0xfc: {  	s25 =	sadd.s32 $0x0, s23;
	[sflag:s5] =	ssyncadd.s32 $0xFFFFE000  }
0xfd: {  	[tilespmem:s9], [sflag:$0x5] =	stream.linear.gather [hbm4b:s25+s3], $0x80, $0x38;
	[tilespmem:$0x10C20] =	vst v63  }
0xfe: {  	s26 =	simm.s32 $0x200  }
0xff: {  	[tilespmem:s11], [sflag:$0x1] =	stream.indirect.gather [hbm4b:s4+s10], $0x40, s26, s10, $0xb8;
	[tilespmem:$0x10C20] =	vst v63  }
0x100: {  	_ =	swait.ge [sflag:s8], $0x2000  }
0x101: {  	[sflag:s8] =	ssyncset.done $0x0  }
0x102: {  	[sflag:s8] =	ssyncadd.s32 $0xFFFFE000  }
0x103: {  	_ =	swait.ge [sflag:s7], $0x80  }
0x104: {  	[sflag:s7] =	ssyncset.done $0x0  }
0x105: {  	s21 =	simm.s32 $0x20;
	s24 =	simm.s32 $0x280;
	[sflag:s7] =	ssyncadd.s32 $0xFFFFFF80  }
.LBB2_4:
0x106: {  	[spmem:s2] =	stream.indirect.scatter.add.f32 [tilespmem:s13], [sflag:$0x4], $0x40, s12, s10, $0xb8;
	[tilespmem:$0x10C20] =	vst v63  }
0x107: {  	s25 =	smov.u32 s21  }
0x108: {  	p0 =	sne.s32 s21, $0x480;
	s21 =	sadd.s32 $0x20, s21;
	_ =	swait.ge [sflag:s16], $0x2000  }
0x109: {  	[sflag:s16] =	ssyncset.done $0x0  }
0x10a: {  	s26 =	sadd.s32 s25, s22;
	[sflag:s16] =	ssyncadd.s32 $0xFFFFE000  }
0x10b: {  	[tilespmem:s12], [sflag:$0x6] =	stream.linear.gather [hbm4b:s26+s3], $0x80, $0x38;
	[tilespmem:$0x10C20] =	vst v63  }
0x10c: {  	_ = 	snop  }
0x10d: {  	[tilespmem:s13], [sflag:$0x2] =	stream.indirect.gather [hbm4b:s4+s10], $0x40, s24, s10, $0xb8;
	[tilespmem:$0x10C20] =	vst v63  }
0x10e: {  	_ =	swait.ge [sflag:s14], $0x2000  }
0x10f: {  	[sflag:s14] =	ssyncset.done $0x0  }
0x110: {  	[sflag:s14] =	ssyncadd.s32 $0xFFFFE000  }
0x111: {  	_ =	swait.ge [sflag:s15], $0x80  }
0x112: {  	[sflag:s15] =	ssyncset.done $0x0  }
0x113: {  	[sflag:s15] =	ssyncadd.s32 $0xFFFFFF80  }
0x114: {  	[spmem:s2] =	stream.indirect.scatter.add.f32 [tilespmem:s11], [sflag:$0x3], $0x40, s9, s10, $0xb8;
	[tilespmem:$0x10C20] =	vst v63  }
0x115: {  	_ =	swait.ge [sflag:s5], $0x2000  }
0x116: {  	[sflag:s5] =	ssyncset.done $0x0  }
0x117: {  	s25 =	sadd.s32 s25, s23;
	[sflag:s5] =	ssyncadd.s32 $0xFFFFE000  }
0x118: {  	[tilespmem:s9], [sflag:$0x5] =	stream.linear.gather [hbm4b:s25+s3], $0x80, $0x38;
	[tilespmem:$0x10C20] =	vst v63  }
0x119: {  	s25 =	sadd.s32 $0x80, s24  }
0x11a: {  	[tilespmem:s11], [sflag:$0x1] =	stream.indirect.gather [hbm4b:s4+s10], $0x40, s25, s10, $0xb8;
	[tilespmem:$0x10C20] =	vst v63  }
0x11b: {  	_ =	swait.ge [sflag:s8], $0x2000  }
.Ltmp1:
0x11c: {  	[sflag:s8] =	ssyncset.done $0x0;
	(pc) =	sbr.rel @p0 .LBB2_4-.Ltmp1, $4  }
0x11d: {  	[sflag:s8] =	ssyncadd.s32 $0xFFFFE000  }
0x11e: {  	_ =	swait.ge [sflag:s7], $0x80  }
0x11f: {  	[sflag:s7] =	ssyncset.done $0x0  }
0x120: {  	s24 =	sadd.s32 $0x100, s24;
	[sflag:s7] =	ssyncadd.s32 $0xFFFFFF80  }
0x121: {  	[spmem:s2] =	stream.indirect.scatter.add.f32 [tilespmem:s13], [sflag:$0x4], $0x40, s12, s10, $0xb8;
	[tilespmem:$0x10C20] =	vst v63  }
0x122: {  	_ =	swait.ge [sflag:s16], $0x2000  }
0x123: {  	[sflag:s16] =	ssyncset.done $0x0  }
0x124: {  	s21 =	rddreg [dreg:$0x4];
	[sflag:s16] =	ssyncadd.s32 $0xFFFFE000  }
0x125: {  	[tilespmem:s12], [sflag:$0x6] =	stream.linear.gather [hbm4b:s21+s3], $0x80, $0x38;
	[tilespmem:$0x10C20] =	vst v63  }
0x126: {  	s25 =	simm.s32 $0x2680  }
0x127: {  	[tilespmem:s13], [sflag:$0x2] =	stream.indirect.gather [hbm4b:s4+s10], $0x40, s25, s10, $0xb8;
	[tilespmem:$0x10C20] =	vst v63  }
0x128: {  	_ =	swait.ge [sflag:s14], $0x2000  }
0x129: {  	[sflag:s14] =	ssyncset.done $0x0  }
0x12a: {  	[sflag:s14] =	ssyncadd.s32 $0xFFFFE000  }
0x12b: {  	_ =	swait.ge [sflag:s15], $0x80  }
0x12c: {  	[sflag:s15] =	ssyncset.done $0x0  }
0x12d: {  	[sflag:s15] =	ssyncadd.s32 $0xFFFFFF80  }
0x12e: {  	[spmem:s2] =	stream.indirect.scatter.add.f32 [tilespmem:s11], [sflag:$0x3], $0x40, s9, s10, $0xb8;
	[tilespmem:$0x10C20] =	vst v63  }
0x12f: {  	_ =	swait.ge [sflag:s5], $0x2000  }
0x130: {  	[sflag:s5] =	ssyncset.done $0x0  }
0x131: {  	s26 =	rddreg [dreg:$0x5];
	[sflag:s5] =	ssyncadd.s32 $0xFFFFE000  }
0x132: {  	[tilespmem:s17], [sflag:$0x7] =	stream.linear.gather [hbm4b:s26+s3], $0x10, $0x38;
	[tilespmem:$0x10C20] =	vst v63  }
0x133: {  	_ =	swait.ge [sflag:s18], $0x10  }
0x134: {  	[sflag:s18] =	ssyncset.done $0x0  }
0x135: {  	s24 =	simm.s32 $0x2700;
	[sflag:s18] =	ssyncadd.s32 $0xFFFFFFF0  }
0x136: {  	[tilespmem:s0], [sflag:$0x1] =	stream.indirect.gather [hbm4b:s4+s19], $0x40, s24, s19, $0xb8;
	[tilespmem:$0x10C20] =	vst v63  }
0x137: {  	_ =	swait.ge [sflag:s14], $0x400  }
0x138: {  	[sflag:s14] =	ssyncset.done $0x0  }
0x139: {  	[sflag:s14] =	ssyncadd.s32 $0xFFFFFC00  }
0x13a: {  	[spmem:s2] =	stream.indirect.scatter.add.f32 [tilespmem:s0], [sflag:$0x3], $0x40, s17, s19, $0xb8;
	[tilespmem:$0x10C20] =	vst v63  }
0x13b: {  	_ =	swait.ge [sflag:s8], $0x2000  }
0x13c: {  	[sflag:s8] =	ssyncset.done $0x0  }
0x13d: {  	[sflag:s8] =	ssyncadd.s32 $0xFFFFE000  }
0x13e: {  	_ =	swait.ge [sflag:s7], $0x80  }
0x13f: {  	[sflag:s7] =	ssyncset.done $0x0  }
0x140: {  	[sflag:s7] =	ssyncadd.s32 $0xFFFFFF80  }
0x141: {  	[spmem:s2] =	stream.indirect.scatter.add.f32 [tilespmem:s13], [sflag:$0x4], $0x40, s12, s10, $0xb8;
	[tilespmem:$0x10C20] =	vst v63  }
0x142: {  	_ =	swait.ge [sflag:s5], $0x400  }
0x143: {  	[sflag:s5] =	ssyncset.done $0x0  }
0x144: {  	[sflag:s5] =	ssyncadd.s32 $0xFFFFFC00  }
0x145: {  	_ =	swait.ge [sflag:s16], $0x2000  }
0x146: {  	[sflag:s16] =	ssyncset.done $0x0  }
0x147: {  	[sflag:s16] =	ssyncadd.s32 $0xFFFFE000  }
0x148: {  	s25 =	stileid.u32;
	[bflag:$0x0] =	sbarrier.arrive $0xFFFF  }
0x149: {  	s21 =	sshll.u32 s25, $0x6;
	s24 =	rddreg [dreg:$0x6]  }
0x14a: {  	s21 =	sor.u32 $0x1C07, s21;
	s25 =	rddreg [dreg:$0x13]  }
0x14b: {  	[hbm:s24], [sflag:s21] =	dma.local [spmem:s25], $0x1400  }
0x14c: {  	_ =	swait.ge [sflag:s18], $0x1400  }
0x14d: {  	s20 =	sadd.s32 $0x1, s20;
	s26 =	rddreg [dreg:$0x7]  }
0x14e: {  	p0 =	sne.s32 s20, s26  }
.Ltmp2:
0x14f: {  	_ = 	snop;
	(pc) =	sbr.rel @p0 .LBB2_1-.Ltmp2, $3  }
0x150: {  	_ =	sdelay $0x1  }
0x151: {  	[sflag:s18] =	ssyncset.done $0x0  }
0x152: {  	[sflag:s18] =	ssyncadd.s32 $0xFFFFEC00  }
0x153: {  	_ =	sfence.sel $0x180000  }
0x154: {  	[bflag:$0x0] =	sbarrier.arrive $0xFFFF  }
0x155: {  	_ =	strace $0x9000004A  }
0x156: {  	s0 =	stileid.u32;
	[bflag:$0x2] =	sbarrier.arrive $0xFFFF  }
0x157: {  	p0 =	sne.s32 s0, $0x0;
	s0 =	rddreg [dreg:$0x2]  }
0x158: {  	s0 =	sadd.s32 @!p0 $0x100000, s0  }
0x159: {  	[sflag:s0] =	ssyncadd.tile.s32 @!p0 $0x1;
	_ =	shalt  }
.Lfunc_end2:
_tile_overlayer_lowered:
.L_overlay_start_2:
0x15a: {  	(tag) =	ssettag $0x2  }
0x15b: {  	s0 =	rddreg [dreg:$0x0];
	s2 =	stileid.u32  }
0x15c: {  	s1 =	rddreg [dreg:$0x1];
	p0 =	sne.s32 s2, $0x0  }
0x15d: {  	s3 =	rddreg [dreg:$0x2];
	[bflag:$0x3] =	sbarrier.arrive $0xFFFF;
	s2 =	simm.s32 @!p0 $0x1C07  }
0x15e: {  	[timem:s3], [sflag:s2] =	dma.local @!p0 [hbm:s0], s1  }
0x15f: {  	s0 =	simm.s32 @!p0 $0x7  }
0x160: {  	_ =	swait.ge @!p0 [sflag:s0], s1  }
0x161: {  	s1 =	ssub.s32 @!p0 $0x0, s1;
	[sflag:s0] =	ssyncset.done @!p0 $0x0  }
0x162: {  	[sflag:s0] =	ssyncadd.s32 @!p0 s1  }
0x163: {  	[bflag:$0x3] =	sbarrier.arrive $0xFFFF  }
0x164: {  	_ =	shalt  }

// kernel: kernel.14.cloned.1.call-start
scs
__scs_entry_jumppad:
0x0: {  	(pc) =	sbr.rel $0x88, $3  }
0x1: {  	(tag) =	ssettag $0x0;
	lr =	simm.s32 $0x1  }
0x2: {  	[smem:$0x3F94] =	sst lr;
	_ =	strace $0xD0000000  }
0x3: {  	_ = 	snop  }
0x4: {  	_ = 	snop  }
0x5: {  	_ = 	snop  }
0x6: {  	_ = 	snop  }
0x7: {  	_ = 	snop  }
__scs_overlays_trampoline_lowered:
0x8: {  	[smem:$0x3FA3] =	sst s0  }
0x9: {  	[smem:$0x3FA4] =	sst s1  }
0xa: {  	[smem:$0x3FA5] =	sst s2  }
0xb: {  	[smem:$0x3FA6] =	sst s3  }
0xc: {  	[smem:$0x3FA7] =	sst s4  }
0xd: {  	[smem:$0x3FA8] =	sst s5  }
0xe: {  	[smem:$0x3FA9] =	sst s6  }
0xf: {  	[smem:$0x3FAA] =	sst s7  }
0x10: {  	[smem:$0x3FAB] =	sst s8  }
0x11: {  	[smem:$0x3FAC] =	sst s9;
	s0 =	simm.s32 @!p0 $0x0  }
0x12: {  	s1 =	sld [smem:$0x3F92];
	s0 =	simm.s32 @p0 $0x1  }
0x13: {  	[smem:$0x3FAD] =	sst s0;
	s0 =	simm.s32 @!p1 $0x0  }
0x14: {  	s2 =	sld [smem:$0x3F91];
	s0 =	simm.s32 @p1 $0x1  }
0x15: {  	[smem:$0x3FAE] =	sst s0;
	s0 =	simm.s32 @!p2 $0x0  }
0x16: {  	s3 =	sld [smem:$0x3FDB];
	s0 =	simm.s32 @p2 $0x1  }
0x17: {  	s4 =	simm.s32 $0x1BF5;
	[smem:$0x3FB0] =	sst s0  }
0x18: {  	s0 =	sld [smem:$0x3F93];
	_ =	swait.ge [sflag:s4], $0x0  }
0x19: {  	s7 =	sld [smem:$0x3F94]  }
0x1a: {  	s8 =	sadd.s32 $0xFFFFE003, lr  }
0x1b: {  	s9 =	sadd.s32 $0xFFFFFEF7, lr;
	s5 =	simm.s32 $0xFFFFFFFF;
	p2 =	slt.u32 s8, $0xFFFFF086  }
0x1c: {  	p1 =	slt.u32 s9, $0xF7A;
	s5 =	simm.s32 @!p2 $0x0  }
0x1d: {  	s5 =	simm.s32 @p1 $0x1;
	p0 =	seq.s32 s7, s2  }
0x1e: {  	s7 =	smul.u32 @!p0 $0xF7A, s2;
	p2 =	seq.s32 @!p0 s5, $0x0  }
0x1f: {  	s9 =	smul.u32 $0xF7A, s1;
	s8 =	simm.s32 @!p0 $0x1BF5;
	p2 =	por !p2, p0  }
0x20: {  	[sflag:s8] =	ssyncset.s32 @!p0 $0xFFFFF086;
	s6 =	sadd.s32 @!p0 s3, s7;
	s7 =	simm.s32 @!p0 $0x108  }
0x21: {  	s3 =	sadd.s32 s3, s9;
	s6 =	sadd.s32 @!p0 $0x88, s6;
	s7 =	simm.s32 @p2 $0x1082  }
0x22: {  	[simem:s7], [sflag:s8] =	dma.local @!p0 [hbm:s6], $0xF7A  }
0x23: {  	s9 =	sor.u32 $0xD0000000, s2;
	s6 =	simm.s32 $0x108;
	_ =	swait.ge @!p0 [sflag:s8], $0x0  }
0x24: {  	s3 =	sadd.s32 $0x88, s3;
	s6 =	simm.s32 @!p1 $0x1082;
	[sflag:s4] =	ssyncset.s32 $0xFFFFF086  }
0x25: {  	[simem:s6], [sflag:s4] =	dma.local [hbm:s3], $0xF7A  }
0x26: {  	[smem:$0x3F94] =	sst s1;
	(tag) =	ssettag s2;
	_ =	strace s9  }
0x27: {  	s1 =	sld [smem:$0x3FA4]  }
0x28: {  	s2 =	sld [smem:$0x3FA5]  }
0x29: {  	s4 =	sld [smem:$0x3FA7]  }
0x2a: {  	p0 =	seq.s32 s5, $0x0;
	s5 =	sld [smem:$0x3FA8]  }
0x2b: {  	s6 =	sld [smem:$0x3FA9]  }
0x2c: {  	s7 =	sld [smem:$0x3FAA]  }
0x2d: {  	s3 =	simm.s32 $0x108;
	s8 =	sld [smem:$0x3FAB]  }
0x2e: {  	s3 =	simm.s32 @!p0 $0x1082;
	s9 =	sld [smem:$0x3FAC]  }
0x2f: {  	lr =	sadd.s32 s0, s3;
	s0 =	sld [smem:$0x3FA3]  }
0x30: {  	s3 =	sld [smem:$0x3FA6]  }
0x31: {  	[smem:$0x3FAF] =	sst s10  }
0x32: {  	s10 =	sld [smem:$0x3FAD];
	_ =	sdelay $0x3  }
0x33: {  	p0 =	seq.s32 s10, $0x1;
	s10 =	sld [smem:$0x3FAF];
	_ =	sdelay $0x3  }
0x34: {  	[smem:$0x3FAF] =	sst s10  }
0x35: {  	s10 =	sld [smem:$0x3FAE];
	_ =	sdelay $0x3  }
0x36: {  	p1 =	seq.s32 s10, $0x1;
	s10 =	sld [smem:$0x3FAF];
	_ =	sdelay $0x3  }
0x37: {  	[smem:$0x3FAF] =	sst s10  }
0x38: {  	s10 =	sld [smem:$0x3FB0]  }
0x39: {  	_ = 	snop;
	(pc) =	sbr.ind lr, $3  }
0x3a: {  	_ = 	snop  }
0x3b: {  	_ = 	snop  }
0x3c: {  	p2 =	seq.s32 s10, $0x1;
	s10 =	sld [smem:$0x3FAF]  }
0x3d: {  	_ =	shalt  }
0x3e: {  	_ =	shalt  }
0x3f: {  	_ =	shalt  }
0x40: {  	_ =	shalt  }
0x41: {  	_ =	shalt  }
0x42: {  	_ =	shalt  }
0x43: {  	_ =	shalt  }
0x44: {  	_ =	shalt  }
0x45: {  	_ =	shalt  }
0x46: {  	_ =	shalt  }
0x47: {  	_ =	shalt  }
0x48: {  	_ =	shalt  }
0x49: {  	_ =	shalt  }
0x4a: {  	_ =	shalt  }
0x4b: {  	_ =	shalt  }
0x4c: {  	_ =	shalt  }
0x4d: {  	_ =	shalt  }
0x4e: {  	_ =	shalt  }
0x4f: {  	_ =	shalt  }
0x50: {  	_ =	shalt  }
0x51: {  	_ =	shalt  }
0x52: {  	_ =	shalt  }
0x53: {  	_ =	shalt  }
0x54: {  	_ =	shalt  }
0x55: {  	_ =	shalt  }
0x56: {  	_ =	shalt  }
0x57: {  	_ =	shalt  }
0x58: {  	_ =	shalt  }
0x59: {  	_ =	shalt  }
0x5a: {  	_ =	shalt  }
0x5b: {  	_ =	shalt  }
0x5c: {  	_ =	shalt  }
0x5d: {  	_ =	shalt  }
0x5e: {  	_ =	shalt  }
0x5f: {  	_ =	shalt  }
0x60: {  	_ =	shalt  }
0x61: {  	_ =	shalt  }
0x62: {  	_ =	shalt  }
0x63: {  	_ =	shalt  }
0x64: {  	_ =	shalt  }
0x65: {  	_ =	shalt  }
0x66: {  	_ =	shalt  }
0x67: {  	_ =	shalt  }
0x68: {  	_ =	shalt  }
0x69: {  	_ =	shalt  }
0x6a: {  	_ =	shalt  }
0x6b: {  	_ =	shalt  }
0x6c: {  	_ =	shalt  }
0x6d: {  	_ =	shalt  }
0x6e: {  	_ =	shalt  }
0x6f: {  	_ =	shalt  }
0x70: {  	_ =	shalt  }
0x71: {  	_ =	shalt  }
0x72: {  	_ =	shalt  }
0x73: {  	_ =	shalt  }
0x74: {  	_ =	shalt  }
0x75: {  	_ =	shalt  }
0x76: {  	_ =	shalt  }
0x77: {  	_ =	shalt  }
0x78: {  	_ =	shalt  }
0x79: {  	_ =	shalt  }
0x7a: {  	_ =	shalt  }
0x7b: {  	_ =	shalt  }
0x7c: {  	_ =	shalt  }
0x7d: {  	_ =	shalt  }
0x7e: {  	_ =	shalt  }
0x7f: {  	_ =	shalt  }
0x80: {  	_ =	shalt  }
0x81: {  	_ =	shalt  }
0x82: {  	_ =	shalt  }
0x83: {  	_ =	shalt  }
0x84: {  	_ =	shalt  }
0x85: {  	_ =	shalt  }
0x86: {  	_ =	shalt  }
0x87: {  	_ =	shalt  }
.Lfunc_end0:
.L_simem_size_0:
called_computation.2_lowered:
.L_overlay_start_0:
0x88: {  	s2 =	sld [smem:$0x3FD9]  }
0x89: {  	s3 =	sld [smem:$0x3FFE];
	_ =	sdelay $0x1  }
0x8a: {  	s1 =	srdreg.scid  }
0x8b: {  	s0 =	sand.u32 $0x1, s1  }
0x8c: {  	s16 =	sshll.u32 s0, $0xA;
	s2 =	sadd.s32 s3, s2  }
0x8d: {  	s2 =	sadd.s32 s2, s16  }
0x8e: {  	[smem:$0x3FBB] =	sst s2  }
0x8f: {  	_ = 	snop  }
0x90: {  	(tm) =	ssettm $0x1  }
0x91: {  	s17 =	sld [smem:$0x3FFB];
	_ =	sdelay $0x3  }
0x92: {  	_ =	strace s17  }
0x93: {  	s2 =	sld [smem:$0x3FFC];
	_ =	sdelay $0x3  }
0x94: {  	_ =	strace s2  }
0x95: {  	s2 =	sld [smem:$0x3FFD];
	_ =	sdelay $0x3  }
0x96: {  	_ =	strace s2  }
0x97: {  	_ =	strace $0x8FFFFFFF  }
0x98: {  	s18 =	sld [smem:$0x3FDB];
	_ =	sdelay $0x1  }
0x99: {  	s19 =	simm.s32 $_scs_section_size  }
0x9a: {  	s4 =	simm.s32 $_size__tile_overlayer_lowered;
	s5 =	simm.s32 $_tile_overlayer_lowered  }
0x9b: {  	s22 =	simm.s32 $0x1BFF;
	s21 =	sshll.u32 s5, $0x1;
	s2 =	sadd.s32 s19, s18  }
0x9c: {  	s6 =	simm.s32 $0x0;
	s20 =	sshll.u32 s4, $0x1;
	s4 =	sadd.s32 s21, s2  }
0x9d: {  	[timem:s6], [sflag:s22] =	dma.local [hbm:s4], s20  }
0x9e: {  	_ =	swait.ge [sflag:s22], s20  }
0x9f: {  	s3 =	ssub.s32 $0x0, s20;
	[sflag:s22] =	ssyncset.done $0x0  }
0xa0: {  	[sflag:s22] =	ssyncadd.s32 s3;
	_ =	sdelay $0x1  }
0xa1: {  	s23 =	simm.s32 $0x1B8B  }
0xa2: {  	_ =	swait.ge [sflag:s23], $0x1  }
0xa3: {  	[sflag:s23] =	ssyncset.done $0x0  }
0xa4: {  	s25 =	simm.s32 $0x1B8E;
	s24 =	sld [smem:$0x3FFE];
	[sflag:s23] =	ssyncadd.s32 $0xFFFFFFFF  }
0xa5: {  	s26 =	simm.s32 $execute0_lowered;
	[smem:$0x3FD2] =	sst s25  }
0xa6: {  	s4 =	sshll.u32 s26, $0x1;
	_ =	strace $0x8000004C;
	[dreg:$0x1] =	wrdreg $0xFFFFFFFF  }
0xa7: {  	s28 =	simm.s32 $_size_execute0_lowered;
	s2 =	sadd.s32 s2, s4;
	[dreg:$0x0] =	wrdreg $0x0  }
0xa8: {  	s4 =	sshll.u32 s28, $0x1;
	[dreg:$0x2] =	wrdreg s2  }
0xa9: {  	[dreg:$0x3] =	wrdreg s4  }
0xaa: {  	[dreg:$0x4] =	wrdreg $0xC0  }
0xab: {  	_ =	task [dreg:s6], $0x5FFFF  }
0xac: {  	[dreg:$0x1] =	wrdreg $0xFFFFFFFF  }
0xad: {  	[dreg:$0x0] =	wrdreg $0x60  }
0xae: {  	[dreg:$0x2] =	wrdreg s24  }
0xaf: {  	[dreg:$0x3] =	wrdreg $0xB1000  }
0xb0: {  	[dreg:$0x4] =	wrdreg $0x9  }
0xb1: {  	_ =	task.clear_ibuf [dreg:s6], $0x5FFFF;
	_ =	strace $0x9000004C  }
0xb2: {  	s29 =	simm.s32 $0x9;
	_ =	strace $0x8000004E  }
0xb3: {  	_ =	swait.ge [sflag:s29], $0x1  }
0xb4: {  	[sflag:s29] =	ssyncadd.s32 $0xFFFFFFFF  }
0xb5: {  	_ =	strace $0x9000004E  }
0xb6: {  	_ =	sfence  }
0xb7: {  	s30 =	sld [smem:$0x0];
	_ =	sdelay $0x2  }
0xb8: {  	s31 =	sshll.u32 s1, $0xD;
	s1 =	sshrl.u32 s1, $0x2  }
0xb9: {  	s3 =	sand.u32 $0x4000, s31;
	s1 =	sadd.s32 s1, s30  }
0xba: {  	s0 =	sor.u32 s3, s0;
	s1 =	sshll.u32 s1, $0x11  }
0xbb: {  	s0 =	sor.u32 s1, s0  }
0xbc: {  	s0 =	sadd.s32 $0x8F2B, s0  }
0xbd: {  	[sflag:s0] =	ssyncadd.remote.s32 $0x1  }
0xbe: {  	_ =	sfence.sel $0xFFFF  }
0xbf: {  	[dreg:$0x0] =	wrdreg $0xFFFFFFFF;
	(pc) =	sbr.abs _section_cstart, $3  }
0xc0: {  	[dreg:$0x1] =	wrdreg $0xFFFFFFFF  }
0xc1: {  	_ =	task.clear_ibuf [dreg:s6], $0x2FFFF;
	_ =	strace $0x9FFFFFFF  }
0xc2: {  	(tm) =	ssettm $0x7FFFFFFF  }
0xc3: {  	_ =	shalt  }
tec
execute0_lowered:
.L_overlay_start_1:
0x0: {  	(tag) =	ssettag $0x1  }
0x1: {  	s0 =	srdreg.scid  }
0x2: {  	s11 =	stileid.u32;
	s5 =	rddreg [dreg:$0x0]  }
0x3: {  	s2 =	rddreg [dreg:$0x1];
	s3 =	simm.s32 $0x0;
	s7 =	smul.u32 $0x14000, s11  }
0x4: {  	s0 =	sand.u32 $0x1, s0;
	s1 =	sshll.u32 s11, $0x1;
	s9 =	smul.u32 $0x50000, s11  }
0x5: {  	[smem:$0x7FF] =	sst s3;
	s4 =	sadd.s32 $0x16000, s5;
	s6 =	smul.u32 $0x140000, s0  }
0x6: {  	s10 =	sadd.s32 $0xC200, s5;
	s25 =	smul.u32 $0x4E20, s11;
	s17 =	sshrl.u32 s9, $0x2  }
0x7: {  	s1 =	sor.u32 s0, s1;
	s6 =	sadd.s32 s7, s6;
	s7 =	sadd.s32 s17, s2  }
0x8: {  	_ =	strace $0x8000004D;
	s15 =	ssub.s32 $0x2, s0;
	s23 =	sadd.s32 $0x800, s7  }
0x9: {  	s0 =	smul.u32 $0x2710, s0;
	s24 =	sadd.s32 $0x1000, s7;
	[dreg:$0x8] =	wrdreg s23  }
0xa: {  	s1 =	smul.u32 $0x2710, s1;
	s26 =	sadd.s32 $0x1800, s7;
	[dreg:$0x9] =	wrdreg s24  }
0xb: {  	s16 =	sshrl.u32 s15, $0x1;
	s11 =	sadd.s32 $0x3000, s7;
	[dreg:$0xa] =	wrdreg s26  }
0xc: {  	s0 =	sadd.s32 s0, s25;
	s12 =	sadd.s32 $0x3800, s7;
	[dreg:$0xd] =	wrdreg s11  }
0xd: {  	s1 =	sshrl.u32 s1, $0x3;
	s13 =	sadd.s32 $0x4000, s7;
	[dreg:$0xe] =	wrdreg s12  }
0xe: {  	s6 =	sshrl.u32 s6, $0x3;
	s14 =	sadd.s32 $0x4800, s7;
	[dreg:$0xf] =	wrdreg s13  }
0xf: {  	s17 =	sadd.s32 $0x5800, s7;
	s25 =	sadd.s32 $0x8800, s7;
	[dreg:$0x10] =	wrdreg s14  }
0x10: {  	s8 =	sadd.s32 s1, s5;
	s5 =	sadd.s32 s6, s5;
	[dreg:$0x12] =	wrdreg s17  }
0x11: {  	s6 =	ssub.s32 s15, s16;
	s15 =	sadd.s32 $0x5000, s7;
	[dreg:$0x18] =	wrdreg s25  }
0x12: {  	s26 =	sadd.s32 $0x9000, s7;
	[dreg:$0x11] =	wrdreg s15  }
0x13: {  	s11 =	sadd.s32 $0xC000, s7;
	[dreg:$0x19] =	wrdreg s26  }
0x14: {  	s12 =	sadd.s32 $0xC800, s7;
	[dreg:$0x1f] =	wrdreg s11  }
0x15: {  	s13 =	sadd.s32 $0xD000, s7;
	[smem:$0x7F1] =	sst s12  }
0x16: {  	s14 =	sadd.s32 $0xD800, s7;
	[smem:$0x7F2] =	sst s13  }
0x17: {  	s17 =	sadd.s32 $0xF000, s7;
	[smem:$0x7F3] =	sst s14  }
0x18: {  	s25 =	sadd.s32 $0x12000, s7;
	[smem:$0x7F6] =	sst s17  }
0x19: {  	s9 =	sadd.s32 s10, s1;
	s18 =	sadd.s32 $0x2400, s8;
	[smem:$0x7FC] =	sst s25  }
0x1a: {  	s19 =	sadd.s32 $0x4D0, s9;
	[dreg:$0x3] =	wrdreg s18  }
0x1b: {  	s20 =	sadd.s32 $0x4E0, s9;
	[dreg:$0x4] =	wrdreg s19  }
0x1c: {  	s28 =	sadd.s32 $0x13000, s7;
	s21 =	sadd.s32 $0x3D200, s5;
	[dreg:$0x5] =	wrdreg s20  }
0x1d: {  	s29 =	sadd.s32 $0x13800, s7;
	s22 =	smax.u32 s6, $0x1;
	[dreg:$0x6] =	wrdreg s21  }
0x1e: {  	s16 =	sadd.s32 $0x180, s0;
	s6 =	sadd.s32 $0x2000, s7;
	[dreg:$0x7] =	wrdreg s22  }
0x1f: {  	s0 =	sadd.s32 $0x200, s0;
	s8 =	sadd.s32 $0x2800, s7;
	[dreg:$0xb] =	wrdreg s6  }
0x20: {  	s1 =	sshrl.u32 s16, $0x3;
	s5 =	sadd.s32 $0xA000, s7;
	[dreg:$0xc] =	wrdreg s8  }
0x21: {  	s0 =	sshrl.u32 s0, $0x3;
	s15 =	sadd.s32 $0xE000, s7;
	[dreg:$0x1b] =	wrdreg s5  }
0x22: {  	s16 =	sadd.s32 $0xE800, s7;
	s26 =	sadd.s32 $0x12800, s7;
	[smem:$0x7F4] =	sst s15  }
0x23: {  	s30 =	sadd.s32 $0x10, s9;
	s31 =	sadd.s32 $0x20, s9;
	[smem:$0x7F5] =	sst s16  }
0x24: {  	s11 =	simm.s32 $0x2800;
	s18 =	sadd.s32 $0x6000, s7;
	[smem:$0x7FD] =	sst s26  }
0x25: {  	s12 =	simm.s32 $0x6900;
	s19 =	sadd.s32 $0x6800, s7;
	[dreg:$0x13] =	wrdreg s18  }
0x26: {  	s13 =	simm.s32 $0x1;
	s20 =	sadd.s32 $0x7000, s7;
	[dreg:$0x14] =	wrdreg s19  }
0x27: {  	s14 =	simm.s32 $0x5;
	s21 =	sadd.s32 $0x7800, s7;
	[dreg:$0x15] =	wrdreg s20  }
0x28: {  	s17 =	simm.s32 $0x2880;
	s22 =	sadd.s32 $0x8000, s7;
	[dreg:$0x16] =	wrdreg s21  }
0x29: {  	s23 =	sadd.s32 s1, s10;
	s1 =	sadd.s32 $0x9800, s7;
	[dreg:$0x17] =	wrdreg s22  }
0x2a: {  	s24 =	sadd.s32 s0, s10;
	s6 =	sadd.s32 $0xA800, s7;
	[dreg:$0x1a] =	wrdreg s1  }
0x2b: {  	s8 =	sadd.s32 $0xB000, s7;
	s10 =	sadd.s32 $0xB800, s7;
	[dreg:$0x1c] =	wrdreg s6  }
0x2c: {  	s26 =	smov.u32 s9;
	s0 =	simm.s32 $0x3;
	[dreg:$0x1d] =	wrdreg s8  }
0x2d: {  	s9 =	simm.s32 $0x80;
	[dreg:$0x1e] =	wrdreg s10;
	s18 =	sadd.s32 $0xF800, s7  }
0x2e: {  	s15 =	simm.s32 $0x6;
	s19 =	sadd.s32 $0x10000, s7;
	[smem:$0x7F7] =	sst s18  }
0x2f: {  	s16 =	simm.s32 $0x4;
	s20 =	sadd.s32 $0x10800, s7;
	[smem:$0x7F8] =	sst s19  }
0x30: {  	s21 =	sadd.s32 $0x11000, s7;
	s22 =	sadd.s32 $0x11800, s7;
	[smem:$0x7F9] =	sst s20  }
0x31: {  	s1 =	simm.s32 $0xA900;
	s6 =	simm.s32 $0x2;
	[smem:$0x7FA] =	sst s21  }
0x32: {  	s8 =	simm.s32 $0x2780;
	s10 =	simm.s32 $0x2900;
	[smem:$0x7FB] =	sst s22  }
0x33: {  	v0 =	vimm.f32 $0.0e+00;
	s18 =	simm.s32 $0x7;
	s19 =	simm.s32 $0x10;
	s20 =	simm.s32 $0x0  }
.LBB2_1:
0x34: {  	s5 =	rddreg [dreg:$0x3]  }
0x35: {  	[tilespmem:s3], [sflag:$0x2] =	stream.linear.gather [hbm4b:s5+s3], $0x2710, $0x38;
	[tilespmem:$0x1F100] =	vst v63  }
0x36: {  	[tilespmem:$0xA900] =	vst v0  }
0x37: {  	[tilespmem:$0xA910] =	vst v0  }
0x38: {  	[tilespmem:$0xA920] =	vst v0  }
0x39: {  	[tilespmem:$0xA930] =	vst v0  }
0x3a: {  	[tilespmem:$0xA940] =	vst v0  }
0x3b: {  	[tilespmem:$0xA950] =	vst v0  }
0x3c: {  	[tilespmem:$0xA960] =	vst v0  }
0x3d: {  	[tilespmem:$0xA970] =	vst v0  }
0x3e: {  	[tilespmem:$0xA980] =	vst v0  }
0x3f: {  	[tilespmem:$0xA990] =	vst v0  }
0x40: {  	[tilespmem:$0xA9A0] =	vst v0  }
0x41: {  	[tilespmem:$0xA9B0] =	vst v0  }
0x42: {  	[tilespmem:$0xA9C0] =	vst v0  }
0x43: {  	[tilespmem:$0xA9D0] =	vst v0  }
0x44: {  	[tilespmem:$0xA9E0] =	vst v0  }
0x45: {  	[tilespmem:$0xA9F0] =	vst v0  }
0x46: {  	[tilespmem:$0xAA00] =	vst v0  }
0x47: {  	[tilespmem:$0xAA10] =	vst v0  }
0x48: {  	[tilespmem:$0xAA20] =	vst v0  }
0x49: {  	[tilespmem:$0xAA30] =	vst v0  }
0x4a: {  	[tilespmem:$0xAA40] =	vst v0  }
0x4b: {  	[tilespmem:$0xAA50] =	vst v0  }
0x4c: {  	[tilespmem:$0xAA60] =	vst v0  }
0x4d: {  	[tilespmem:$0xAA70] =	vst v0  }
0x4e: {  	[tilespmem:$0xAA80] =	vst v0  }
0x4f: {  	[tilespmem:$0xAA90] =	vst v0  }
0x50: {  	[tilespmem:$0xAAA0] =	vst v0  }
0x51: {  	[tilespmem:$0xAAB0] =	vst v0  }
0x52: {  	[tilespmem:$0xAAC0] =	vst v0  }
0x53: {  	[tilespmem:$0xAAD0] =	vst v0  }
0x54: {  	[tilespmem:$0xAAE0] =	vst v0  }
0x55: {  	[tilespmem:$0xAAF0] =	vst v0  }
0x56: {  	[tilespmem:$0xAB00] =	vst v0  }
0x57: {  	[tilespmem:$0xAB10] =	vst v0  }
0x58: {  	[tilespmem:$0xAB20] =	vst v0  }
0x59: {  	[tilespmem:$0xAB30] =	vst v0  }
0x5a: {  	[tilespmem:$0xAB40] =	vst v0  }
0x5b: {  	[tilespmem:$0xAB50] =	vst v0  }
0x5c: {  	[tilespmem:$0xAB60] =	vst v0  }
0x5d: {  	[tilespmem:$0xAB70] =	vst v0  }
0x5e: {  	[tilespmem:$0xAB80] =	vst v0  }
0x5f: {  	[tilespmem:$0xAB90] =	vst v0  }
0x60: {  	[tilespmem:$0xABA0] =	vst v0  }
0x61: {  	[tilespmem:$0xABB0] =	vst v0  }
0x62: {  	[tilespmem:$0xABC0] =	vst v0  }
0x63: {  	[tilespmem:$0xABD0] =	vst v0  }
0x64: {  	[tilespmem:$0xABE0] =	vst v0  }
0x65: {  	[tilespmem:$0xABF0] =	vst v0  }
0x66: {  	[tilespmem:$0xAC00] =	vst v0  }
0x67: {  	[tilespmem:$0xAC10] =	vst v0  }
0x68: {  	[tilespmem:$0xAC20] =	vst v0  }
0x69: {  	[tilespmem:$0xAC30] =	vst v0  }
0x6a: {  	[tilespmem:$0xAC40] =	vst v0  }
0x6b: {  	[tilespmem:$0xAC50] =	vst v0  }
0x6c: {  	[tilespmem:$0xAC60] =	vst v0  }
0x6d: {  	[tilespmem:$0xAC70] =	vst v0  }
0x6e: {  	[tilespmem:$0xAC80] =	vst v0  }
0x6f: {  	[tilespmem:$0xAC90] =	vst v0  }
0x70: {  	[tilespmem:$0xACA0] =	vst v0  }
0x71: {  	[tilespmem:$0xACB0] =	vst v0  }
0x72: {  	[tilespmem:$0xACC0] =	vst v0  }
0x73: {  	[tilespmem:$0xACD0] =	vst v0  }
0x74: {  	[tilespmem:$0xACE0] =	vst v0  }
0x75: {  	[tilespmem:$0xACF0] =	vst v0  }
0x76: {  	[tilespmem:$0xAD00] =	vst v0  }
0x77: {  	[tilespmem:$0xAD10] =	vst v0  }
0x78: {  	[tilespmem:$0xAD20] =	vst v0  }
0x79: {  	[tilespmem:$0xAD30] =	vst v0  }
0x7a: {  	[tilespmem:$0xAD40] =	vst v0  }
0x7b: {  	[tilespmem:$0xAD50] =	vst v0  }
0x7c: {  	[tilespmem:$0xAD60] =	vst v0  }
0x7d: {  	[tilespmem:$0xAD70] =	vst v0  }
0x7e: {  	[tilespmem:$0xAD80] =	vst v0  }
0x7f: {  	[tilespmem:$0xAD90] =	vst v0  }
0x80: {  	[tilespmem:$0xADA0] =	vst v0  }
0x81: {  	[tilespmem:$0xADB0] =	vst v0  }
0x82: {  	[tilespmem:$0xADC0] =	vst v0  }
0x83: {  	[tilespmem:$0xADD0] =	vst v0  }
0x84: {  	[tilespmem:$0xADE0] =	vst v0  }
0x85: {  	[tilespmem:$0xADF0] =	vst v0  }
0x86: {  	[tilespmem:$0xAE00] =	vst v0  }
0x87: {  	[tilespmem:$0xAE10] =	vst v0  }
0x88: {  	[tilespmem:$0xAE20] =	vst v0  }
0x89: {  	[tilespmem:$0xAE30] =	vst v0  }
0x8a: {  	[tilespmem:$0xAE40] =	vst v0  }
0x8b: {  	[tilespmem:$0xAE50] =	vst v0  }
0x8c: {  	[tilespmem:$0xAE60] =	vst v0  }
0x8d: {  	[tilespmem:$0xAE70] =	vst v0  }
0x8e: {  	[tilespmem:$0xAE80] =	vst v0  }
0x8f: {  	[tilespmem:$0xAE90] =	vst v0  }
0x90: {  	[tilespmem:$0xAEA0] =	vst v0  }
0x91: {  	[tilespmem:$0xAEB0] =	vst v0  }
0x92: {  	[tilespmem:$0xAEC0] =	vst v0  }
0x93: {  	[tilespmem:$0xAED0] =	vst v0  }
0x94: {  	[tilespmem:$0xAEE0] =	vst v0  }
0x95: {  	[tilespmem:$0xAEF0] =	vst v0  }
0x96: {  	[tilespmem:$0xAF00] =	vst v0  }
0x97: {  	[tilespmem:$0xAF10] =	vst v0  }
0x98: {  	[tilespmem:$0xAF20] =	vst v0  }
0x99: {  	[tilespmem:$0xAF30] =	vst v0  }
0x9a: {  	[tilespmem:$0xAF40] =	vst v0  }
0x9b: {  	[tilespmem:$0xAF50] =	vst v0  }
0x9c: {  	[tilespmem:$0xAF60] =	vst v0  }
0x9d: {  	[tilespmem:$0xAF70] =	vst v0  }
0x9e: {  	[tilespmem:$0xAF80] =	vst v0  }
0x9f: {  	[tilespmem:$0xAF90] =	vst v0  }
0xa0: {  	[tilespmem:$0xAFA0] =	vst v0  }
0xa1: {  	[tilespmem:$0xAFB0] =	vst v0  }
0xa2: {  	[tilespmem:$0xAFC0] =	vst v0  }
0xa3: {  	[tilespmem:$0xAFD0] =	vst v0  }
0xa4: {  	[tilespmem:$0xAFE0] =	vst v0  }
0xa5: {  	[tilespmem:$0xAFF0] =	vst v0  }
0xa6: {  	[tilespmem:$0xB000] =	vst v0  }
0xa7: {  	[tilespmem:$0xB010] =	vst v0  }
0xa8: {  	[tilespmem:$0xB020] =	vst v0  }
0xa9: {  	[tilespmem:$0xB030] =	vst v0  }
0xaa: {  	[tilespmem:$0xB040] =	vst v0  }
0xab: {  	[tilespmem:$0xB050] =	vst v0  }
0xac: {  	[tilespmem:$0xB060] =	vst v0  }
0xad: {  	[tilespmem:$0xB070] =	vst v0  }
0xae: {  	[tilespmem:$0xB080] =	vst v0  }
0xaf: {  	[tilespmem:$0xB090] =	vst v0  }
0xb0: {  	[tilespmem:$0xB0A0] =	vst v0  }
0xb1: {  	[tilespmem:$0xB0B0] =	vst v0  }
0xb2: {  	[tilespmem:$0xB0C0] =	vst v0  }
0xb3: {  	[tilespmem:$0xB0D0] =	vst v0  }
0xb4: {  	[tilespmem:$0xB0E0] =	vst v0  }
0xb5: {  	s25 =	rddreg [dreg:$0x8];
	[tilespmem:$0xB0F0] =	vst v0  }
0xb6: {  	[spmem:s7] =	stream.linear.scatter [tilespmem:s1], [sflag:$0x3], $0x800, $0x38;
	[tilespmem:$0x1F100] =	vst v63  }
0xb7: {  	s21 =	rddreg [dreg:$0x9]  }
0xb8: {  	[spmem:s25] =	stream.linear.scatter [tilespmem:s1], [sflag:$0x3], $0x800, $0x38;
	[tilespmem:$0x1F100] =	vst v63  }
0xb9: {  	s22 =	rddreg [dreg:$0xa]  }
0xba: {  	[spmem:s21] =	stream.linear.scatter [tilespmem:s1], [sflag:$0x3], $0x800, $0x38;
	[tilespmem:$0x1F100] =	vst v63  }
0xbb: {  	s25 =	rddreg [dreg:$0xb]  }
0xbc: {  	[spmem:s22] =	stream.linear.scatter [tilespmem:s1], [sflag:$0x3], $0x800, $0x38;
	[tilespmem:$0x1F100] =	vst v63  }
0xbd: {  	s21 =	rddreg [dreg:$0xc]  }
0xbe: {  	[spmem:s25] =	stream.linear.scatter [tilespmem:s1], [sflag:$0x3], $0x800, $0x38;
	[tilespmem:$0x1F100] =	vst v63  }
0xbf: {  	s22 =	rddreg [dreg:$0xd]  }
0xc0: {  	[spmem:s21] =	stream.linear.scatter [tilespmem:s1], [sflag:$0x3], $0x800, $0x38;
	[tilespmem:$0x1F100] =	vst v63  }
0xc1: {  	s25 =	rddreg [dreg:$0xe]  }
0xc2: {  	[spmem:s22] =	stream.linear.scatter [tilespmem:s1], [sflag:$0x3], $0x800, $0x38;
	[tilespmem:$0x1F100] =	vst v63  }
0xc3: {  	s21 =	rddreg [dreg:$0xf]  }
0xc4: {  	[spmem:s25] =	stream.linear.scatter [tilespmem:s1], [sflag:$0x3], $0x800, $0x38;
	[tilespmem:$0x1F100] =	vst v63  }
0xc5: {  	s22 =	rddreg [dreg:$0x10]  }
0xc6: {  	[spmem:s21] =	stream.linear.scatter [tilespmem:s1], [sflag:$0x3], $0x800, $0x38;
	[tilespmem:$0x1F100] =	vst v63  }
0xc7: {  	s25 =	rddreg [dreg:$0x11]  }
0xc8: {  	[spmem:s22] =	stream.linear.scatter [tilespmem:s1], [sflag:$0x3], $0x800, $0x38;
	[tilespmem:$0x1F100] =	vst v63  }
0xc9: {  	s21 =	rddreg [dreg:$0x12]  }
0xca: {  	[spmem:s25] =	stream.linear.scatter [tilespmem:s1], [sflag:$0x3], $0x800, $0x38;
	[tilespmem:$0x1F100] =	vst v63  }
0xcb: {  	s22 =	rddreg [dreg:$0x13]  }
0xcc: {  	[spmem:s21] =	stream.linear.scatter [tilespmem:s1], [sflag:$0x3], $0x800, $0x38;
	[tilespmem:$0x1F100] =	vst v63  }
0xcd: {  	s25 =	rddreg [dreg:$0x14]  }
0xce: {  	[spmem:s22] =	stream.linear.scatter [tilespmem:s1], [sflag:$0x3], $0x800, $0x38;
	[tilespmem:$0x1F100] =	vst v63  }
0xcf: {  	s21 =	rddreg [dreg:$0x15]  }
0xd0: {  	[spmem:s25] =	stream.linear.scatter [tilespmem:s1], [sflag:$0x3], $0x800, $0x38;
	[tilespmem:$0x1F100] =	vst v63  }
0xd1: {  	s22 =	rddreg [dreg:$0x16]  }
0xd2: {  	[spmem:s21] =	stream.linear.scatter [tilespmem:s1], [sflag:$0x3], $0x800, $0x38;
	[tilespmem:$0x1F100] =	vst v63  }
0xd3: {  	s25 =	rddreg [dreg:$0x17]  }
0xd4: {  	[spmem:s22] =	stream.linear.scatter [tilespmem:s1], [sflag:$0x3], $0x800, $0x38;
	[tilespmem:$0x1F100] =	vst v63  }
0xd5: {  	s21 =	rddreg [dreg:$0x18]  }
0xd6: {  	[spmem:s25] =	stream.linear.scatter [tilespmem:s1], [sflag:$0x3], $0x800, $0x38;
	[tilespmem:$0x1F100] =	vst v63  }
0xd7: {  	s22 =	rddreg [dreg:$0x19]  }
0xd8: {  	[spmem:s21] =	stream.linear.scatter [tilespmem:s1], [sflag:$0x3], $0x800, $0x38;
	[tilespmem:$0x1F100] =	vst v63  }
0xd9: {  	s25 =	rddreg [dreg:$0x1a]  }
0xda: {  	[spmem:s22] =	stream.linear.scatter [tilespmem:s1], [sflag:$0x3], $0x800, $0x38;
	[tilespmem:$0x1F100] =	vst v63  }
0xdb: {  	s21 =	rddreg [dreg:$0x1b]  }
0xdc: {  	[spmem:s25] =	stream.linear.scatter [tilespmem:s1], [sflag:$0x3], $0x800, $0x38;
	[tilespmem:$0x1F100] =	vst v63  }
0xdd: {  	s22 =	rddreg [dreg:$0x1c]  }
0xde: {  	[spmem:s21] =	stream.linear.scatter [tilespmem:s1], [sflag:$0x3], $0x800, $0x38;
	[tilespmem:$0x1F100] =	vst v63  }
0xdf: {  	s25 =	rddreg [dreg:$0x1d]  }
0xe0: {  	[spmem:s22] =	stream.linear.scatter [tilespmem:s1], [sflag:$0x3], $0x800, $0x38;
	[tilespmem:$0x1F100] =	vst v63  }
0xe1: {  	s21 =	rddreg [dreg:$0x1e]  }
0xe2: {  	[spmem:s25] =	stream.linear.scatter [tilespmem:s1], [sflag:$0x3], $0x800, $0x38;
	[tilespmem:$0x1F100] =	vst v63  }
0xe3: {  	s22 =	rddreg [dreg:$0x1f]  }
0xe4: {  	[spmem:s21] =	stream.linear.scatter [tilespmem:s1], [sflag:$0x3], $0x800, $0x38;
	[tilespmem:$0x1F100] =	vst v63  }
0xe5: {  	s25 =	sld [smem:$0x7F1]  }
0xe6: {  	[spmem:s22] =	stream.linear.scatter [tilespmem:s1], [sflag:$0x3], $0x800, $0x38;
	[tilespmem:$0x1F100] =	vst v63  }
0xe7: {  	s21 =	sld [smem:$0x7F2]  }
0xe8: {  	[spmem:s25] =	stream.linear.scatter [tilespmem:s1], [sflag:$0x3], $0x800, $0x38;
	[tilespmem:$0x1F100] =	vst v63  }
0xe9: {  	s22 =	sld [smem:$0x7F3]  }
0xea: {  	[spmem:s21] =	stream.linear.scatter [tilespmem:s1], [sflag:$0x3], $0x800, $0x38;
	[tilespmem:$0x1F100] =	vst v63  }
0xeb: {  	s25 =	sld [smem:$0x7F4]  }
0xec: {  	[spmem:s22] =	stream.linear.scatter [tilespmem:s1], [sflag:$0x3], $0x800, $0x38;
	[tilespmem:$0x1F100] =	vst v63  }
0xed: {  	s21 =	sld [smem:$0x7F5]  }
0xee: {  	[spmem:s25] =	stream.linear.scatter [tilespmem:s1], [sflag:$0x3], $0x800, $0x38;
	[tilespmem:$0x1F100] =	vst v63  }
0xef: {  	s22 =	sld [smem:$0x7F6]  }
0xf0: {  	[spmem:s21] =	stream.linear.scatter [tilespmem:s1], [sflag:$0x3], $0x800, $0x38;
	[tilespmem:$0x1F100] =	vst v63  }
0xf1: {  	s25 =	sld [smem:$0x7F7]  }
0xf2: {  	[spmem:s22] =	stream.linear.scatter [tilespmem:s1], [sflag:$0x3], $0x800, $0x38;
	[tilespmem:$0x1F100] =	vst v63  }
0xf3: {  	s21 =	sld [smem:$0x7F8]  }
0xf4: {  	[spmem:s25] =	stream.linear.scatter [tilespmem:s1], [sflag:$0x3], $0x800, $0x38;
	[tilespmem:$0x1F100] =	vst v63  }
0xf5: {  	s22 =	sld [smem:$0x7F9]  }
0xf6: {  	[spmem:s21] =	stream.linear.scatter [tilespmem:s1], [sflag:$0x3], $0x800, $0x38;
	[tilespmem:$0x1F100] =	vst v63  }
0xf7: {  	s25 =	sld [smem:$0x7FA]  }
0xf8: {  	[spmem:s22] =	stream.linear.scatter [tilespmem:s1], [sflag:$0x3], $0x800, $0x38;
	[tilespmem:$0x1F100] =	vst v63  }
0xf9: {  	s21 =	sld [smem:$0x7FB]  }
0xfa: {  	[spmem:s25] =	stream.linear.scatter [tilespmem:s1], [sflag:$0x3], $0x800, $0x38;
	[tilespmem:$0x1F100] =	vst v63  }
0xfb: {  	s22 =	sld [smem:$0x7FC]  }
0xfc: {  	[spmem:s21] =	stream.linear.scatter [tilespmem:s1], [sflag:$0x3], $0x800, $0x38;
	[tilespmem:$0x1F100] =	vst v63  }
0xfd: {  	s25 =	sld [smem:$0x7FD]  }
0xfe: {  	[spmem:s22] =	stream.linear.scatter [tilespmem:s1], [sflag:$0x3], $0x800, $0x38;
	[tilespmem:$0x1F100] =	vst v63  }
0xff: {  	_ = 	snop  }
0x100: {  	[spmem:s25] =	stream.linear.scatter [tilespmem:s1], [sflag:$0x3], $0x800, $0x38;
	[tilespmem:$0x1F100] =	vst v63  }
0x101: {  	_ = 	snop  }
0x102: {  	[spmem:s28] =	stream.linear.scatter [tilespmem:s1], [sflag:$0x3], $0x800, $0x38;
	[tilespmem:$0x1F100] =	vst v63  }
0x103: {  	_ = 	snop  }
0x104: {  	[spmem:s29] =	stream.linear.scatter [tilespmem:s1], [sflag:$0x3], $0x800, $0x38;
	[tilespmem:$0x1F100] =	vst v63  }
0x105: {  	_ =	swait.ge [sflag:s0], $0x800  }
0x106: {  	s5 =	simm.s32 $0x27;
	[sflag:s0] =	ssyncset.done $0x0  }
.LBB2_2:
0x107: {  	p0 =	sne.s32 s5, $0x1;
	s5 =	sadd.s32 $0xFFFFFFFF, s5;
	[sflag:s0] =	ssyncadd.s32 $0xFFFFF800  }
.Ltmp0:
0x108: {  	(pc) =	sbr.rel @p0 .LBB2_2-.Ltmp0, $3  }
0x109: {  	_ =	sdelay $0x1  }
0x10a: {  	_ =	swait.ge [sflag:s0], $0x800  }
0x10b: {  	[sflag:s0] =	ssyncset.done $0x0  }
0x10c: {  	[sflag:s0] =	ssyncadd.s32 $0xFFFFF800  }
0x10d: {  	_ =	swait.ge [sflag:s6], $0x2710  }
0x10e: {  	[sflag:s6] =	ssyncset.done $0x0  }
0x10f: {  	[sflag:s6] =	ssyncadd.s32 $0xFFFFD8F0  }
0x110: {  	s5 =	simm.s32 $0x0;
	[bflag:$0x0] =	sbarrier.arrive $0xFFFF  }
0x111: {  	[tilespmem:s8], [sflag:$0x5] =	stream.linear.gather [hbm4b:s26+s5], $0x80, $0x38;
	[tilespmem:$0x1F100] =	vst v63  }
0x112: {  	_ = 	snop  }
0x113: {  	[tilespmem:s10], [sflag:$0x1] =	stream.indirect.gather [hbm4b:s4+s9], $0x80, s5, s9, $0xb8;
	[tilespmem:$0x1F100] =	vst v63  }
0x114: {  	_ = 	snop  }
0x115: {  	[tilespmem:s11], [sflag:$0x6] =	stream.linear.gather [hbm4b:s30+s5], $0x80, $0x38;
	[tilespmem:$0x1F100] =	vst v63  }
0x116: {  	_ = 	snop  }
0x117: {  	[tilespmem:s12], [sflag:$0x2] =	stream.indirect.gather [hbm4b:s4+s9], $0x80, s9, s9, $0xb8;
	[tilespmem:$0x1F100] =	vst v63  }
0x118: {  	_ =	swait.ge [sflag:s13], $0x4000  }
0x119: {  	[sflag:s13] =	ssyncset.done $0x0  }
0x11a: {  	[sflag:s13] =	ssyncadd.s32 $0xFFFFC000  }
0x11b: {  	_ =	swait.ge [sflag:s14], $0x80  }
0x11c: {  	[sflag:s14] =	ssyncset.done $0x0  }
0x11d: {  	[sflag:s14] =	ssyncadd.s32 $0xFFFFFF80  }
0x11e: {  	[spmem:s2] =	stream.indirect.scatter.add.f32 [tilespmem:s10], [sflag:$0x3], $0x80, s8, s9, $0xb8;
	[tilespmem:$0x1F100] =	vst v63  }
0x11f: {  	_ =	swait.ge [sflag:s0], $0x4000  }
0x120: {  	[sflag:s0] =	ssyncset.done $0x0  }
0x121: {  	[sflag:s0] =	ssyncadd.s32 $0xFFFFC000  }
0x122: {  	[tilespmem:s8], [sflag:$0x5] =	stream.linear.gather [hbm4b:s31+s5], $0x80, $0x38;
	[tilespmem:$0x1F100] =	vst v63  }
0x123: {  	s22 =	simm.s32 $0x100  }
0x124: {  	[tilespmem:s10], [sflag:$0x1] =	stream.indirect.gather [hbm4b:s4+s9], $0x80, s22, s9, $0xb8;
	[tilespmem:$0x1F100] =	vst v63  }
0x125: {  	_ =	swait.ge [sflag:s6], $0x4000  }
0x126: {  	[sflag:s6] =	ssyncset.done $0x0  }
0x127: {  	[sflag:s6] =	ssyncadd.s32 $0xFFFFC000  }
0x128: {  	_ =	swait.ge [sflag:s15], $0x80  }
0x129: {  	[sflag:s15] =	ssyncset.done $0x0  }
0x12a: {  	[sflag:s15] =	ssyncadd.s32 $0xFFFFFF80  }
0x12b: {  	[spmem:s2] =	stream.indirect.scatter.add.f32 [tilespmem:s12], [sflag:$0x4], $0x80, s11, s9, $0xb8;
	[tilespmem:$0x1F100] =	vst v63  }
0x12c: {  	_ =	swait.ge [sflag:s16], $0x4000  }
0x12d: {  	[sflag:s16] =	ssyncset.done $0x0  }
0x12e: {  	s25 =	sadd.s32 $0x0, s23;
	[sflag:s16] =	ssyncadd.s32 $0xFFFFC000  }
0x12f: {  	[tilespmem:s11], [sflag:$0x6] =	stream.linear.gather [hbm4b:s25+s3], $0x80, $0x38;
	[tilespmem:$0x1F100] =	vst v63  }
0x130: {  	s21 =	simm.s32 $0x180  }
0x131: {  	[tilespmem:s12], [sflag:$0x2] =	stream.indirect.gather [hbm4b:s4+s9], $0x80, s21, s9, $0xb8;
	[tilespmem:$0x1F100] =	vst v63  }
0x132: {  	_ =	swait.ge [sflag:s13], $0x4000  }
0x133: {  	[sflag:s13] =	ssyncset.done $0x0  }
0x134: {  	[sflag:s13] =	ssyncadd.s32 $0xFFFFC000  }
0x135: {  	_ =	swait.ge [sflag:s14], $0x80  }
0x136: {  	[sflag:s14] =	ssyncset.done $0x0  }
0x137: {  	[sflag:s14] =	ssyncadd.s32 $0xFFFFFF80  }
0x138: {  	[spmem:s2] =	stream.indirect.scatter.add.f32 [tilespmem:s10], [sflag:$0x3], $0x80, s8, s9, $0xb8;
	[tilespmem:$0x1F100] =	vst v63  }
0x139: {  	_ =	swait.ge [sflag:s0], $0x4000  }
0x13a: {  	[sflag:s0] =	ssyncset.done $0x0  }
0x13b: {  	s22 =	sadd.s32 $0x0, s24;
	[sflag:s0] =	ssyncadd.s32 $0xFFFFC000  }
0x13c: {  	[tilespmem:s8], [sflag:$0x5] =	stream.linear.gather [hbm4b:s22+s3], $0x80, $0x38;
	[tilespmem:$0x1F100] =	vst v63  }
0x13d: {  	s25 =	simm.s32 $0x200  }
0x13e: {  	[tilespmem:s10], [sflag:$0x1] =	stream.indirect.gather [hbm4b:s4+s9], $0x80, s25, s9, $0xb8;
	[tilespmem:$0x1F100] =	vst v63  }
0x13f: {  	_ =	swait.ge [sflag:s6], $0x4000  }
0x140: {  	[sflag:s6] =	ssyncset.done $0x0  }
0x141: {  	[sflag:s6] =	ssyncadd.s32 $0xFFFFC000  }
0x142: {  	_ =	swait.ge [sflag:s15], $0x80  }
0x143: {  	[sflag:s15] =	ssyncset.done $0x0  }
0x144: {  	s5 =	simm.s32 $0x280;
	s21 =	simm.s32 $0x20;
	[sflag:s15] =	ssyncadd.s32 $0xFFFFFF80  }
.LBB2_4:
0x145: {  	[spmem:s2] =	stream.indirect.scatter.add.f32 [tilespmem:s12], [sflag:$0x4], $0x80, s11, s9, $0xb8;
	[tilespmem:$0x1F100] =	vst v63  }
0x146: {  	s22 =	smov.u32 s21  }
0x147: {  	p0 =	sne.s32 s21, $0x480;
	s21 =	sadd.s32 $0x20, s21;
	_ =	swait.ge [sflag:s16], $0x4000  }
0x148: {  	[sflag:s16] =	ssyncset.done $0x0  }
0x149: {  	s25 =	sadd.s32 s22, s23;
	[sflag:s16] =	ssyncadd.s32 $0xFFFFC000  }
0x14a: {  	[tilespmem:s11], [sflag:$0x6] =	stream.linear.gather [hbm4b:s25+s3], $0x80, $0x38;
	[tilespmem:$0x1F100] =	vst v63  }
0x14b: {  	_ = 	snop  }
0x14c: {  	[tilespmem:s12], [sflag:$0x2] =	stream.indirect.gather [hbm4b:s4+s9], $0x80, s5, s9, $0xb8;
	[tilespmem:$0x1F100] =	vst v63  }
0x14d: {  	_ =	swait.ge [sflag:s13], $0x4000  }
0x14e: {  	[sflag:s13] =	ssyncset.done $0x0  }
0x14f: {  	[sflag:s13] =	ssyncadd.s32 $0xFFFFC000  }
0x150: {  	_ =	swait.ge [sflag:s14], $0x80  }
0x151: {  	[sflag:s14] =	ssyncset.done $0x0  }
0x152: {  	[sflag:s14] =	ssyncadd.s32 $0xFFFFFF80  }
0x153: {  	[spmem:s2] =	stream.indirect.scatter.add.f32 [tilespmem:s10], [sflag:$0x3], $0x80, s8, s9, $0xb8;
	[tilespmem:$0x1F100] =	vst v63  }
0x154: {  	_ =	swait.ge [sflag:s0], $0x4000  }
0x155: {  	[sflag:s0] =	ssyncset.done $0x0  }
0x156: {  	s22 =	sadd.s32 s22, s24;
	[sflag:s0] =	ssyncadd.s32 $0xFFFFC000  }
0x157: {  	[tilespmem:s8], [sflag:$0x5] =	stream.linear.gather [hbm4b:s22+s3], $0x80, $0x38;
	[tilespmem:$0x1F100] =	vst v63  }
0x158: {  	s22 =	sadd.s32 $0x80, s5  }
0x159: {  	[tilespmem:s10], [sflag:$0x1] =	stream.indirect.gather [hbm4b:s4+s9], $0x80, s22, s9, $0xb8;
	[tilespmem:$0x1F100] =	vst v63  }
0x15a: {  	_ =	swait.ge [sflag:s6], $0x4000  }
.Ltmp1:
0x15b: {  	[sflag:s6] =	ssyncset.done $0x0;
	(pc) =	sbr.rel @p0 .LBB2_4-.Ltmp1, $4  }
0x15c: {  	[sflag:s6] =	ssyncadd.s32 $0xFFFFC000  }
0x15d: {  	_ =	swait.ge [sflag:s15], $0x80  }
0x15e: {  	[sflag:s15] =	ssyncset.done $0x0  }
0x15f: {  	s5 =	sadd.s32 $0x100, s5;
	[sflag:s15] =	ssyncadd.s32 $0xFFFFFF80  }
0x160: {  	[spmem:s2] =	stream.indirect.scatter.add.f32 [tilespmem:s12], [sflag:$0x4], $0x80, s11, s9, $0xb8;
	[tilespmem:$0x1F100] =	vst v63  }
0x161: {  	_ =	swait.ge [sflag:s16], $0x4000  }
0x162: {  	[sflag:s16] =	ssyncset.done $0x0  }
0x163: {  	s5 =	rddreg [dreg:$0x4];
	[sflag:s16] =	ssyncadd.s32 $0xFFFFC000  }
0x164: {  	[tilespmem:s11], [sflag:$0x6] =	stream.linear.gather [hbm4b:s5+s3], $0x80, $0x38;
	[tilespmem:$0x1F100] =	vst v63  }
0x165: {  	s22 =	simm.s32 $0x2680  }
0x166: {  	[tilespmem:s12], [sflag:$0x2] =	stream.indirect.gather [hbm4b:s4+s9], $0x80, s22, s9, $0xb8;
	[tilespmem:$0x1F100] =	vst v63  }
0x167: {  	_ =	swait.ge [sflag:s13], $0x4000  }
0x168: {  	[sflag:s13] =	ssyncset.done $0x0  }
0x169: {  	[sflag:s13] =	ssyncadd.s32 $0xFFFFC000  }
0x16a: {  	_ =	swait.ge [sflag:s14], $0x80  }
0x16b: {  	[sflag:s14] =	ssyncset.done $0x0  }
0x16c: {  	[sflag:s14] =	ssyncadd.s32 $0xFFFFFF80  }
0x16d: {  	[spmem:s2] =	stream.indirect.scatter.add.f32 [tilespmem:s10], [sflag:$0x3], $0x80, s8, s9, $0xb8;
	[tilespmem:$0x1F100] =	vst v63  }
0x16e: {  	_ =	swait.ge [sflag:s0], $0x4000  }
0x16f: {  	[sflag:s0] =	ssyncset.done $0x0  }
0x170: {  	s25 =	rddreg [dreg:$0x5];
	[sflag:s0] =	ssyncadd.s32 $0xFFFFC000  }
0x171: {  	[tilespmem:s17], [sflag:$0x7] =	stream.linear.gather [hbm4b:s25+s3], $0x10, $0x38;
	[tilespmem:$0x1F100] =	vst v63  }
0x172: {  	_ =	swait.ge [sflag:s18], $0x10  }
0x173: {  	[sflag:s18] =	ssyncset.done $0x0  }
0x174: {  	s21 =	simm.s32 $0x2700;
	[sflag:s18] =	ssyncadd.s32 $0xFFFFFFF0  }
0x175: {  	[tilespmem:s1], [sflag:$0x1] =	stream.indirect.gather [hbm4b:s4+s19], $0x80, s21, s19, $0xb8;
	[tilespmem:$0x1F100] =	vst v63  }
0x176: {  	_ =	swait.ge [sflag:s13], $0x800  }
0x177: {  	[sflag:s13] =	ssyncset.done $0x0  }
0x178: {  	[sflag:s13] =	ssyncadd.s32 $0xFFFFF800  }
0x179: {  	[spmem:s2] =	stream.indirect.scatter.add.f32 [tilespmem:s1], [sflag:$0x3], $0x80, s17, s19, $0xb8;
	[tilespmem:$0x1F100] =	vst v63  }
0x17a: {  	_ =	swait.ge [sflag:s6], $0x4000  }
0x17b: {  	[sflag:s6] =	ssyncset.done $0x0  }
0x17c: {  	[sflag:s6] =	ssyncadd.s32 $0xFFFFC000  }
0x17d: {  	_ =	swait.ge [sflag:s15], $0x80  }
0x17e: {  	[sflag:s15] =	ssyncset.done $0x0  }
0x17f: {  	[sflag:s15] =	ssyncadd.s32 $0xFFFFFF80  }
0x180: {  	[spmem:s2] =	stream.indirect.scatter.add.f32 [tilespmem:s12], [sflag:$0x4], $0x80, s11, s9, $0xb8;
	[tilespmem:$0x1F100] =	vst v63  }
0x181: {  	_ =	swait.ge [sflag:s0], $0x800  }
0x182: {  	[sflag:s0] =	ssyncset.done $0x0  }
0x183: {  	[sflag:s0] =	ssyncadd.s32 $0xFFFFF800  }
0x184: {  	_ =	swait.ge [sflag:s16], $0x4000  }
0x185: {  	[sflag:s16] =	ssyncset.done $0x0  }
0x186: {  	s22 =	stileid.u32;
	[sflag:s16] =	ssyncadd.s32 $0xFFFFC000  }
0x187: {  	s5 =	sshll.u32 s22, $0x6;
	[bflag:$0x0] =	sbarrier.arrive $0xFFFF  }
0x188: {  	s5 =	sor.u32 $0x1C07, s5;
	s21 =	sshrl.u32 s7, $0x3;
	s22 =	rddreg [dreg:$0x6]  }
0x189: {  	[hbm:s22], [sflag:s5] =	dma.local [spmem:s21], $0x2800  }
0x18a: {  	_ =	swait.ge [sflag:s18], $0x2800  }
0x18b: {  	s20 =	sadd.s32 $0x1, s20;
	s25 =	rddreg [dreg:$0x7]  }
0x18c: {  	p0 =	sne.s32 s20, s25  }
.Ltmp2:
0x18d: {  	_ = 	snop;
	(pc) =	sbr.rel @p0 .LBB2_1-.Ltmp2, $3  }
0x18e: {  	_ =	sdelay $0x1  }
0x18f: {  	[sflag:s18] =	ssyncset.done $0x0  }
0x190: {  	[sflag:s18] =	ssyncadd.s32 $0xFFFFD800  }
0x191: {  	_ =	sfence.sel $0x180000  }
0x192: {  	[bflag:$0x0] =	sbarrier.arrive $0xFFFF  }
0x193: {  	_ =	strace $0x9000004D  }
0x194: {  	s0 =	stileid.u32;
	[bflag:$0x2] =	sbarrier.arrive $0xFFFF  }
0x195: {  	p0 =	sne.s32 s0, $0x0;
	s0 =	rddreg [dreg:$0x2]  }
0x196: {  	s0 =	sadd.s32 @!p0 $0x100000, s0  }
0x197: {  	[sflag:s0] =	ssyncadd.tile.s32 @!p0 $0x1;
	_ =	shalt  }
.Lfunc_end2:
_tile_overlayer_lowered:
.L_overlay_start_2:
0x198: {  	(tag) =	ssettag $0x2  }
0x199: {  	s0 =	rddreg [dreg:$0x0];
	s2 =	stileid.u32  }
0x19a: {  	s1 =	rddreg [dreg:$0x1];
	p0 =	sne.s32 s2, $0x0  }
0x19b: {  	s3 =	rddreg [dreg:$0x2];
	[bflag:$0x3] =	sbarrier.arrive $0xFFFF;
	s2 =	simm.s32 @!p0 $0x1C07  }
0x19c: {  	[timem:s3], [sflag:s2] =	dma.local @!p0 [hbm:s0], s1  }
0x19d: {  	s0 =	simm.s32 @!p0 $0x7  }
0x19e: {  	_ =	swait.ge @!p0 [sflag:s0], s1  }
0x19f: {  	s1 =	ssub.s32 @!p0 $0x0, s1;
	[sflag:s0] =	ssyncset.done @!p0 $0x0  }
0x1a0: {  	[sflag:s0] =	ssyncadd.s32 @!p0 s1  }
0x1a1: {  	[bflag:$0x3] =	sbarrier.arrive $0xFFFF  }
0x1a2: {  	_ =	shalt  }

// kernel: kernel.8.cloned.1.call-start
scs
__scs_entry_jumppad:
0x0: {  	(pc) =	sbr.rel $0x88, $3  }
0x1: {  	(tag) =	ssettag $0x0;
	lr =	simm.s32 $0x1  }
0x2: {  	[smem:$0x3F94] =	sst lr;
	_ =	strace $0xD0000000  }
0x3: {  	_ = 	snop  }
0x4: {  	_ = 	snop  }
0x5: {  	_ = 	snop  }
0x6: {  	_ = 	snop  }
0x7: {  	_ = 	snop  }
__scs_overlays_trampoline_lowered:
0x8: {  	[smem:$0x3FA3] =	sst s0  }
0x9: {  	[smem:$0x3FA4] =	sst s1  }
0xa: {  	[smem:$0x3FA5] =	sst s2  }
0xb: {  	[smem:$0x3FA6] =	sst s3  }
0xc: {  	[smem:$0x3FA7] =	sst s4  }
0xd: {  	[smem:$0x3FA8] =	sst s5  }
0xe: {  	[smem:$0x3FA9] =	sst s6  }
0xf: {  	[smem:$0x3FAA] =	sst s7  }
0x10: {  	[smem:$0x3FAB] =	sst s8  }
0x11: {  	[smem:$0x3FAC] =	sst s9;
	s0 =	simm.s32 @!p0 $0x0  }
0x12: {  	s1 =	sld [smem:$0x3F92];
	s0 =	simm.s32 @p0 $0x1  }
0x13: {  	[smem:$0x3FAD] =	sst s0;
	s0 =	simm.s32 @!p1 $0x0  }
0x14: {  	s2 =	sld [smem:$0x3F91];
	s0 =	simm.s32 @p1 $0x1  }
0x15: {  	[smem:$0x3FAE] =	sst s0;
	s0 =	simm.s32 @!p2 $0x0  }
0x16: {  	s3 =	sld [smem:$0x3FDB];
	s0 =	simm.s32 @p2 $0x1  }
0x17: {  	s4 =	simm.s32 $0x1BF5;
	[smem:$0x3FB0] =	sst s0  }
0x18: {  	s0 =	sld [smem:$0x3F93];
	_ =	swait.ge [sflag:s4], $0x0  }
0x19: {  	s7 =	sld [smem:$0x3F94]  }
0x1a: {  	s8 =	sadd.s32 $0xFFFFE003, lr  }
0x1b: {  	s9 =	sadd.s32 $0xFFFFFEF7, lr;
	s5 =	simm.s32 $0xFFFFFFFF;
	p2 =	slt.u32 s8, $0xFFFFF086  }
0x1c: {  	p1 =	slt.u32 s9, $0xF7A;
	s5 =	simm.s32 @!p2 $0x0  }
0x1d: {  	s5 =	simm.s32 @p1 $0x1;
	p0 =	seq.s32 s7, s2  }
0x1e: {  	s7 =	smul.u32 @!p0 $0xF7A, s2;
	p2 =	seq.s32 @!p0 s5, $0x0  }
0x1f: {  	s9 =	smul.u32 $0xF7A, s1;
	s8 =	simm.s32 @!p0 $0x1BF5;
	p2 =	por !p2, p0  }
0x20: {  	[sflag:s8] =	ssyncset.s32 @!p0 $0xFFFFF086;
	s6 =	sadd.s32 @!p0 s3, s7;
	s7 =	simm.s32 @!p0 $0x108  }
0x21: {  	s3 =	sadd.s32 s3, s9;
	s6 =	sadd.s32 @!p0 $0x88, s6;
	s7 =	simm.s32 @p2 $0x1082  }
0x22: {  	[simem:s7], [sflag:s8] =	dma.local @!p0 [hbm:s6], $0xF7A  }
0x23: {  	s9 =	sor.u32 $0xD0000000, s2;
	s6 =	simm.s32 $0x108;
	_ =	swait.ge @!p0 [sflag:s8], $0x0  }
0x24: {  	s3 =	sadd.s32 $0x88, s3;
	s6 =	simm.s32 @!p1 $0x1082;
	[sflag:s4] =	ssyncset.s32 $0xFFFFF086  }
0x25: {  	[simem:s6], [sflag:s4] =	dma.local [hbm:s3], $0xF7A  }
0x26: {  	[smem:$0x3F94] =	sst s1;
	(tag) =	ssettag s2;
	_ =	strace s9  }
0x27: {  	s1 =	sld [smem:$0x3FA4]  }
0x28: {  	s2 =	sld [smem:$0x3FA5]  }
0x29: {  	s4 =	sld [smem:$0x3FA7]  }
0x2a: {  	p0 =	seq.s32 s5, $0x0;
	s5 =	sld [smem:$0x3FA8]  }
0x2b: {  	s6 =	sld [smem:$0x3FA9]  }
0x2c: {  	s7 =	sld [smem:$0x3FAA]  }
0x2d: {  	s3 =	simm.s32 $0x108;
	s8 =	sld [smem:$0x3FAB]  }
0x2e: {  	s3 =	simm.s32 @!p0 $0x1082;
	s9 =	sld [smem:$0x3FAC]  }
0x2f: {  	lr =	sadd.s32 s0, s3;
	s0 =	sld [smem:$0x3FA3]  }
0x30: {  	s3 =	sld [smem:$0x3FA6]  }
0x31: {  	[smem:$0x3FAF] =	sst s10  }
0x32: {  	s10 =	sld [smem:$0x3FAD];
	_ =	sdelay $0x3  }
0x33: {  	p0 =	seq.s32 s10, $0x1;
	s10 =	sld [smem:$0x3FAF];
	_ =	sdelay $0x3  }
0x34: {  	[smem:$0x3FAF] =	sst s10  }
0x35: {  	s10 =	sld [smem:$0x3FAE];
	_ =	sdelay $0x3  }
0x36: {  	p1 =	seq.s32 s10, $0x1;
	s10 =	sld [smem:$0x3FAF];
	_ =	sdelay $0x3  }
0x37: {  	[smem:$0x3FAF] =	sst s10  }
0x38: {  	s10 =	sld [smem:$0x3FB0]  }
0x39: {  	_ = 	snop;
	(pc) =	sbr.ind lr, $3  }
0x3a: {  	_ = 	snop  }
0x3b: {  	_ = 	snop  }
0x3c: {  	p2 =	seq.s32 s10, $0x1;
	s10 =	sld [smem:$0x3FAF]  }
0x3d: {  	_ =	shalt  }
0x3e: {  	_ =	shalt  }
0x3f: {  	_ =	shalt  }
0x40: {  	_ =	shalt  }
0x41: {  	_ =	shalt  }
0x42: {  	_ =	shalt  }
0x43: {  	_ =	shalt  }
0x44: {  	_ =	shalt  }
0x45: {  	_ =	shalt  }
0x46: {  	_ =	shalt  }
0x47: {  	_ =	shalt  }
0x48: {  	_ =	shalt  }
0x49: {  	_ =	shalt  }
0x4a: {  	_ =	shalt  }
0x4b: {  	_ =	shalt  }
0x4c: {  	_ =	shalt  }
0x4d: {  	_ =	shalt  }
0x4e: {  	_ =	shalt  }
0x4f: {  	_ =	shalt  }
0x50: {  	_ =	shalt  }
0x51: {  	_ =	shalt  }
0x52: {  	_ =	shalt  }
0x53: {  	_ =	shalt  }
0x54: {  	_ =	shalt  }
0x55: {  	_ =	shalt  }
0x56: {  	_ =	shalt  }
0x57: {  	_ =	shalt  }
0x58: {  	_ =	shalt  }
0x59: {  	_ =	shalt  }
0x5a: {  	_ =	shalt  }
0x5b: {  	_ =	shalt  }
0x5c: {  	_ =	shalt  }
0x5d: {  	_ =	shalt  }
0x5e: {  	_ =	shalt  }
0x5f: {  	_ =	shalt  }
0x60: {  	_ =	shalt  }
0x61: {  	_ =	shalt  }
0x62: {  	_ =	shalt  }
0x63: {  	_ =	shalt  }
0x64: {  	_ =	shalt  }
0x65: {  	_ =	shalt  }
0x66: {  	_ =	shalt  }
0x67: {  	_ =	shalt  }
0x68: {  	_ =	shalt  }
0x69: {  	_ =	shalt  }
0x6a: {  	_ =	shalt  }
0x6b: {  	_ =	shalt  }
0x6c: {  	_ =	shalt  }
0x6d: {  	_ =	shalt  }
0x6e: {  	_ =	shalt  }
0x6f: {  	_ =	shalt  }
0x70: {  	_ =	shalt  }
0x71: {  	_ =	shalt  }
0x72: {  	_ =	shalt  }
0x73: {  	_ =	shalt  }
0x74: {  	_ =	shalt  }
0x75: {  	_ =	shalt  }
0x76: {  	_ =	shalt  }
0x77: {  	_ =	shalt  }
0x78: {  	_ =	shalt  }
0x79: {  	_ =	shalt  }
0x7a: {  	_ =	shalt  }
0x7b: {  	_ =	shalt  }
0x7c: {  	_ =	shalt  }
0x7d: {  	_ =	shalt  }
0x7e: {  	_ =	shalt  }
0x7f: {  	_ =	shalt  }
0x80: {  	_ =	shalt  }
0x81: {  	_ =	shalt  }
0x82: {  	_ =	shalt  }
0x83: {  	_ =	shalt  }
0x84: {  	_ =	shalt  }
0x85: {  	_ =	shalt  }
0x86: {  	_ =	shalt  }
0x87: {  	_ =	shalt  }
.Lfunc_end0:
.L_simem_size_0:
called_computation_lowered:
.L_overlay_start_0:
0x88: {  	s2 =	sld [smem:$0x3FD9]  }
0x89: {  	s3 =	sld [smem:$0x3FFE];
	_ =	sdelay $0x1  }
0x8a: {  	s1 =	srdreg.scid  }
0x8b: {  	s0 =	sand.u32 $0x1, s1  }
0x8c: {  	s16 =	sshll.u32 s0, $0xA;
	s2 =	sadd.s32 s3, s2  }
0x8d: {  	s2 =	sadd.s32 s2, s16  }
0x8e: {  	[smem:$0x3FBB] =	sst s2  }
0x8f: {  	_ = 	snop  }
0x90: {  	(tm) =	ssettm $0x1  }
0x91: {  	s17 =	sld [smem:$0x3FFB];
	_ =	sdelay $0x3  }
0x92: {  	_ =	strace s17  }
0x93: {  	s2 =	sld [smem:$0x3FFC];
	_ =	sdelay $0x3  }
0x94: {  	_ =	strace s2  }
0x95: {  	s2 =	sld [smem:$0x3FFD];
	_ =	sdelay $0x3  }
0x96: {  	_ =	strace s2  }
0x97: {  	_ =	strace $0x8FFFFFFF  }
0x98: {  	s18 =	sld [smem:$0x3FDB];
	_ =	sdelay $0x1  }
0x99: {  	s19 =	simm.s32 $_scs_section_size  }
0x9a: {  	s4 =	simm.s32 $_size__tile_overlayer_lowered;
	s5 =	simm.s32 $_tile_overlayer_lowered  }
0x9b: {  	s22 =	simm.s32 $0x1BFF;
	s21 =	sshll.u32 s5, $0x1;
	s2 =	sadd.s32 s19, s18  }
0x9c: {  	s6 =	simm.s32 $0x0;
	s20 =	sshll.u32 s4, $0x1;
	s4 =	sadd.s32 s21, s2  }
0x9d: {  	[timem:s6], [sflag:s22] =	dma.local [hbm:s4], s20  }
0x9e: {  	_ =	swait.ge [sflag:s22], s20  }
0x9f: {  	s3 =	ssub.s32 $0x0, s20;
	[sflag:s22] =	ssyncset.done $0x0  }
0xa0: {  	[sflag:s22] =	ssyncadd.s32 s3;
	_ =	sdelay $0x1  }
0xa1: {  	s23 =	simm.s32 $0x1B8B  }
0xa2: {  	_ =	swait.ge [sflag:s23], $0x1  }
0xa3: {  	[sflag:s23] =	ssyncset.done $0x0  }
0xa4: {  	s25 =	simm.s32 $0x1B8E;
	s24 =	sld [smem:$0x3FFE];
	[sflag:s23] =	ssyncadd.s32 $0xFFFFFFFF  }
0xa5: {  	s26 =	simm.s32 $execute0_lowered;
	[smem:$0x3FD2] =	sst s25  }
0xa6: {  	s4 =	sshll.u32 s26, $0x1;
	_ =	strace $0x80000046;
	[dreg:$0x1] =	wrdreg $0xFFFFFFFF  }
0xa7: {  	s28 =	simm.s32 $_size_execute0_lowered;
	s2 =	sadd.s32 s2, s4;
	[dreg:$0x0] =	wrdreg $0x0  }
0xa8: {  	s4 =	sshll.u32 s28, $0x1;
	[dreg:$0x2] =	wrdreg s2  }
0xa9: {  	[dreg:$0x3] =	wrdreg s4  }
0xaa: {  	[dreg:$0x4] =	wrdreg $0xC0  }
0xab: {  	_ =	task [dreg:s6], $0x5FFFF  }
0xac: {  	[dreg:$0x1] =	wrdreg $0xFFFFFFFF  }
0xad: {  	[dreg:$0x0] =	wrdreg $0x60  }
0xae: {  	[dreg:$0x2] =	wrdreg s24  }
0xaf: {  	[dreg:$0x3] =	wrdreg $0x9  }
0xb0: {  	_ =	task.clear_ibuf [dreg:s6], $0x4FFFF;
	_ =	strace $0x90000046  }
0xb1: {  	s29 =	simm.s32 $0x9;
	_ =	strace $0x80000048  }
0xb2: {  	_ =	swait.ge [sflag:s29], $0x1  }
0xb3: {  	[sflag:s29] =	ssyncadd.s32 $0xFFFFFFFF  }
0xb4: {  	_ =	strace $0x90000048  }
0xb5: {  	_ =	sfence  }
0xb6: {  	s30 =	sld [smem:$0x0];
	_ =	sdelay $0x2  }
0xb7: {  	s31 =	sshll.u32 s1, $0xD;
	s1 =	sshrl.u32 s1, $0x2  }
0xb8: {  	s3 =	sand.u32 $0x4000, s31;
	s1 =	sadd.s32 s1, s30  }
0xb9: {  	s0 =	sor.u32 s3, s0;
	s1 =	sshll.u32 s1, $0x11  }
0xba: {  	s0 =	sor.u32 s1, s0  }
0xbb: {  	s0 =	sadd.s32 $0x8F2B, s0  }
0xbc: {  	[sflag:s0] =	ssyncadd.remote.s32 $0x1  }
0xbd: {  	_ =	sfence.sel $0xFFFF  }
0xbe: {  	[dreg:$0x0] =	wrdreg $0xFFFFFFFF;
	(pc) =	sbr.abs _section_cstart, $3  }
0xbf: {  	[dreg:$0x1] =	wrdreg $0xFFFFFFFF  }
0xc0: {  	_ =	task.clear_ibuf [dreg:s6], $0x2FFFF;
	_ =	strace $0x9FFFFFFF  }
0xc1: {  	(tm) =	ssettm $0x7FFFFFFF  }
tec
execute0_lowered:
.L_overlay_start_1:
0x0: {  	(tag) =	ssettag $0x1  }
0x1: {  	s1 =	srdreg.scid;
	s0 =	stileid.u32  }
0x2: {  	s4 =	sand.u32 $0x1, s1;
	s2 =	sshll.u32 s0, $0x1  }
0x3: {  	s3 =	rddreg [dreg:$0x0];
	s5 =	sor.u32 s4, s2  }
0x4: {  	s7 =	simm.s32 $0x2780;
	s8 =	simm.s32 $0x0;
	s5 =	smul.u32 $0x4E2, s5  }
0x5: {  	s1 =	rddreg [dreg:$0x1];
	s2 =	simm.s32 $0x0;
	s4 =	ssub.s32 $0x2, s4  }
0x6: {  	[smem:$0x7FF] =	sst s2;
	s6 =	sshrl.u32 s4, $0x1;
	s5 =	sadd.s32 s5, s3  }
0x7: {  	_ =	strace $0x80000047;
	s6 =	ssub.s32 s4, s6;
	s3 =	sadd.s32 $0xC200, s5  }
0x8: {  	v0 =	vimm.f32 $0.0e+00;
	v1 =	vimm.f32 $1.000000000e+00;
	s4 =	sadd.s32 $0x16000, s5;
	s5 =	smax.u32 s6, $0x1;
	s6 =	simm.s32 $0x1  }
.LBB2_1:
0x9: {  	s9 =	simm.s32 $0x27C0  }
0xa: {  	[tilespmem:s9+$0xFFFFFFC0] =	vst v0  }
0xb: {  	[tilespmem:s9+$0x30] =	vst v0  }
0xc: {  	[tilespmem:s9+$0x20] =	vst v0  }
0xd: {  	[tilespmem:s9+$0x10] =	vst v0  }
0xe: {  	[tilespmem:s9+$0x0] =	vst v0  }
0xf: {  	[tilespmem:s9+$0xFFFFFFF0] =	vst v0  }
0x10: {  	s10 =	simm.s32 $0x0;
	[tilespmem:s9+$0xFFFFFFE0] =	vst v0  }
.LBB2_2:
0x11: {  	s10 =	sadd.s32 $0x8, s10;
	[tilespmem:s9+$0xFFFFFFD0] =	vst v0;
	s9 =	sadd.s32 $0x80, s9  }
0x12: {  	[tilespmem:s9+$0xFFFFFFC0] =	vst v0;
	p0 =	slt.u32 s10, $0x268  }
0x13: {  	[tilespmem:s9+$0x30] =	vst v0  }
.Ltmp0:
0x14: {  	[tilespmem:s9+$0x20] =	vst v0;
	(pc) =	sbr.rel @p0 .LBB2_2-.Ltmp0, $4  }
0x15: {  	[tilespmem:s9+$0x10] =	vst v0  }
0x16: {  	[tilespmem:s9+$0x0] =	vst v0  }
0x17: {  	[tilespmem:s9+$0xFFFFFFF0] =	vst v0  }
0x18: {  	[tilespmem:s9+$0xFFFFFFE0] =	vst v0  }
0x19: {  	[tilespmem:s9+$0xFFFFFFD0] =	vst v0  }
0x1a: {  	[tilespmem:$0x4E80] =	vst v0  }
0x1b: {  	[tilespmem:s2], [sflag:$0x1] =	stream.linear.gather [hbm4b:s3+s2], $0x2710, $0x38;
	[tilespmem:$0x4F00] =	vst v63  }
0x1c: {  	_ =	swait.ge [sflag:s6], $0x2710  }
0x1d: {  	[sflag:s6] =	ssyncset.done $0x0  }
0x1e: {  	s9 =	simm.s32 $0xFFFFFFF8;
	s10 =	simm.s32 $0x40;
	[sflag:s6] =	ssyncadd.s32 $0xFFFFD8F0  }
.LBB2_4:
0x1f: {  	v2 =	vld [tilespmem:s10+$0xFFFFFFC0];
	_ =	sdelay $0x7  }
0x20: {  	[tilespmem:v2+s7+$0x0] =	vst.idx.add.f32.msk $0xffff, v1  }
0x21: {  	v2 =	vld [tilespmem:s10+$0xFFFFFFD0];
	_ =	sdelay $0x7  }
0x22: {  	[tilespmem:v2+s7+$0x0] =	vst.idx.add.f32.msk $0xffff, v1  }
0x23: {  	v2 =	vld [tilespmem:s10+$0xFFFFFFE0];
	_ =	sdelay $0x7  }
0x24: {  	[tilespmem:v2+s7+$0x0] =	vst.idx.add.f32.msk $0xffff, v1  }
0x25: {  	v2 =	vld [tilespmem:s10+$0xFFFFFFF0];
	_ =	sdelay $0x7  }
0x26: {  	[tilespmem:v2+s7+$0x0] =	vst.idx.add.f32.msk $0xffff, v1  }
0x27: {  	v2 =	vld [tilespmem:s10+$0x0];
	_ =	sdelay $0x7  }
0x28: {  	[tilespmem:v2+s7+$0x0] =	vst.idx.add.f32.msk $0xffff, v1  }
0x29: {  	v2 =	vld [tilespmem:s10+$0x10];
	_ =	sdelay $0x7  }
0x2a: {  	[tilespmem:v2+s7+$0x0] =	vst.idx.add.f32.msk $0xffff, v1  }
0x2b: {  	v2 =	vld [tilespmem:s10+$0x20];
	_ =	sdelay $0x7  }
0x2c: {  	[tilespmem:v2+s7+$0x0] =	vst.idx.add.f32.msk $0xffff, v1  }
0x2d: {  	v2 =	vld [tilespmem:s10+$0x30];
	_ =	sdelay $0x1  }
0x2e: {  	s9 =	sadd.s32 $0x8, s9  }
0x2f: {  	p0 =	slt.u32 s9, $0x268  }
.Ltmp1:
0x30: {  	_ = 	snop;
	(pc) =	sbr.rel @p0 .LBB2_4-.Ltmp1, $2  }
0x31: {  	_ =	sdelay $0x2  }
0x32: {  	s10 =	sadd.s32 $0x80, s10;
	[tilespmem:v2+s7+$0x0] =	vst.idx.add.f32.msk $0xffff, v1  }
0x33: {  	v2 =	vld [tilespmem:$0x2700];
	_ =	sdelay $0x5  }
0x34: {  	s8 =	sadd.s32 $0x1, s8  }
0x35: {  	p0 =	sne.s32 s8, s5  }
.Ltmp2:
0x36: {  	[tilespmem:v2+s7+$0x0] =	vst.idx.add.f32.msk $0xffff, v1;
	(pc) =	sbr.rel @p0 .LBB2_1-.Ltmp2, $4  }
0x37: {  	[hbm4b:s4+s2] =	stream.linear.scatter [tilespmem:s7], [sflag:$0x1], $0x2710, $0x38;
	[tilespmem:$0x4F00] =	vst v63  }
0x38: {  	_ =	swait.ge [sflag:s6], $0x2710  }
0x39: {  	[sflag:s6] =	ssyncset.done $0x0  }
0x3a: {  	[sflag:s6] =	ssyncadd.s32 $0xFFFFD8F0  }
0x3b: {  	_ =	sfence.sel $0x180000  }
0x3c: {  	[bflag:$0x0] =	sbarrier.arrive $0xFFFF  }
0x3d: {  	p0 =	sne.s32 s0, $0x0;
	_ =	strace $0x90000047  }
0x3e: {  	s0 =	sadd.s32 @!p0 $0x100000, s1;
	[bflag:$0x2] =	sbarrier.arrive $0xFFFF  }
0x3f: {  	[sflag:s0] =	ssyncadd.tile.s32 @!p0 $0x1;
	_ =	shalt  }
.Lfunc_end2:
_tile_overlayer_lowered:
.L_overlay_start_2:
0x40: {  	(tag) =	ssettag $0x2  }
0x41: {  	s0 =	rddreg [dreg:$0x0];
	s2 =	stileid.u32  }
0x42: {  	s1 =	rddreg [dreg:$0x1];
	p0 =	sne.s32 s2, $0x0  }
0x43: {  	s3 =	rddreg [dreg:$0x2];
	[bflag:$0x3] =	sbarrier.arrive $0xFFFF;
	s2 =	simm.s32 @!p0 $0x1C01  }
0x44: {  	[timem:s3], [sflag:s2] =	dma.local @!p0 [hbm:s0], s1  }
0x45: {  	s0 =	simm.s32 @!p0 $0x1  }
0x46: {  	_ =	swait.ge @!p0 [sflag:s0], s1  }
0x47: {  	s1 =	ssub.s32 @!p0 $0x0, s1;
	[sflag:s0] =	ssyncset.done @!p0 $0x0  }
0x48: {  	[sflag:s0] =	ssyncadd.s32 @!p0 s1  }
0x49: {  	[bflag:$0x3] =	sbarrier.arrive $0xFFFF  }
0x4a: {  	_ =	shalt  }

</sc_bundles>
